<compile_context>
chip_gen: v7x
topology: tpu7x:2x2x1
jax: 0.10.2.dev20260603
libtpu: 0.0.44.dev20260713+nightly
codegen_flags: <defaults>
</compile_context>

<pallas_src>
import functools
import jax
import jax.numpy as jnp
from jax import lax
from jax.experimental import pallas as pl
from jax.experimental.pallas import tpu as pltpu
from jax.experimental.pallas import tpu_sc as plsc

N_NODES = 10000
N_PAD = 10240
N_EDGES = 320000
D = 128
NC = 2
NS = 16
NW = NC * NS
G = 128
GPT = 80
E_PAD = NW * GPT * G
NBUF = 2
ROWS_PER_TILE = N_PAD // NS

_MESH = plsc.VectorSubcoreMesh(core_axis_name="c", subcore_axis_name="s")


def _deg_body(dst_hbm, out_hbm, idx_v, ones_v, zvec_v, deg_sp, sem):
    c = lax.axis_index("c")
    s = lax.axis_index("s")
    wid = s * NC + c
    g0 = wid * GPT
    for j in range(G // 16):
        ones_v[pl.ds(j * 16, 16)] = jnp.ones((16,), jnp.float32)

    def zfill(i, carry):
        zvec_v[pl.ds(i * 16, 16)] = jnp.zeros((16,), jnp.float32)
        return carry

    lax.fori_loop(0, ROWS_PER_TILE // 16, zfill, 0)
    pltpu.sync_copy(dst_hbm.at[pl.ds(g0, GPT)], idx_v)
    pltpu.sync_copy(zvec_v, deg_sp.at[pl.ds(s * ROWS_PER_TILE, ROWS_PER_TILE)])
    plsc.subcore_barrier()

    def body(t, carry):
        for b in range(16):
            j = t * 16 + b
            pltpu.async_copy(ones_v, deg_sp.at[idx_v.at[j]], sem, add=True)
        for b in range(16):
            j = t * 16 + b
            pltpu.make_async_copy(ones_v, deg_sp.at[idx_v.at[j]], sem).wait()
        return carry

    lax.fori_loop(0, GPT // 16, body, 0)
    plsc.subcore_barrier()
    pltpu.sync_copy(deg_sp.at[pl.ds(s * ROWS_PER_TILE, ROWS_PER_TILE)],
                    out_hbm.at[c, pl.ds(s * ROWS_PER_TILE, ROWS_PER_TILE)])


_deg_call = functools.partial(
    pl.kernel,
    out_type=jax.ShapeDtypeStruct((NC, N_PAD), jnp.float32),
    mesh=_MESH,
    scratch_types=[
        pltpu.VMEM((GPT, G), jnp.int32),
        pltpu.VMEM((G,), jnp.float32),
        pltpu.VMEM((ROWS_PER_TILE,), jnp.float32),
        pltpu.VMEM_SHARED((N_PAD,), jnp.float32),
        pltpu.SemaphoreType.DMA,
    ],
)(_deg_body)


_HALF = GPT // 2


def _prop_body(y_hbm, src_hbm, dst_hbm, out_hbm,
               sidx_v, didx_v, msgs, gsems, acc_sp):
    c = lax.axis_index("c")
    s = lax.axis_index("s")
    wid = s * NC + c
    g0 = wid * GPT

    def zfill(i, carry):
        for k in range(D // 16):
            msgs[0][i, pl.ds(k * 16, 16)] = jnp.zeros((16,), jnp.float32)
        return carry

    lax.fori_loop(0, G, zfill, 0)
    for r in range(ROWS_PER_TILE // G):
        pltpu.sync_copy(msgs[0],
                        acc_sp.at[pl.ds(s * ROWS_PER_TILE + r * G, G)])
    plsc.subcore_barrier()

    def start_gather(j, b):
        pltpu.async_copy(y_hbm.at[sidx_v.at[j]], msgs[b], gsems[b])

    def wait_gather(j, b):
        pltpu.make_async_copy(y_hbm.at[sidx_v.at[j]], msgs[b], gsems[b]).wait()

    pltpu.sync_copy(src_hbm.at[pl.ds(g0, GPT)], sidx_v)
    for h in range(2):
        pltpu.sync_copy(dst_hbm.at[pl.ds(g0 + h * _HALF, _HALF)], didx_v)
        for b in range(NBUF):
            start_gather(h * _HALF + b, b)

        def body(t, carry):
            for b in range(NBUF):
                j = t * NBUF + b
                wait_gather(h * _HALF + j, b)
                pltpu.sync_copy(msgs[b], acc_sp.at[didx_v.at[j]], add=True)

                @pl.when(j + NBUF < _HALF)
                def _():
                    start_gather(h * _HALF + j + NBUF, b)
            return carry

        lax.fori_loop(0, _HALF // NBUF, body, 0)

    plsc.subcore_barrier()
    pltpu.sync_copy(acc_sp.at[pl.ds(s * ROWS_PER_TILE, ROWS_PER_TILE)],
                    out_hbm.at[c, pl.ds(s * ROWS_PER_TILE, ROWS_PER_TILE)])


_prop_call = functools.partial(
    pl.kernel,
    out_type=jax.ShapeDtypeStruct((NC, N_PAD, D), jnp.float32),
    mesh=_MESH,
    scratch_types=[
        pltpu.VMEM((GPT, G), jnp.int32),
        pltpu.VMEM((_HALF, G), jnp.int32),
        [pltpu.VMEM((G, D), jnp.float32) for _ in range(NBUF)],
        [pltpu.SemaphoreType.DMA for _ in range(NBUF)],
        pltpu.VMEM_SHARED((N_PAD, D), jnp.float32),
    ],
)(_prop_body)


_BLK = 5120
_GRID = N_PAD // _BLK

_row_spec = pl.BlockSpec((_BLK, D), lambda i: (i, 0))
_col_spec = pl.BlockSpec((_BLK, 1), lambda i: (i, 0))
_w_spec = pl.BlockSpec((D, D), lambda i: (0, 0))
_b_spec = pl.BlockSpec((1, D), lambda i: (0, 0))


def _mm1_body(p0_ref, p1_ref, x_ref, w_ref, dinv_ref, y_ref):
    deg = p0_ref[...] + p1_ref[...] + 1.0
    dinv = lax.rsqrt(deg)
    dinv_ref[...] = dinv
    y_ref[...] = jnp.dot(x_ref[...], w_ref[...],
                         preferred_element_type=jnp.float32) * dinv


def _mm1_call(p0, p1, x, w):
    return pl.pallas_call(
        _mm1_body,
        grid=(_GRID,),
        in_specs=[_col_spec, _col_spec, _row_spec, _w_spec],
        out_specs=[_col_spec, _row_spec],
        out_shape=[
            jax.ShapeDtypeStruct((N_PAD, 1), jnp.float32),
            jax.ShapeDtypeStruct((N_PAD, D), jnp.float32),
        ],
    )(p0, p1, x, w)


def _mm2_body(a0_ref, a1_ref, y1_ref, dinv_ref, b_ref, w_ref, y2_ref):
    dinv = dinv_ref[...]
    h = (a0_ref[...] + a1_ref[...] + y1_ref[...]) * dinv + b_ref[...]
    h = jnp.maximum(h, 0.0)
    y2_ref[...] = jnp.dot(h, w_ref[...],
                          preferred_element_type=jnp.float32) * dinv


def _mm2_call(a0, a1, y1, dinv, b, w):
    return pl.pallas_call(
        _mm2_body,
        grid=(_GRID,),
        in_specs=[_row_spec, _row_spec, _row_spec, _col_spec, _b_spec, _w_spec],
        out_specs=_row_spec,
        out_shape=jax.ShapeDtypeStruct((N_PAD, D), jnp.float32),
    )(a0, a1, y1, dinv, b, w)


def _fin_body(a0_ref, a1_ref, y2_ref, dinv_ref, b_ref, out_ref):
    out_ref[...] = ((a0_ref[...] + a1_ref[...] + y2_ref[...]) * dinv_ref[...]
                    + b_ref[...])


_FBLK = 1000
_fin_row_spec = pl.BlockSpec((_FBLK, D), lambda i: (i, 0))
_fin_col_spec = pl.BlockSpec((_FBLK, 1), lambda i: (i, 0))


def _fin_call(a0, a1, y2, dinv, b):
    return pl.pallas_call(
        _fin_body,
        grid=(N_NODES // _FBLK,),
        in_specs=[_fin_row_spec, _fin_row_spec, _fin_row_spec,
                  _fin_col_spec, _b_spec],
        out_specs=_fin_row_spec,
        out_shape=jax.ShapeDtypeStruct((N_NODES, D), jnp.float32),
    )(a0, a1, y2, dinv, b)


@jax.jit
def _run(x, src2d, dst2d, W1, b1, W2, b2):
    b1r = b1.reshape(1, D)
    b2r = b2.reshape(1, D)

    degp = _deg_call(dst2d)
    p0 = degp[0].reshape(N_PAD, 1)
    p1 = degp[1].reshape(N_PAD, 1)
    dinv, y1 = _mm1_call(p0, p1, x, W1)

    acc1 = _prop_call(y1, src2d, dst2d)
    y2 = _mm2_call(acc1[0], acc1[1], y1, dinv, b1r, W2)

    acc2 = _prop_call(y2, src2d, dst2d)
    return _fin_call(acc2[0], acc2[1], y2, dinv, b2r)


def kernel(x, edge_index, W1, b1, W2, b2):
    src = edge_index[0].astype(jnp.int32)
    dst = edge_index[1].astype(jnp.int32)
    pad = N_NODES + (jnp.arange(E_PAD - N_EDGES, dtype=jnp.int32)
                     % (N_PAD - N_NODES))
    src2d = jnp.concatenate([src, pad]).reshape(-1, G)
    dst2d = jnp.concatenate([dst, pad]).reshape(-1, G)
    return _run(x, src2d, dst2d, W1, b1, W2, b2)

# --- scband reference (transcript-rebuilt; emitter-appended) ---
"""Pipeline reference for scband-gnn-57372173140422 (READ-ONLY COPY).

The authoritative reference and input builder live on the scoring server;
editing this copy changes nothing except your own understanding.
"""

import jax, jax.numpy as jnp
import numpy as np

N_NODES = 10000
N_EDGES = 320000
D_IN = 128
D_HID = 128
D_OUT = 128


def setup_inputs(seed: int = 0) -> dict:
    key = jax.random.key(seed)
    k1, k2, k3, k4 = jax.random.split(key, 4)
    x = jax.random.normal(k1, (N_NODES, D_IN), dtype=jnp.float32)
    edge_index = jax.random.randint(k2, (2, N_EDGES), 0, N_NODES, dtype=jnp.int64)
    W1 = jax.random.normal(k3, (D_IN, D_HID), dtype=jnp.float32) * (1.0 / np.sqrt(D_IN))
    b1 = jnp.zeros((D_HID,), dtype=jnp.float32)
    W2 = jax.random.normal(k4, (D_HID, D_OUT), dtype=jnp.float32) * (1.0 / np.sqrt(D_HID))
    b2 = jnp.zeros((D_OUT,), dtype=jnp.float32)
    return {"x": x, "edge_index": edge_index, "W1": W1, "b1": b1, "W2": W2, "b2": b2}


def _gcn_conv(x, edge_index, W, b):
    # GCNConv (PyG semantics): add self-loops, symmetric degree normalization,
    # then propagate: out = D^{-1/2} (A + I) D^{-1/2} X W + b
    num_nodes = x.shape[0]
    loop = jnp.arange(num_nodes, dtype=edge_index.dtype)
    src = jnp.concatenate([edge_index[0], loop])
    dst = jnp.concatenate([edge_index[1], loop])
    # degree computed on destination nodes with unit edge weights (incl. self-loops)
    deg = jnp.zeros((num_nodes,), dtype=x.dtype).at[dst].add(1.0)
    deg_inv_sqrt = jnp.where(deg > 0, 1.0 / jnp.sqrt(deg), 0.0)
    norm = deg_inv_sqrt[src] * deg_inv_sqrt[dst]
    xw = x @ W
    msg = xw[src] * norm[:, None]
    out = jnp.zeros((num_nodes, W.shape[1]), dtype=x.dtype).at[dst].add(msg)
    return out + b


def reference(x, edge_index, W1, b1, W2, b2):
    h = jax.nn.relu(_gcn_conv(x, edge_index, W1, b1))
    out = _gcn_conv(h, edge_index, W2, b2)
    return out

if __name__ == "__main__":
    import jax
    _d = setup_inputs()
    print(jax.jit(kernel)(*tuple(_d.values())))

</pallas_src>

<mosaic_0001>
#map = affine_map<(d0, d1) -> (0, 0)>
module attributes {stable_mosaic.version = 14 : i64} {
  func.func @_deg_body(%arg0: i32, %arg1: i32, %arg2: memref<2560x128xi32, #tpu.memory_space<hbm>>, %arg3: memref<2x10240xf32, #tpu.memory_space<hbm>>, %arg4: memref<80x128xi32, #tpu.memory_space<vmem>>, %arg5: memref<128xf32, #tpu.memory_space<vmem>>, %arg6: memref<640xf32, #tpu.memory_space<vmem>>, %arg7: memref<10240xf32, #tpu.memory_space<vmem_shared>>, %arg8: memref<!tpu.dma_semaphore, #tpu.memory_space<semaphore_mem>>) attributes {dimension_semantics = [#tpu.dimension_semantics<core_parallel>, #tpu.dimension_semantics<subcore_parallel>], iteration_bounds = array<i64: 2, 16>, scalar_prefetch = 0 : i64, scratch_operands = 5 : i64, tpu.core_type = #tpu.core_type<sc_vector_subcore>, window_params = [{transform_indices = #map}, {transform_indices = #map}]} {
    %mul3A = arith.constant 2 : i32
    %mul3A_0 = arith.muli %arg1, %mul3A : i32
    %add3A = arith.addi %mul3A_0, %arg0 : i32
    %mul3A_1 = arith.constant 80 : i32
    %mul3A_2 = arith.muli %add3A, %mul3A_1 : i32
    %broadcast_in_dim3A = arith.constant 1.000000e+00 : f32
    %broadcast_in_dim3A_3 = vector.broadcast %broadcast_in_dim3A : f32 to vector<16xf32>
    %swap3A = arith.constant 0 : index
    %swap3A_4 = tpu.vector_load %arg5[%swap3A] {strides = array<i32>} : memref<128xf32, #tpu.memory_space<vmem>>, vector<16xf32>,
    %swap3A_5 = vector.shape_cast %swap3A_4 : vector<16xf32> to vector<16xf32>
    %swap3A_6 = vector.shape_cast %broadcast_in_dim3A_3 : vector<16xf32> to vector<16xf32>
    tpu.vector_store %arg5[%swap3A], %swap3A_6 {strides = array<i32>} : memref<128xf32, #tpu.memory_space<vmem>>, vector<16xf32>,
    %broadcast_in_dim3A_7 = arith.constant 1.000000e+00 : f32
    %broadcast_in_dim3A_8 = vector.broadcast %broadcast_in_dim3A_7 : f32 to vector<16xf32>
    %swap3A_9 = arith.constant 16 : index
    %swap3A_10 = tpu.vector_load %arg5[%swap3A_9] {strides = array<i32>} : memref<128xf32, #tpu.memory_space<vmem>>, vector<16xf32>,
    %swap3A_11 = vector.shape_cast %swap3A_10 : vector<16xf32> to vector<16xf32>
    %swap3A_12 = vector.shape_cast %broadcast_in_dim3A_8 : vector<16xf32> to vector<16xf32>
    tpu.vector_store %arg5[%swap3A_9], %swap3A_12 {strides = array<i32>} : memref<128xf32, #tpu.memory_space<vmem>>, vector<16xf32>,
    %broadcast_in_dim3A_13 = arith.constant 1.000000e+00 : f32
    %broadcast_in_dim3A_14 = vector.broadcast %broadcast_in_dim3A_13 : f32 to vector<16xf32>
    %swap3A_15 = arith.constant 32 : index
    %swap3A_16 = tpu.vector_load %arg5[%swap3A_15] {strides = array<i32>} : memref<128xf32, #tpu.memory_space<vmem>>, vector<16xf32>,
    %swap3A_17 = vector.shape_cast %swap3A_16 : vector<16xf32> to vector<16xf32>
    %swap3A_18 = vector.shape_cast %broadcast_in_dim3A_14 : vector<16xf32> to vector<16xf32>
    tpu.vector_store %arg5[%swap3A_15], %swap3A_18 {strides = array<i32>} : memref<128xf32, #tpu.memory_space<vmem>>, vector<16xf32>,
    %broadcast_in_dim3A_19 = arith.constant 1.000000e+00 : f32
    %broadcast_in_dim3A_20 = vector.broadcast %broadcast_in_dim3A_19 : f32 to vector<16xf32>
    %swap3A_21 = arith.constant 48 : index
    %swap3A_22 = tpu.vector_load %arg5[%swap3A_21] {strides = array<i32>} : memref<128xf32, #tpu.memory_space<vmem>>, vector<16xf32>,
    %swap3A_23 = vector.shape_cast %swap3A_22 : vector<16xf32> to vector<16xf32>
    %swap3A_24 = vector.shape_cast %broadcast_in_dim3A_20 : vector<16xf32> to vector<16xf32>
    tpu.vector_store %arg5[%swap3A_21], %swap3A_24 {strides = array<i32>} : memref<128xf32, #tpu.memory_space<vmem>>, vector<16xf32>,
    %broadcast_in_dim3A_25 = arith.constant 1.000000e+00 : f32
    %broadcast_in_dim3A_26 = vector.broadcast %broadcast_in_dim3A_25 : f32 to vector<16xf32>
    %swap3A_27 = arith.constant 64 : index
    %swap3A_28 = tpu.vector_load %arg5[%swap3A_27] {strides = array<i32>} : memref<128xf32, #tpu.memory_space<vmem>>, vector<16xf32>,
    %swap3A_29 = vector.shape_cast %swap3A_28 : vector<16xf32> to vector<16xf32>
    %swap3A_30 = vector.shape_cast %broadcast_in_dim3A_26 : vector<16xf32> to vector<16xf32>
    tpu.vector_store %arg5[%swap3A_27], %swap3A_30 {strides = array<i32>} : memref<128xf32, #tpu.memory_space<vmem>>, vector<16xf32>,
    %broadcast_in_dim3A_31 = arith.constant 1.000000e+00 : f32
    %broadcast_in_dim3A_32 = vector.broadcast %broadcast_in_dim3A_31 : f32 to vector<16xf32>
    %swap3A_33 = arith.constant 80 : index
    %swap3A_34 = tpu.vector_load %arg5[%swap3A_33] {strides = array<i32>} : memref<128xf32, #tpu.memory_space<vmem>>, vector<16xf32>,
    %swap3A_35 = vector.shape_cast %swap3A_34 : vector<16xf32> to vector<16xf32>
    %swap3A_36 = vector.shape_cast %broadcast_in_dim3A_32 : vector<16xf32> to vector<16xf32>
    tpu.vector_store %arg5[%swap3A_33], %swap3A_36 {strides = array<i32>} : memref<128xf32, #tpu.memory_space<vmem>>, vector<16xf32>,
    %broadcast_in_dim3A_37 = arith.constant 1.000000e+00 : f32
    %broadcast_in_dim3A_38 = vector.broadcast %broadcast_in_dim3A_37 : f32 to vector<16xf32>
    %swap3A_39 = arith.constant 96 : index
    %swap3A_40 = tpu.vector_load %arg5[%swap3A_39] {strides = array<i32>} : memref<128xf32, #tpu.memory_space<vmem>>, vector<16xf32>,
    %swap3A_41 = vector.shape_cast %swap3A_40 : vector<16xf32> to vector<16xf32>
    %swap3A_42 = vector.shape_cast %broadcast_in_dim3A_38 : vector<16xf32> to vector<16xf32>
    tpu.vector_store %arg5[%swap3A_39], %swap3A_42 {strides = array<i32>} : memref<128xf32, #tpu.memory_space<vmem>>, vector<16xf32>,
    %broadcast_in_dim3A_43 = arith.constant 1.000000e+00 : f32
    %broadcast_in_dim3A_44 = vector.broadcast %broadcast_in_dim3A_43 : f32 to vector<16xf32>
    %swap3A_45 = arith.constant 112 : index
    %swap3A_46 = tpu.vector_load %arg5[%swap3A_45] {strides = array<i32>} : memref<128xf32, #tpu.memory_space<vmem>>, vector<16xf32>,
    %swap3A_47 = vector.shape_cast %swap3A_46 : vector<16xf32> to vector<16xf32>
    %swap3A_48 = vector.shape_cast %broadcast_in_dim3A_44 : vector<16xf32> to vector<16xf32>
    tpu.vector_store %arg5[%swap3A_45], %swap3A_48 {strides = array<i32>} : memref<128xf32, #tpu.memory_space<vmem>>, vector<16xf32>,
    %scan3A = arith.constant 0 : i32
    %scan3A_49 = arith.constant 0 : i32
    %scan3A_50 = arith.constant 40 : i32
    %scan3A_51 = arith.addi %scan3A_49, %scan3A_50 : i32
    %scan3A_52 = arith.constant 1 : i32
    scf.for %scan3A_67 = %scan3A_49 to %scan3A_51 step %scan3A_52  : i32 {
      %broadcast_in_dim3A_68 = arith.constant 0.000000e+00 : f32
      %broadcast_in_dim3A_69 = vector.broadcast %broadcast_in_dim3A_68 : f32 to vector<16xf32>
      %mul3A_70 = arith.constant 16 : i32
      %mul3A_71 = arith.muli %scan3A_67, %mul3A_70 : i32
      %swap3A_72 = arith.index_cast %mul3A_71 : i32 to index
      %swap3A_73 = tpu.vector_load %arg6[%swap3A_72] {strides = array<i32>} : memref<640xf32, #tpu.memory_space<vmem>>, vector<16xf32>,
      %swap3A_74 = vector.shape_cast %swap3A_73 : vector<16xf32> to vector<16xf32>
      %swap3A_75 = vector.shape_cast %broadcast_in_dim3A_69 : vector<16xf32> to vector<16xf32>
      tpu.vector_store %arg6[%swap3A_72], %swap3A_75 {strides = array<i32>} : memref<640xf32, #tpu.memory_space<vmem>>, vector<16xf32>,
    }
    %scan3A_53 = arith.constant 40 : i32
    "tpu.region"() ({
      %run_scoped3A = tpu.sem_alloc : memref<!tpu.dma_semaphore, #tpu.memory_space<semaphore_mem>>
      %dma_start3A = arith.constant 0 : i32
      %dma_start3A_67 = tpu.memref_slice %arg2[%mul3A_2, %dma_start3A] : memref<2560x128xi32, #tpu.memory_space<hbm>> -> memref<80x128xi32, #tpu.memory_space<hbm>>
      %dma_start3A_68 = arith.constant 0 : i32
      %dma_start3A_69 = tpu.memref_slice %arg2[%mul3A_2, %dma_start3A_68] : memref<2560x128xi32, #tpu.memory_space<hbm>> -> memref<80x128xi32, #tpu.memory_space<hbm>>
      tpu.enqueue_dma source(%dma_start3A_69 : memref<80x128xi32, #tpu.memory_space<hbm>>) target(%arg4 : memref<80x128xi32, #tpu.memory_space<vmem>>) target_semaphore(%run_scoped3A : memref<!tpu.dma_semaphore, #tpu.memory_space<semaphore_mem>>)
      %dma_wait3A = arith.constant 0 : i32
      %dma_wait3A_70 = tpu.memref_slice %arg2[%mul3A_2, %dma_wait3A] : memref<2560x128xi32, #tpu.memory_space<hbm>> -> memref<80x128xi32, #tpu.memory_space<hbm>>
      %dma_wait3A_71 = arith.constant 0 : i32
      %dma_wait3A_72 = tpu.memref_slice %arg2[%mul3A_2, %dma_wait3A_71] : memref<2560x128xi32, #tpu.memory_space<hbm>> -> memref<80x128xi32, #tpu.memory_space<hbm>>
      tpu.wait_dma2 semaphore(%run_scoped3A : memref<!tpu.dma_semaphore, #tpu.memory_space<semaphore_mem>>) src(%dma_wait3A_72 : memref<80x128xi32, #tpu.memory_space<hbm>>) dst(%arg4 : memref<80x128xi32, #tpu.memory_space<vmem>>)
      tpu.yield
    }) : () -> ()
    %mul3A_54 = arith.constant 640 : i32
    %mul3A_55 = arith.muli %arg1, %mul3A_54 : i32
    "tpu.region"() ({
      %run_scoped3A = tpu.sem_alloc : memref<!tpu.dma_semaphore, #tpu.memory_space<semaphore_mem>>
      %dma_start3A = tpu.memref_slice %arg7[%mul3A_55] : memref<10240xf32, #tpu.memory_space<vmem_shared>> -> memref<640xf32, #tpu.memory_space<vmem_shared>>
      %dma_start3A_67 = tpu.memref_slice %arg7[%mul3A_55] : memref<10240xf32, #tpu.memory_space<vmem_shared>> -> memref<640xf32, #tpu.memory_space<vmem_shared>>
      tpu.enqueue_dma source(%arg6 : memref<640xf32, #tpu.memory_space<vmem>>) target(%dma_start3A_67 : memref<640xf32, #tpu.memory_space<vmem_shared>>) target_semaphore(%run_scoped3A : memref<!tpu.dma_semaphore, #tpu.memory_space<semaphore_mem>>)
      %dma_wait3A = tpu.memref_slice %arg7[%mul3A_55] : memref<10240xf32, #tpu.memory_space<vmem_shared>> -> memref<640xf32, #tpu.memory_space<vmem_shared>>
      %dma_wait3A_68 = tpu.memref_slice %arg7[%mul3A_55] : memref<10240xf32, #tpu.memory_space<vmem_shared>> -> memref<640xf32, #tpu.memory_space<vmem_shared>>
      tpu.wait_dma2 semaphore(%run_scoped3A : memref<!tpu.dma_semaphore, #tpu.memory_space<semaphore_mem>>) src(%arg6 : memref<640xf32, #tpu.memory_space<vmem>>) dst(%dma_wait3A_68 : memref<640xf32, #tpu.memory_space<vmem_shared>>)
      tpu.yield
    }) : () -> ()
    %barrier3A = arith.constant 0 : index
    tpu.barrier barrier_id(%barrier3A)
    %scan3A_56 = arith.constant 0 : i32
    %scan3A_57 = arith.constant 0 : i32
    %scan3A_58 = arith.constant 5 : i32
    %scan3A_59 = arith.addi %scan3A_57, %scan3A_58 : i32
    %scan3A_60 = arith.constant 1 : i32
    scf.for %scan3A_67 = %scan3A_57 to %scan3A_59 step %scan3A_60  : i32 {
      %mul3A_68 = arith.constant 16 : i32
      %mul3A_69 = arith.muli %scan3A_67, %mul3A_68 : i32
      %add3A_70 = arith.constant 0 : i32
      %add3A_71 = arith.addi %mul3A_69, %add3A_70 : i32
      %dma_start3A = arith.constant 0 : i32
      %dma_start3A_72 = tpu.memref_slice %arg4[%add3A_71, %dma_start3A] : memref<80x128xi32, #tpu.memory_space<vmem>> -> memref<1x128xi32, #tpu.memory_space<vmem>>
      %dma_start3A_73 = tpu.memref_squeeze %dma_start3A_72 : memref<1x128xi32, #tpu.memory_space<vmem>> -> memref<128xi32, #tpu.memory_space<vmem>>
      %dma_start3A_74 = arith.constant 0 : i32
      %dma_start3A_75 = tpu.memref_slice %arg7[%dma_start3A_74] : memref<10240xf32, #tpu.memory_space<vmem_shared>> -> memref<10240xf32, #tpu.memory_space<vmem_shared>>
      tpu.enqueue_indirect_dma source(%arg5 : memref<128xf32, #tpu.memory_space<vmem>>) target(%dma_start3A_75 : memref<10240xf32, #tpu.memory_space<vmem_shared>>) offsets(%dma_start3A_73 : memref<128xi32, #tpu.memory_space<vmem>>) semaphore(%arg8 : memref<!tpu.dma_semaphore, #tpu.memory_space<semaphore_mem>>) {add = true}
      %mul3A_76 = arith.constant 16 : i32
      %mul3A_77 = arith.muli %scan3A_67, %mul3A_76 : i32
      %add3A_78 = arith.constant 1 : i32
      %add3A_79 = arith.addi %mul3A_77, %add3A_78 : i32
      %dma_start3A_80 = arith.constant 0 : i32
      %dma_start3A_81 = tpu.memref_slice %arg4[%add3A_79, %dma_start3A_80] : memref<80x128xi32, #tpu.memory_space<vmem>> -> memref<1x128xi32, #tpu.memory_space<vmem>>
      %dma_start3A_82 = tpu.memref_squeeze %dma_start3A_81 : memref<1x128xi32, #tpu.memory_space<vmem>> -> memref<128xi32, #tpu.memory_space<vmem>>
      %dma_start3A_83 = arith.constant 0 : i32
      %dma_start3A_84 = tpu.memref_slice %arg7[%dma_start3A_83] : memref<10240xf32, #tpu.memory_space<vmem_shared>> -> memref<10240xf32, #tpu.memory_space<vmem_shared>>
      tpu.enqueue_indirect_dma source(%arg5 : memref<128xf32, #tpu.memory_space<vmem>>) target(%dma_start3A_84 : memref<10240xf32, #tpu.memory_space<vmem_shared>>) offsets(%dma_start3A_82 : memref<128xi32, #tpu.memory_space<vmem>>) semaphore(%arg8 : memref<!tpu.dma_semaphore, #tpu.memory_space<semaphore_mem>>) {add = true}
      %mul3A_85 = arith.constant 16 : i32
      %mul3A_86 = arith.muli %scan3A_67, %mul3A_85 : i32
      %add3A_87 = arith.constant 2 : i32
      %add3A_88 = arith.addi %mul3A_86, %add3A_87 : i32
      %dma_start3A_89 = arith.constant 0 : i32
      %dma_start3A_90 = tpu.memref_slice %arg4[%add3A_88, %dma_start3A_89] : memref<80x128xi32, #tpu.memory_space<vmem>> -> memref<1x128xi32, #tpu.memory_space<vmem>>
      %dma_start3A_91 = tpu.memref_squeeze %dma_start3A_90 : memref<1x128xi32, #tpu.memory_space<vmem>> -> memref<128xi32, #tpu.memory_space<vmem>>
      %dma_start3A_92 = arith.constant 0 : i32
      %dma_start3A_93 = tpu.memref_slice %arg7[%dma_start3A_92] : memref<10240xf32, #tpu.memory_space<vmem_shared>> -> memref<10240xf32, #tpu.memory_space<vmem_shared>>
      tpu.enqueue_indirect_dma source(%arg5 : memref<128xf32, #tpu.memory_space<vmem>>) target(%dma_start3A_93 : memref<10240xf32, #tpu.memory_space<vmem_shared>>) offsets(%dma_start3A_91 : memref<128xi32, #tpu.memory_space<vmem>>) semaphore(%arg8 : memref<!tpu.dma_semaphore, #tpu.memory_space<semaphore_mem>>) {add = true}
      %mul3A_94 = arith.constant 16 : i32
      %mul3A_95 = arith.muli %scan3A_67, %mul3A_94 : i32
      %add3A_96 = arith.constant 3 : i32
      %add3A_97 = arith.addi %mul3A_95, %add3A_96 : i32
      %dma_start3A_98 = arith.constant 0 : i32
      %dma_start3A_99 = tpu.memref_slice %arg4[%add3A_97, %dma_start3A_98] : memref<80x128xi32, #tpu.memory_space<vmem>> -> memref<1x128xi32, #tpu.memory_space<vmem>>
      %dma_start3A_100 = tpu.memref_squeeze %dma_start3A_99 : memref<1x128xi32, #tpu.memory_space<vmem>> -> memref<128xi32, #tpu.memory_space<vmem>>
      %dma_start3A_101 = arith.constant 0 : i32
      %dma_start3A_102 = tpu.memref_slice %arg7[%dma_start3A_101] : memref<10240xf32, #tpu.memory_space<vmem_shared>> -> memref<10240xf32, #tpu.memory_space<vmem_shared>>
      tpu.enqueue_indirect_dma source(%arg5 : memref<128xf32, #tpu.memory_space<vmem>>) target(%dma_start3A_102 : memref<10240xf32, #tpu.memory_space<vmem_shared>>) offsets(%dma_start3A_100 : memref<128xi32, #tpu.memory_space<vmem>>) semaphore(%arg8 : memref<!tpu.dma_semaphore, #tpu.memory_space<semaphore_mem>>) {add = true}
      %mul3A_103 = arith.constant 16 : i32
      %mul3A_104 = arith.muli %scan3A_67, %mul3A_103 : i32
      %add3A_105 = arith.constant 4 : i32
      %add3A_106 = arith.addi %mul3A_104, %add3A_105 : i32
      %dma_start3A_107 = arith.constant 0 : i32
      %dma_start3A_108 = tpu.memref_slice %arg4[%add3A_106, %dma_start3A_107] : memref<80x128xi32, #tpu.memory_space<vmem>> -> memref<1x128xi32, #tpu.memory_space<vmem>>
      %dma_start3A_109 = tpu.memref_squeeze %dma_start3A_108 : memref<1x128xi32, #tpu.memory_space<vmem>> -> memref<128xi32, #tpu.memory_space<vmem>>
      %dma_start3A_110 = arith.constant 0 : i32
      %dma_start3A_111 = tpu.memref_slice %arg7[%dma_start3A_110] : memref<10240xf32, #tpu.memory_space<vmem_shared>> -> memref<10240xf32, #tpu.memory_space<vmem_shared>>
      tpu.enqueue_indirect_dma source(%arg5 : memref<128xf32, #tpu.memory_space<vmem>>) target(%dma_start3A_111 : memref<10240xf32, #tpu.memory_space<vmem_shared>>) offsets(%dma_start3A_109 : memref<128xi32, #tpu.memory_space<vmem>>) semaphore(%arg8 : memref<!tpu.dma_semaphore, #tpu.memory_space<semaphore_mem>>) {add = true}
      %mul3A_112 = arith.constant 16 : i32
      %mul3A_113 = arith.muli %scan3A_67, %mul3A_112 : i32
      %add3A_114 = arith.constant 5 : i32
      %add3A_115 = arith.addi %mul3A_113, %add3A_114 : i32
      %dma_start3A_116 = arith.constant 0 : i32
      %dma_start3A_117 = tpu.memref_slice %arg4[%add3A_115, %dma_start3A_116] : memref<80x128xi32, #tpu.memory_space<vmem>> -> memref<1x128xi32, #tpu.memory_space<vmem>>
      %dma_start3A_118 = tpu.memref_squeeze %dma_start3A_117 : memref<1x128xi32, #tpu.memory_space<vmem>> -> memref<128xi32, #tpu.memory_space<vmem>>
      %dma_start3A_119 = arith.constant 0 : i32
      %dma_start3A_120 = tpu.memref_slice %arg7[%dma_start3A_119] : memref<10240xf32, #tpu.memory_space<vmem_shared>> -> memref<10240xf32, #tpu.memory_space<vmem_shared>>
      tpu.enqueue_indirect_dma source(%arg5 : memref<128xf32, #tpu.memory_space<vmem>>) target(%dma_start3A_120 : memref<10240xf32, #tpu.memory_space<vmem_shared>>) offsets(%dma_start3A_118 : memref<128xi32, #tpu.memory_space<vmem>>) semaphore(%arg8 : memref<!tpu.dma_semaphore, #tpu.memory_space<semaphore_mem>>) {add = true}
      %mul3A_121 = arith.constant 16 : i32
      %mul3A_122 = arith.muli %scan3A_67, %mul3A_121 : i32
      %add3A_123 = arith.constant 6 : i32
      %add3A_124 = arith.addi %mul3A_122, %add3A_123 : i32
      %dma_start3A_125 = arith.constant 0 : i32
      %dma_start3A_126 = tpu.memref_slice %arg4[%add3A_124, %dma_start3A_125] : memref<80x128xi32, #tpu.memory_space<vmem>> -> memref<1x128xi32, #tpu.memory_space<vmem>>
      %dma_start3A_127 = tpu.memref_squeeze %dma_start3A_126 : memref<1x128xi32, #tpu.memory_space<vmem>> -> memref<128xi32, #tpu.memory_space<vmem>>
      %dma_start3A_128 = arith.constant 0 : i32
      %dma_start3A_129 = tpu.memref_slice %arg7[%dma_start3A_128] : memref<10240xf32, #tpu.memory_space<vmem_shared>> -> memref<10240xf32, #tpu.memory_space<vmem_shared>>
      tpu.enqueue_indirect_dma source(%arg5 : memref<128xf32, #tpu.memory_space<vmem>>) target(%dma_start3A_129 : memref<10240xf32, #tpu.memory_space<vmem_shared>>) offsets(%dma_start3A_127 : memref<128xi32, #tpu.memory_space<vmem>>) semaphore(%arg8 : memref<!tpu.dma_semaphore, #tpu.memory_space<semaphore_mem>>) {add = true}
      %mul3A_130 = arith.constant 16 : i32
      %mul3A_131 = arith.muli %scan3A_67, %mul3A_130 : i32
      %add3A_132 = arith.constant 7 : i32
      %add3A_133 = arith.addi %mul3A_131, %add3A_132 : i32
      %dma_start3A_134 = arith.constant 0 : i32
      %dma_start3A_135 = tpu.memref_slice %arg4[%add3A_133, %dma_start3A_134] : memref<80x128xi32, #tpu.memory_space<vmem>> -> memref<1x128xi32, #tpu.memory_space<vmem>>
      %dma_start3A_136 = tpu.memref_squeeze %dma_start3A_135 : memref<1x128xi32, #tpu.memory_space<vmem>> -> memref<128xi32, #tpu.memory_space<vmem>>
      %dma_start3A_137 = arith.constant 0 : i32
      %dma_start3A_138 = tpu.memref_slice %arg7[%dma_start3A_137] : memref<10240xf32, #tpu.memory_space<vmem_shared>> -> memref<10240xf32, #tpu.memory_space<vmem_shared>>
      tpu.enqueue_indirect_dma source(%arg5 : memref<128xf32, #tpu.memory_space<vmem>>) target(%dma_start3A_138 : memref<10240xf32, #tpu.memory_space<vmem_shared>>) offsets(%dma_start3A_136 : memref<128xi32, #tpu.memory_space<vmem>>) semaphore(%arg8 : memref<!tpu.dma_semaphore, #tpu.memory_space<semaphore_mem>>) {add = true}
      %mul3A_139 = arith.constant 16 : i32
      %mul3A_140 = arith.muli %scan3A_67, %mul3A_139 : i32
      %add3A_141 = arith.constant 8 : i32
      %add3A_142 = arith.addi %mul3A_140, %add3A_141 : i32
      %dma_start3A_143 = arith.constant 0 : i32
      %dma_start3A_144 = tpu.memref_slice %arg4[%add3A_142, %dma_start3A_143] : memref<80x128xi32, #tpu.memory_space<vmem>> -> memref<1x128xi32, #tpu.memory_space<vmem>>
      %dma_start3A_145 = tpu.memref_squeeze %dma_start3A_144 : memref<1x128xi32, #tpu.memory_space<vmem>> -> memref<128xi32, #tpu.memory_space<vmem>>
      %dma_start3A_146 = arith.constant 0 : i32
      %dma_start3A_147 = tpu.memref_slice %arg7[%dma_start3A_146] : memref<10240xf32, #tpu.memory_space<vmem_shared>> -> memref<10240xf32, #tpu.memory_space<vmem_shared>>
      tpu.enqueue_indirect_dma source(%arg5 : memref<128xf32, #tpu.memory_space<vmem>>) target(%dma_start3A_147 : memref<10240xf32, #tpu.memory_space<vmem_shared>>) offsets(%dma_start3A_145 : memref<128xi32, #tpu.memory_space<vmem>>) semaphore(%arg8 : memref<!tpu.dma_semaphore, #tpu.memory_space<semaphore_mem>>) {add = true}
      %mul3A_148 = arith.constant 16 : i32
      %mul3A_149 = arith.muli %scan3A_67, %mul3A_148 : i32
      %add3A_150 = arith.constant 9 : i32
      %add3A_151 = arith.addi %mul3A_149, %add3A_150 : i32
      %dma_start3A_152 = arith.constant 0 : i32
      %dma_start3A_153 = tpu.memref_slice %arg4[%add3A_151, %dma_start3A_152] : memref<80x128xi32, #tpu.memory_space<vmem>> -> memref<1x128xi32, #tpu.memory_space<vmem>>
      %dma_start3A_154 = tpu.memref_squeeze %dma_start3A_153 : memref<1x128xi32, #tpu.memory_space<vmem>> -> memref<128xi32, #tpu.memory_space<vmem>>
      %dma_start3A_155 = arith.constant 0 : i32
      %dma_start3A_156 = tpu.memref_slice %arg7[%dma_start3A_155] : memref<10240xf32, #tpu.memory_space<vmem_shared>> -> memref<10240xf32, #tpu.memory_space<vmem_shared>>
      tpu.enqueue_indirect_dma source(%arg5 : memref<128xf32, #tpu.memory_space<vmem>>) target(%dma_start3A_156 : memref<10240xf32, #tpu.memory_space<vmem_shared>>) offsets(%dma_start3A_154 : memref<128xi32, #tpu.memory_space<vmem>>) semaphore(%arg8 : memref<!tpu.dma_semaphore, #tpu.memory_space<semaphore_mem>>) {add = true}
      %mul3A_157 = arith.constant 16 : i32
      %mul3A_158 = arith.muli %scan3A_67, %mul3A_157 : i32
      %add3A_159 = arith.constant 10 : i32
      %add3A_160 = arith.addi %mul3A_158, %add3A_159 : i32
      %dma_start3A_161 = arith.constant 0 : i32
      %dma_start3A_162 = tpu.memref_slice %arg4[%add3A_160, %dma_start3A_161] : memref<80x128xi32, #tpu.memory_space<vmem>> -> memref<1x128xi32, #tpu.memory_space<vmem>>
      %dma_start3A_163 = tpu.memref_squeeze %dma_start3A_162 : memref<1x128xi32, #tpu.memory_space<vmem>> -> memref<128xi32, #tpu.memory_space<vmem>>
      %dma_start3A_164 = arith.constant 0 : i32
      %dma_start3A_165 = tpu.memref_slice %arg7[%dma_start3A_164] : memref<10240xf32, #tpu.memory_space<vmem_shared>> -> memref<10240xf32, #tpu.memory_space<vmem_shared>>
      tpu.enqueue_indirect_dma source(%arg5 : memref<128xf32, #tpu.memory_space<vmem>>) target(%dma_start3A_165 : memref<10240xf32, #tpu.memory_space<vmem_shared>>) offsets(%dma_start3A_163 : memref<128xi32, #tpu.memory_space<vmem>>) semaphore(%arg8 : memref<!tpu.dma_semaphore, #tpu.memory_space<semaphore_mem>>) {add = true}
      %mul3A_166 = arith.constant 16 : i32
      %mul3A_167 = arith.muli %scan3A_67, %mul3A_166 : i32
      %add3A_168 = arith.constant 11 : i32
      %add3A_169 = arith.addi %mul3A_167, %add3A_168 : i32
      %dma_start3A_170 = arith.constant 0 : i32
      %dma_start3A_171 = tpu.memref_slice %arg4[%add3A_169, %dma_start3A_170] : memref<80x128xi32, #tpu.memory_space<vmem>> -> memref<1x128xi32, #tpu.memory_space<vmem>>
      %dma_start3A_172 = tpu.memref_squeeze %dma_start3A_171 : memref<1x128xi32, #tpu.memory_space<vmem>> -> memref<128xi32, #tpu.memory_space<vmem>>
      %dma_start3A_173 = arith.constant 0 : i32
      %dma_start3A_174 = tpu.memref_slice %arg7[%dma_start3A_173] : memref<10240xf32, #tpu.memory_space<vmem_shared>> -> memref<10240xf32, #tpu.memory_space<vmem_shared>>
      tpu.enqueue_indirect_dma source(%arg5 : memref<128xf32, #tpu.memory_space<vmem>>) target(%dma_start3A_174 : memref<10240xf32, #tpu.memory_space<vmem_shared>>) offsets(%dma_start3A_172 : memref<128xi32, #tpu.memory_space<vmem>>) semaphore(%arg8 : memref<!tpu.dma_semaphore, #tpu.memory_space<semaphore_mem>>) {add = true}
      %mul3A_175 = arith.constant 16 : i32
      %mul3A_176 = arith.muli %scan3A_67, %mul3A_175 : i32
      %add3A_177 = arith.constant 12 : i32
      %add3A_178 = arith.addi %mul3A_176, %add3A_177 : i32
      %dma_start3A_179 = arith.constant 0 : i32
      %dma_start3A_180 = tpu.memref_slice %arg4[%add3A_178, %dma_start3A_179] : memref<80x128xi32, #tpu.memory_space<vmem>> -> memref<1x128xi32, #tpu.memory_space<vmem>>
      %dma_start3A_181 = tpu.memref_squeeze %dma_start3A_180 : memref<1x128xi32, #tpu.memory_space<vmem>> -> memref<128xi32, #tpu.memory_space<vmem>>
      %dma_start3A_182 = arith.constant 0 : i32
      %dma_start3A_183 = tpu.memref_slice %arg7[%dma_start3A_182] : memref<10240xf32, #tpu.memory_space<vmem_shared>> -> memref<10240xf32, #tpu.memory_space<vmem_shared>>
      tpu.enqueue_indirect_dma source(%arg5 : memref<128xf32, #tpu.memory_space<vmem>>) target(%dma_start3A_183 : memref<10240xf32, #tpu.memory_space<vmem_shared>>) offsets(%dma_start3A_181 : memref<128xi32, #tpu.memory_space<vmem>>) semaphore(%arg8 : memref<!tpu.dma_semaphore, #tpu.memory_space<semaphore_mem>>) {add = true}
      %mul3A_184 = arith.constant 16 : i32
      %mul3A_185 = arith.muli %scan3A_67, %mul3A_184 : i32
      %add3A_186 = arith.constant 13 : i32
      %add3A_187 = arith.addi %mul3A_185, %add3A_186 : i32
      %dma_start3A_188 = arith.constant 0 : i32
      %dma_start3A_189 = tpu.memref_slice %arg4[%add3A_187, %dma_start3A_188] : memref<80x128xi32, #tpu.memory_space<vmem>> -> memref<1x128xi32, #tpu.memory_space<vmem>>
      %dma_start3A_190 = tpu.memref_squeeze %dma_start3A_189 : memref<1x128xi32, #tpu.memory_space<vmem>> -> memref<128xi32, #tpu.memory_space<vmem>>
      %dma_start3A_191 = arith.constant 0 : i32
      %dma_start3A_192 = tpu.memref_slice %arg7[%dma_start3A_191] : memref<10240xf32, #tpu.memory_space<vmem_shared>> -> memref<10240xf32, #tpu.memory_space<vmem_shared>>
      tpu.enqueue_indirect_dma source(%arg5 : memref<128xf32, #tpu.memory_space<vmem>>) target(%dma_start3A_192 : memref<10240xf32, #tpu.memory_space<vmem_shared>>) offsets(%dma_start3A_190 : memref<128xi32, #tpu.memory_space<vmem>>) semaphore(%arg8 : memref<!tpu.dma_semaphore, #tpu.memory_space<semaphore_mem>>) {add = true}
      %mul3A_193 = arith.constant 16 : i32
      %mul3A_194 = arith.muli %scan3A_67, %mul3A_193 : i32
      %add3A_195 = arith.constant 14 : i32
      %add3A_196 = arith.addi %mul3A_194, %add3A_195 : i32
      %dma_start3A_197 = arith.constant 0 : i32
      %dma_start3A_198 = tpu.memref_slice %arg4[%add3A_196, %dma_start3A_197] : memref<80x128xi32, #tpu.memory_space<vmem>> -> memref<1x128xi32, #tpu.memory_space<vmem>>
      %dma_start3A_199 = tpu.memref_squeeze %dma_start3A_198 : memref<1x128xi32, #tpu.memory_space<vmem>> -> memref<128xi32, #tpu.memory_space<vmem>>
      %dma_start3A_200 = arith.constant 0 : i32
      %dma_start3A_201 = tpu.memref_slice %arg7[%dma_start3A_200] : memref<10240xf32, #tpu.memory_space<vmem_shared>> -> memref<10240xf32, #tpu.memory_space<vmem_shared>>
      tpu.enqueue_indirect_dma source(%arg5 : memref<128xf32, #tpu.memory_space<vmem>>) target(%dma_start3A_201 : memref<10240xf32, #tpu.memory_space<vmem_shared>>) offsets(%dma_start3A_199 : memref<128xi32, #tpu.memory_space<vmem>>) semaphore(%arg8 : memref<!tpu.dma_semaphore, #tpu.memory_space<semaphore_mem>>) {add = true}
      %mul3A_202 = arith.constant 16 : i32
      %mul3A_203 = arith.muli %scan3A_67, %mul3A_202 : i32
      %add3A_204 = arith.constant 15 : i32
      %add3A_205 = arith.addi %mul3A_203, %add3A_204 : i32
      %dma_start3A_206 = arith.constant 0 : i32
      %dma_start3A_207 = tpu.memref_slice %arg4[%add3A_205, %dma_start3A_206] : memref<80x128xi32, #tpu.memory_space<vmem>> -> memref<1x128xi32, #tpu.memory_space<vmem>>
      %dma_start3A_208 = tpu.memref_squeeze %dma_start3A_207 : memref<1x128xi32, #tpu.memory_space<vmem>> -> memref<128xi32, #tpu.memory_space<vmem>>
      %dma_start3A_209 = arith.constant 0 : i32
      %dma_start3A_210 = tpu.memref_slice %arg7[%dma_start3A_209] : memref<10240xf32, #tpu.memory_space<vmem_shared>> -> memref<10240xf32, #tpu.memory_space<vmem_shared>>
      tpu.enqueue_indirect_dma source(%arg5 : memref<128xf32, #tpu.memory_space<vmem>>) target(%dma_start3A_210 : memref<10240xf32, #tpu.memory_space<vmem_shared>>) offsets(%dma_start3A_208 : memref<128xi32, #tpu.memory_space<vmem>>) semaphore(%arg8 : memref<!tpu.dma_semaphore, #tpu.memory_space<semaphore_mem>>) {add = true}
      %mul3A_211 = arith.constant 16 : i32
      %mul3A_212 = arith.muli %scan3A_67, %mul3A_211 : i32
      %add3A_213 = arith.constant 0 : i32
      %add3A_214 = arith.addi %mul3A_212, %add3A_213 : i32
      %dma_wait3A = arith.constant 0 : i32
      %dma_wait3A_215 = tpu.memref_slice %arg4[%add3A_214, %dma_wait3A] : memref<80x128xi32, #tpu.memory_space<vmem>> -> memref<1x128xi32, #tpu.memory_space<vmem>>
      %dma_wait3A_216 = tpu.memref_squeeze %dma_wait3A_215 : memref<1x128xi32, #tpu.memory_space<vmem>> -> memref<128xi32, #tpu.memory_space<vmem>>
      %dma_wait3A_217 = arith.constant 0 : i32
      %dma_wait3A_218 = tpu.memref_slice %arg7[%dma_wait3A_217] : memref<10240xf32, #tpu.memory_space<vmem_shared>> -> memref<10240xf32, #tpu.memory_space<vmem_shared>>
      tpu.wait_indirect_dma semaphore(%arg8 : memref<!tpu.dma_semaphore, #tpu.memory_space<semaphore_mem>>) src(%arg5 : memref<128xf32, #tpu.memory_space<vmem>>) dst(%dma_wait3A_218 : memref<10240xf32, #tpu.memory_space<vmem_shared>>)
      %mul3A_219 = arith.constant 16 : i32
      %mul3A_220 = arith.muli %scan3A_67, %mul3A_219 : i32
      %add3A_221 = arith.constant 1 : i32
      %add3A_222 = arith.addi %mul3A_220, %add3A_221 : i32
      %dma_wait3A_223 = arith.constant 0 : i32
      %dma_wait3A_224 = tpu.memref_slice %arg4[%add3A_222, %dma_wait3A_223] : memref<80x128xi32, #tpu.memory_space<vmem>> -> memref<1x128xi32, #tpu.memory_space<vmem>>
      %dma_wait3A_225 = tpu.memref_squeeze %dma_wait3A_224 : memref<1x128xi32, #tpu.memory_space<vmem>> -> memref<128xi32, #tpu.memory_space<vmem>>
      %dma_wait3A_226 = arith.constant 0 : i32
      %dma_wait3A_227 = tpu.memref_slice %arg7[%dma_wait3A_226] : memref<10240xf32, #tpu.memory_space<vmem_shared>> -> memref<10240xf32, #tpu.memory_space<vmem_shared>>
      tpu.wait_indirect_dma semaphore(%arg8 : memref<!tpu.dma_semaphore, #tpu.memory_space<semaphore_mem>>) src(%arg5 : memref<128xf32, #tpu.memory_space<vmem>>) dst(%dma_wait3A_227 : memref<10240xf32, #tpu.memory_space<vmem_shared>>)
      %mul3A_228 = arith.constant 16 : i32
      %mul3A_229 = arith.muli %scan3A_67, %mul3A_228 : i32
      %add3A_230 = arith.constant 2 : i32
      %add3A_231 = arith.addi %mul3A_229, %add3A_230 : i32
      %dma_wait3A_232 = arith.constant 0 : i32
      %dma_wait3A_233 = tpu.memref_slice %arg4[%add3A_231, %dma_wait3A_232] : memref<80x128xi32, #tpu.memory_space<vmem>> -> memref<1x128xi32, #tpu.memory_space<vmem>>
      %dma_wait3A_234 = tpu.memref_squeeze %dma_wait3A_233 : memref<1x128xi32, #tpu.memory_space<vmem>> -> memref<128xi32, #tpu.memory_space<vmem>>
      %dma_wait3A_235 = arith.constant 0 : i32
      %dma_wait3A_236 = tpu.memref_slice %arg7[%dma_wait3A_235] : memref<10240xf32, #tpu.memory_space<vmem_shared>> -> memref<10240xf32, #tpu.memory_space<vmem_shared>>
      tpu.wait_indirect_dma semaphore(%arg8 : memref<!tpu.dma_semaphore, #tpu.memory_space<semaphore_mem>>) src(%arg5 : memref<128xf32, #tpu.memory_space<vmem>>) dst(%dma_wait3A_236 : memref<10240xf32, #tpu.memory_space<vmem_shared>>)
      %mul3A_237 = arith.constant 16 : i32
      %mul3A_238 = arith.muli %scan3A_67, %mul3A_237 : i32
      %add3A_239 = arith.constant 3 : i32
      %add3A_240 = arith.addi %mul3A_238, %add3A_239 : i32
      %dma_wait3A_241 = arith.constant 0 : i32
      %dma_wait3A_242 = tpu.memref_slice %arg4[%add3A_240, %dma_wait3A_241] : memref<80x128xi32, #tpu.memory_space<vmem>> -> memref<1x128xi32, #tpu.memory_space<vmem>>
      %dma_wait3A_243 = tpu.memref_squeeze %dma_wait3A_242 : memref<1x128xi32, #tpu.memory_space<vmem>> -> memref<128xi32, #tpu.memory_space<vmem>>
      %dma_wait3A_244 = arith.constant 0 : i32
      %dma_wait3A_245 = tpu.memref_slice %arg7[%dma_wait3A_244] : memref<10240xf32, #tpu.memory_space<vmem_shared>> -> memref<10240xf32, #tpu.memory_space<vmem_shared>>
      tpu.wait_indirect_dma semaphore(%arg8 : memref<!tpu.dma_semaphore, #tpu.memory_space<semaphore_mem>>) src(%arg5 : memref<128xf32, #tpu.memory_space<vmem>>) dst(%dma_wait3A_245 : memref<10240xf32, #tpu.memory_space<vmem_shared>>)
      %mul3A_246 = arith.constant 16 : i32
      %mul3A_247 = arith.muli %scan3A_67, %mul3A_246 : i32
      %add3A_248 = arith.constant 4 : i32
      %add3A_249 = arith.addi %mul3A_247, %add3A_248 : i32
      %dma_wait3A_250 = arith.constant 0 : i32
      %dma_wait3A_251 = tpu.memref_slice %arg4[%add3A_249, %dma_wait3A_250] : memref<80x128xi32, #tpu.memory_space<vmem>> -> memref<1x128xi32, #tpu.memory_space<vmem>>
      %dma_wait3A_252 = tpu.memref_squeeze %dma_wait3A_251 : memref<1x128xi32, #tpu.memory_space<vmem>> -> memref<128xi32, #tpu.memory_space<vmem>>
      %dma_wait3A_253 = arith.constant 0 : i32
      %dma_wait3A_254 = tpu.memref_slice %arg7[%dma_wait3A_253] : memref<10240xf32, #tpu.memory_space<vmem_shared>> -> memref<10240xf32, #tpu.memory_space<vmem_shared>>
      tpu.wait_indirect_dma semaphore(%arg8 : memref<!tpu.dma_semaphore, #tpu.memory_space<semaphore_mem>>) src(%arg5 : memref<128xf32, #tpu.memory_space<vmem>>) dst(%dma_wait3A_254 : memref<10240xf32, #tpu.memory_space<vmem_shared>>)
      %mul3A_255 = arith.constant 16 : i32
      %mul3A_256 = arith.muli %scan3A_67, %mul3A_255 : i32
      %add3A_257 = arith.constant 5 : i32
      %add3A_258 = arith.addi %mul3A_256, %add3A_257 : i32
      %dma_wait3A_259 = arith.constant 0 : i32
      %dma_wait3A_260 = tpu.memref_slice %arg4[%add3A_258, %dma_wait3A_259] : memref<80x128xi32, #tpu.memory_space<vmem>> -> memref<1x128xi32, #tpu.memory_space<vmem>>
      %dma_wait3A_261 = tpu.memref_squeeze %dma_wait3A_260 : memref<1x128xi32, #tpu.memory_space<vmem>> -> memref<128xi32, #tpu.memory_space<vmem>>
      %dma_wait3A_262 = arith.constant 0 : i32
      %dma_wait3A_263 = tpu.memref_slice %arg7[%dma_wait3A_262] : memref<10240xf32, #tpu.memory_space<vmem_shared>> -> memref<10240xf32, #tpu.memory_space<vmem_shared>>
      tpu.wait_indirect_dma semaphore(%arg8 : memref<!tpu.dma_semaphore, #tpu.memory_space<semaphore_mem>>) src(%arg5 : memref<128xf32, #tpu.memory_space<vmem>>) dst(%dma_wait3A_263 : memref<10240xf32, #tpu.memory_space<vmem_shared>>)
      %mul3A_264 = arith.constant 16 : i32
      %mul3A_265 = arith.muli %scan3A_67, %mul3A_264 : i32
      %add3A_266 = arith.constant 6 : i32
      %add3A_267 = arith.addi %mul3A_265, %add3A_266 : i32
      %dma_wait3A_268 = arith.constant 0 : i32
      %dma_wait3A_269 = tpu.memref_slice %arg4[%add3A_267, %dma_wait3A_268] : memref<80x128xi32, #tpu.memory_space<vmem>> -> memref<1x128xi32, #tpu.memory_space<vmem>>
      %dma_wait3A_270 = tpu.memref_squeeze %dma_wait3A_269 : memref<1x128xi32, #tpu.memory_space<vmem>> -> memref<128xi32, #tpu.memory_space<vmem>>
      %dma_wait3A_271 = arith.constant 0 : i32
      %dma_wait3A_272 = tpu.memref_slice %arg7[%dma_wait3A_271] : memref<10240xf32, #tpu.memory_space<vmem_shared>> -> memref<10240xf32, #tpu.memory_space<vmem_shared>>
      tpu.wait_indirect_dma semaphore(%arg8 : memref<!tpu.dma_semaphore, #tpu.memory_space<semaphore_mem>>) src(%arg5 : memref<128xf32, #tpu.memory_space<vmem>>) dst(%dma_wait3A_272 : memref<10240xf32, #tpu.memory_space<vmem_shared>>)
      %mul3A_273 = arith.constant 16 : i32
      %mul3A_274 = arith.muli %scan3A_67, %mul3A_273 : i32
      %add3A_275 = arith.constant 7 : i32
      %add3A_276 = arith.addi %mul3A_274, %add3A_275 : i32
      %dma_wait3A_277 = arith.constant 0 : i32
      %dma_wait3A_278 = tpu.memref_slice %arg4[%add3A_276, %dma_wait3A_277] : memref<80x128xi32, #tpu.memory_space<vmem>> -> memref<1x128xi32, #tpu.memory_space<vmem>>
      %dma_wait3A_279 = tpu.memref_squeeze %dma_wait3A_278 : memref<1x128xi32, #tpu.memory_space<vmem>> -> memref<128xi32, #tpu.memory_space<vmem>>
      %dma_wait3A_280 = arith.constant 0 : i32
      %dma_wait3A_281 = tpu.memref_slice %arg7[%dma_wait3A_280] : memref<10240xf32, #tpu.memory_space<vmem_shared>> -> memref<10240xf32, #tpu.memory_space<vmem_shared>>
      tpu.wait_indirect_dma semaphore(%arg8 : memref<!tpu.dma_semaphore, #tpu.memory_space<semaphore_mem>>) src(%arg5 : memref<128xf32, #tpu.memory_space<vmem>>) dst(%dma_wait3A_281 : memref<10240xf32, #tpu.memory_space<vmem_shared>>)
      %mul3A_282 = arith.constant 16 : i32
      %mul3A_283 = arith.muli %scan3A_67, %mul3A_282 : i32
      %add3A_284 = arith.constant 8 : i32
      %add3A_285 = arith.addi %mul3A_283, %add3A_284 : i32
      %dma_wait3A_286 = arith.constant 0 : i32
      %dma_wait3A_287 = tpu.memref_slice %arg4[%add3A_285, %dma_wait3A_286] : memref<80x128xi32, #tpu.memory_space<vmem>> -> memref<1x128xi32, #tpu.memory_space<vmem>>
      %dma_wait3A_288 = tpu.memref_squeeze %dma_wait3A_287 : memref<1x128xi32, #tpu.memory_space<vmem>> -> memref<128xi32, #tpu.memory_space<vmem>>
      %dma_wait3A_289 = arith.constant 0 : i32
      %dma_wait3A_290 = tpu.memref_slice %arg7[%dma_wait3A_289] : memref<10240xf32, #tpu.memory_space<vmem_shared>> -> memref<10240xf32, #tpu.memory_space<vmem_shared>>
      tpu.wait_indirect_dma semaphore(%arg8 : memref<!tpu.dma_semaphore, #tpu.memory_space<semaphore_mem>>) src(%arg5 : memref<128xf32, #tpu.memory_space<vmem>>) dst(%dma_wait3A_290 : memref<10240xf32, #tpu.memory_space<vmem_shared>>)
      %mul3A_291 = arith.constant 16 : i32
      %mul3A_292 = arith.muli %scan3A_67, %mul3A_291 : i32
      %add3A_293 = arith.constant 9 : i32
      %add3A_294 = arith.addi %mul3A_292, %add3A_293 : i32
      %dma_wait3A_295 = arith.constant 0 : i32
      %dma_wait3A_296 = tpu.memref_slice %arg4[%add3A_294, %dma_wait3A_295] : memref<80x128xi32, #tpu.memory_space<vmem>> -> memref<1x128xi32, #tpu.memory_space<vmem>>
      %dma_wait3A_297 = tpu.memref_squeeze %dma_wait3A_296 : memref<1x128xi32, #tpu.memory_space<vmem>> -> memref<128xi32, #tpu.memory_space<vmem>>
      %dma_wait3A_298 = arith.constant 0 : i32
      %dma_wait3A_299 = tpu.memref_slice %arg7[%dma_wait3A_298] : memref<10240xf32, #tpu.memory_space<vmem_shared>> -> memref<10240xf32, #tpu.memory_space<vmem_shared>>
      tpu.wait_indirect_dma semaphore(%arg8 : memref<!tpu.dma_semaphore, #tpu.memory_space<semaphore_mem>>) src(%arg5 : memref<128xf32, #tpu.memory_space<vmem>>) dst(%dma_wait3A_299 : memref<10240xf32, #tpu.memory_space<vmem_shared>>)
      %mul3A_300 = arith.constant 16 : i32
      %mul3A_301 = arith.muli %scan3A_67, %mul3A_300 : i32
      %add3A_302 = arith.constant 10 : i32
      %add3A_303 = arith.addi %mul3A_301, %add3A_302 : i32
      %dma_wait3A_304 = arith.constant 0 : i32
      %dma_wait3A_305 = tpu.memref_slice %arg4[%add3A_303, %dma_wait3A_304] : memref<80x128xi32, #tpu.memory_space<vmem>> -> memref<1x128xi32, #tpu.memory_space<vmem>>
      %dma_wait3A_306 = tpu.memref_squeeze %dma_wait3A_305 : memref<1x128xi32, #tpu.memory_space<vmem>> -> memref<128xi32, #tpu.memory_space<vmem>>
      %dma_wait3A_307 = arith.constant 0 : i32
      %dma_wait3A_308 = tpu.memref_slice %arg7[%dma_wait3A_307] : memref<10240xf32, #tpu.memory_space<vmem_shared>> -> memref<10240xf32, #tpu.memory_space<vmem_shared>>
      tpu.wait_indirect_dma semaphore(%arg8 : memref<!tpu.dma_semaphore, #tpu.memory_space<semaphore_mem>>) src(%arg5 : memref<128xf32, #tpu.memory_space<vmem>>) dst(%dma_wait3A_308 : memref<10240xf32, #tpu.memory_space<vmem_shared>>)
      %mul3A_309 = arith.constant 16 : i32
      %mul3A_310 = arith.muli %scan3A_67, %mul3A_309 : i32
      %add3A_311 = arith.constant 11 : i32
      %add3A_312 = arith.addi %mul3A_310, %add3A_311 : i32
      %dma_wait3A_313 = arith.constant 0 : i32
      %dma_wait3A_314 = tpu.memref_slice %arg4[%add3A_312, %dma_wait3A_313] : memref<80x128xi32, #tpu.memory_space<vmem>> -> memref<1x128xi32, #tpu.memory_space<vmem>>
      %dma_wait3A_315 = tpu.memref_squeeze %dma_wait3A_314 : memref<1x128xi32, #tpu.memory_space<vmem>> -> memref<128xi32, #tpu.memory_space<vmem>>
      %dma_wait3A_316 = arith.constant 0 : i32
      %dma_wait3A_317 = tpu.memref_slice %arg7[%dma_wait3A_316] : memref<10240xf32, #tpu.memory_space<vmem_shared>> -> memref<10240xf32, #tpu.memory_space<vmem_shared>>
      tpu.wait_indirect_dma semaphore(%arg8 : memref<!tpu.dma_semaphore, #tpu.memory_space<semaphore_mem>>) src(%arg5 : memref<128xf32, #tpu.memory_space<vmem>>) dst(%dma_wait3A_317 : memref<10240xf32, #tpu.memory_space<vmem_shared>>)
      %mul3A_318 = arith.constant 16 : i32
      %mul3A_319 = arith.muli %scan3A_67, %mul3A_318 : i32
      %add3A_320 = arith.constant 12 : i32
      %add3A_321 = arith.addi %mul3A_319, %add3A_320 : i32
      %dma_wait3A_322 = arith.constant 0 : i32
      %dma_wait3A_323 = tpu.memref_slice %arg4[%add3A_321, %dma_wait3A_322] : memref<80x128xi32, #tpu.memory_space<vmem>> -> memref<1x128xi32, #tpu.memory_space<vmem>>
      %dma_wait3A_324 = tpu.memref_squeeze %dma_wait3A_323 : memref<1x128xi32, #tpu.memory_space<vmem>> -> memref<128xi32, #tpu.memory_space<vmem>>
      %dma_wait3A_325 = arith.constant 0 : i32
      %dma_wait3A_326 = tpu.memref_slice %arg7[%dma_wait3A_325] : memref<10240xf32, #tpu.memory_space<vmem_shared>> -> memref<10240xf32, #tpu.memory_space<vmem_shared>>
      tpu.wait_indirect_dma semaphore(%arg8 : memref<!tpu.dma_semaphore, #tpu.memory_space<semaphore_mem>>) src(%arg5 : memref<128xf32, #tpu.memory_space<vmem>>) dst(%dma_wait3A_326 : memref<10240xf32, #tpu.memory_space<vmem_shared>>)
      %mul3A_327 = arith.constant 16 : i32
      %mul3A_328 = arith.muli %scan3A_67, %mul3A_327 : i32
      %add3A_329 = arith.constant 13 : i32
      %add3A_330 = arith.addi %mul3A_328, %add3A_329 : i32
      %dma_wait3A_331 = arith.constant 0 : i32
      %dma_wait3A_332 = tpu.memref_slice %arg4[%add3A_330, %dma_wait3A_331] : memref<80x128xi32, #tpu.memory_space<vmem>> -> memref<1x128xi32, #tpu.memory_space<vmem>>
      %dma_wait3A_333 = tpu.memref_squeeze %dma_wait3A_332 : memref<1x128xi32, #tpu.memory_space<vmem>> -> memref<128xi32, #tpu.memory_space<vmem>>
      %dma_wait3A_334 = arith.constant 0 : i32
      %dma_wait3A_335 = tpu.memref_slice %arg7[%dma_wait3A_334] : memref<10240xf32, #tpu.memory_space<vmem_shared>> -> memref<10240xf32, #tpu.memory_space<vmem_shared>>
      tpu.wait_indirect_dma semaphore(%arg8 : memref<!tpu.dma_semaphore, #tpu.memory_space<semaphore_mem>>) src(%arg5 : memref<128xf32, #tpu.memory_space<vmem>>) dst(%dma_wait3A_335 : memref<10240xf32, #tpu.memory_space<vmem_shared>>)
      %mul3A_336 = arith.constant 16 : i32
      %mul3A_337 = arith.muli %scan3A_67, %mul3A_336 : i32
      %add3A_338 = arith.constant 14 : i32
      %add3A_339 = arith.addi %mul3A_337, %add3A_338 : i32
      %dma_wait3A_340 = arith.constant 0 : i32
      %dma_wait3A_341 = tpu.memref_slice %arg4[%add3A_339, %dma_wait3A_340] : memref<80x128xi32, #tpu.memory_space<vmem>> -> memref<1x128xi32, #tpu.memory_space<vmem>>
      %dma_wait3A_342 = tpu.memref_squeeze %dma_wait3A_341 : memref<1x128xi32, #tpu.memory_space<vmem>> -> memref<128xi32, #tpu.memory_space<vmem>>
      %dma_wait3A_343 = arith.constant 0 : i32
      %dma_wait3A_344 = tpu.memref_slice %arg7[%dma_wait3A_343] : memref<10240xf32, #tpu.memory_space<vmem_shared>> -> memref<10240xf32, #tpu.memory_space<vmem_shared>>
      tpu.wait_indirect_dma semaphore(%arg8 : memref<!tpu.dma_semaphore, #tpu.memory_space<semaphore_mem>>) src(%arg5 : memref<128xf32, #tpu.memory_space<vmem>>) dst(%dma_wait3A_344 : memref<10240xf32, #tpu.memory_space<vmem_shared>>)
      %mul3A_345 = arith.constant 16 : i32
      %mul3A_346 = arith.muli %scan3A_67, %mul3A_345 : i32
      %add3A_347 = arith.constant 15 : i32
      %add3A_348 = arith.addi %mul3A_346, %add3A_347 : i32
      %dma_wait3A_349 = arith.constant 0 : i32
      %dma_wait3A_350 = tpu.memref_slice %arg4[%add3A_348, %dma_wait3A_349] : memref<80x128xi32, #tpu.memory_space<vmem>> -> memref<1x128xi32, #tpu.memory_space<vmem>>
      %dma_wait3A_351 = tpu.memref_squeeze %dma_wait3A_350 : memref<1x128xi32, #tpu.memory_space<vmem>> -> memref<128xi32, #tpu.memory_space<vmem>>
      %dma_wait3A_352 = arith.constant 0 : i32
      %dma_wait3A_353 = tpu.memref_slice %arg7[%dma_wait3A_352] : memref<10240xf32, #tpu.memory_space<vmem_shared>> -> memref<10240xf32, #tpu.memory_space<vmem_shared>>
      tpu.wait_indirect_dma semaphore(%arg8 : memref<!tpu.dma_semaphore, #tpu.memory_space<semaphore_mem>>) src(%arg5 : memref<128xf32, #tpu.memory_space<vmem>>) dst(%dma_wait3A_353 : memref<10240xf32, #tpu.memory_space<vmem_shared>>)
    }
    %scan3A_61 = arith.constant 5 : i32
    %barrier3A_62 = arith.constant 0 : index
    tpu.barrier barrier_id(%barrier3A_62)
    %mul3A_63 = arith.constant 640 : i32
    %mul3A_64 = arith.muli %arg1, %mul3A_63 : i32
    %mul3A_65 = arith.constant 640 : i32
    %mul3A_66 = arith.muli %arg1, %mul3A_65 : i32
    "tpu.region"() ({
      %run_scoped3A = tpu.sem_alloc : memref<!tpu.dma_semaphore, #tpu.memory_space<semaphore_mem>>
      %dma_start3A = tpu.memref_slice %arg3[%arg0, %mul3A_66] : memref<2x10240xf32, #tpu.memory_space<hbm>> -> memref<1x640xf32, #tpu.memory_space<hbm>>
      %dma_start3A_67 = tpu.memref_squeeze %dma_start3A : memref<1x640xf32, #tpu.memory_space<hbm>> -> memref<640xf32, #tpu.memory_space<hbm>>
      %dma_start3A_68 = tpu.memref_slice %arg7[%mul3A_64] : memref<10240xf32, #tpu.memory_space<vmem_shared>> -> memref<640xf32, #tpu.memory_space<vmem_shared>>
      tpu.enqueue_dma source(%dma_start3A_68 : memref<640xf32, #tpu.memory_space<vmem_shared>>) target(%dma_start3A_67 : memref<640xf32, #tpu.memory_space<hbm>>) target_semaphore(%run_scoped3A : memref<!tpu.dma_semaphore, #tpu.memory_space<semaphore_mem>>)
      %dma_wait3A = tpu.memref_slice %arg3[%arg0, %mul3A_66] : memref<2x10240xf32, #tpu.memory_space<hbm>> -> memref<1x640xf32, #tpu.memory_space<hbm>>
      %dma_wait3A_69 = tpu.memref_squeeze %dma_wait3A : memref<1x640xf32, #tpu.memory_space<hbm>> -> memref<640xf32, #tpu.memory_space<hbm>>
      %dma_wait3A_70 = tpu.memref_slice %arg7[%mul3A_64] : memref<10240xf32, #tpu.memory_space<vmem_shared>> -> memref<640xf32, #tpu.memory_space<vmem_shared>>
      tpu.wait_dma2 semaphore(%run_scoped3A : memref<!tpu.dma_semaphore, #tpu.memory_space<semaphore_mem>>) src(%dma_wait3A_70 : memref<640xf32, #tpu.memory_space<vmem_shared>>) dst(%dma_wait3A_69 : memref<640xf32, #tpu.memory_space<hbm>>)
      tpu.yield
    }) : () -> ()
    return
  }
}

#map = affine_map<(d0, d1) -> (0, 0)>
#map1 = affine_map<(d0, d1) -> (0, 0, 0)>
module attributes {stable_mosaic.version = 14 : i64} {
  func.func @_prop_body(%arg0: i32, %arg1: i32, %arg2: memref<10240x128xf32, #tpu.memory_space<hbm>>, %arg3: memref<2560x128xi32, #tpu.memory_space<hbm>>, %arg4: memref<2560x128xi32, #tpu.memory_space<hbm>>, %arg5: memref<2x10240x128xf32, #tpu.memory_space<hbm>>, %arg6: memref<80x128xi32, #tpu.memory_space<vmem>>, %arg7: memref<40x128xi32, #tpu.memory_space<vmem>>, %arg8: memref<128x128xf32, #tpu.memory_space<vmem>>, %arg9: memref<128x128xf32, #tpu.memory_space<vmem>>, %arg10: memref<!tpu.dma_semaphore, #tpu.memory_space<semaphore_mem>>, %arg11: memref<!tpu.dma_semaphore, #tpu.memory_space<semaphore_mem>>, %arg12: memref<10240x128xf32, #tpu.memory_space<vmem_shared>>) attributes {dimension_semantics = [#tpu.dimension_semantics<core_parallel>, #tpu.dimension_semantics<subcore_parallel>], iteration_bounds = array<i64: 2, 16>, scalar_prefetch = 0 : i64, scratch_operands = 7 : i64, tpu.core_type = #tpu.core_type<sc_vector_subcore>, window_params = [{transform_indices = #map}, {transform_indices = #map}, {transform_indices = #map}, {transform_indices = #map1}]} {
    %mul3A = arith.constant 2 : i32
    %mul3A_0 = arith.muli %arg1, %mul3A : i32
    %add3A = arith.addi %mul3A_0, %arg0 : i32
    %mul3A_1 = arith.constant 80 : i32
    %mul3A_2 = arith.muli %add3A, %mul3A_1 : i32
    %scan3A = arith.constant 0 : i32
    %scan3A_3 = arith.constant 0 : i32
    %scan3A_4 = arith.constant 128 : i32
    %scan3A_5 = arith.addi %scan3A_3, %scan3A_4 : i32
    %scan3A_6 = arith.constant 1 : i32
    scf.for %scan3A_76 = %scan3A_3 to %scan3A_5 step %scan3A_6  : i32 {
      %broadcast_in_dim3A = arith.constant 0.000000e+00 : f32
      %broadcast_in_dim3A_77 = vector.broadcast %broadcast_in_dim3A : f32 to vector<16xf32>
      %swap3A = arith.index_cast %scan3A_76 : i32 to index
      %swap3A_78 = arith.constant 0 : index
      %swap3A_79 = tpu.vector_load %arg8[%swap3A, %swap3A_78] {strides = array<i32>} : memref<128x128xf32, #tpu.memory_space<vmem>>, vector<1x16xf32>,
      %swap3A_80 = vector.shape_cast %swap3A_79 : vector<1x16xf32> to vector<16xf32>
      %swap3A_81 = vector.shape_cast %broadcast_in_dim3A_77 : vector<16xf32> to vector<1x16xf32>
      tpu.vector_store %arg8[%swap3A, %swap3A_78], %swap3A_81 {strides = array<i32>} : memref<128x128xf32, #tpu.memory_space<vmem>>, vector<1x16xf32>,
      %broadcast_in_dim3A_82 = arith.constant 0.000000e+00 : f32
      %broadcast_in_dim3A_83 = vector.broadcast %broadcast_in_dim3A_82 : f32 to vector<16xf32>
      %swap3A_84 = arith.index_cast %scan3A_76 : i32 to index
      %swap3A_85 = arith.constant 16 : index
      %swap3A_86 = tpu.vector_load %arg8[%swap3A_84, %swap3A_85] {strides = array<i32>} : memref<128x128xf32, #tpu.memory_space<vmem>>, vector<1x16xf32>,
      %swap3A_87 = vector.shape_cast %swap3A_86 : vector<1x16xf32> to vector<16xf32>
      %swap3A_88 = vector.shape_cast %broadcast_in_dim3A_83 : vector<16xf32> to vector<1x16xf32>
      tpu.vector_store %arg8[%swap3A_84, %swap3A_85], %swap3A_88 {strides = array<i32>} : memref<128x128xf32, #tpu.memory_space<vmem>>, vector<1x16xf32>,
      %broadcast_in_dim3A_89 = arith.constant 0.000000e+00 : f32
      %broadcast_in_dim3A_90 = vector.broadcast %broadcast_in_dim3A_89 : f32 to vector<16xf32>
      %swap3A_91 = arith.index_cast %scan3A_76 : i32 to index
      %swap3A_92 = arith.constant 32 : index
      %swap3A_93 = tpu.vector_load %arg8[%swap3A_91, %swap3A_92] {strides = array<i32>} : memref<128x128xf32, #tpu.memory_space<vmem>>, vector<1x16xf32>,
      %swap3A_94 = vector.shape_cast %swap3A_93 : vector<1x16xf32> to vector<16xf32>
      %swap3A_95 = vector.shape_cast %broadcast_in_dim3A_90 : vector<16xf32> to vector<1x16xf32>
      tpu.vector_store %arg8[%swap3A_91, %swap3A_92], %swap3A_95 {strides = array<i32>} : memref<128x128xf32, #tpu.memory_space<vmem>>, vector<1x16xf32>,
      %broadcast_in_dim3A_96 = arith.constant 0.000000e+00 : f32
      %broadcast_in_dim3A_97 = vector.broadcast %broadcast_in_dim3A_96 : f32 to vector<16xf32>
      %swap3A_98 = arith.index_cast %scan3A_76 : i32 to index
      %swap3A_99 = arith.constant 48 : index
      %swap3A_100 = tpu.vector_load %arg8[%swap3A_98, %swap3A_99] {strides = array<i32>} : memref<128x128xf32, #tpu.memory_space<vmem>>, vector<1x16xf32>,
      %swap3A_101 = vector.shape_cast %swap3A_100 : vector<1x16xf32> to vector<16xf32>
      %swap3A_102 = vector.shape_cast %broadcast_in_dim3A_97 : vector<16xf32> to vector<1x16xf32>
      tpu.vector_store %arg8[%swap3A_98, %swap3A_99], %swap3A_102 {strides = array<i32>} : memref<128x128xf32, #tpu.memory_space<vmem>>, vector<1x16xf32>,
      %broadcast_in_dim3A_103 = arith.constant 0.000000e+00 : f32
      %broadcast_in_dim3A_104 = vector.broadcast %broadcast_in_dim3A_103 : f32 to vector<16xf32>
      %swap3A_105 = arith.index_cast %scan3A_76 : i32 to index
      %swap3A_106 = arith.constant 64 : index
      %swap3A_107 = tpu.vector_load %arg8[%swap3A_105, %swap3A_106] {strides = array<i32>} : memref<128x128xf32, #tpu.memory_space<vmem>>, vector<1x16xf32>,
      %swap3A_108 = vector.shape_cast %swap3A_107 : vector<1x16xf32> to vector<16xf32>
      %swap3A_109 = vector.shape_cast %broadcast_in_dim3A_104 : vector<16xf32> to vector<1x16xf32>
      tpu.vector_store %arg8[%swap3A_105, %swap3A_106], %swap3A_109 {strides = array<i32>} : memref<128x128xf32, #tpu.memory_space<vmem>>, vector<1x16xf32>,
      %broadcast_in_dim3A_110 = arith.constant 0.000000e+00 : f32
      %broadcast_in_dim3A_111 = vector.broadcast %broadcast_in_dim3A_110 : f32 to vector<16xf32>
      %swap3A_112 = arith.index_cast %scan3A_76 : i32 to index
      %swap3A_113 = arith.constant 80 : index
      %swap3A_114 = tpu.vector_load %arg8[%swap3A_112, %swap3A_113] {strides = array<i32>} : memref<128x128xf32, #tpu.memory_space<vmem>>, vector<1x16xf32>,
      %swap3A_115 = vector.shape_cast %swap3A_114 : vector<1x16xf32> to vector<16xf32>
      %swap3A_116 = vector.shape_cast %broadcast_in_dim3A_111 : vector<16xf32> to vector<1x16xf32>
      tpu.vector_store %arg8[%swap3A_112, %swap3A_113], %swap3A_116 {strides = array<i32>} : memref<128x128xf32, #tpu.memory_space<vmem>>, vector<1x16xf32>,
      %broadcast_in_dim3A_117 = arith.constant 0.000000e+00 : f32
      %broadcast_in_dim3A_118 = vector.broadcast %broadcast_in_dim3A_117 : f32 to vector<16xf32>
      %swap3A_119 = arith.index_cast %scan3A_76 : i32 to index
      %swap3A_120 = arith.constant 96 : index
      %swap3A_121 = tpu.vector_load %arg8[%swap3A_119, %swap3A_120] {strides = array<i32>} : memref<128x128xf32, #tpu.memory_space<vmem>>, vector<1x16xf32>,
      %swap3A_122 = vector.shape_cast %swap3A_121 : vector<1x16xf32> to vector<16xf32>
      %swap3A_123 = vector.shape_cast %broadcast_in_dim3A_118 : vector<16xf32> to vector<1x16xf32>
      tpu.vector_store %arg8[%swap3A_119, %swap3A_120], %swap3A_123 {strides = array<i32>} : memref<128x128xf32, #tpu.memory_space<vmem>>, vector<1x16xf32>,
      %broadcast_in_dim3A_124 = arith.constant 0.000000e+00 : f32
      %broadcast_in_dim3A_125 = vector.broadcast %broadcast_in_dim3A_124 : f32 to vector<16xf32>
      %swap3A_126 = arith.index_cast %scan3A_76 : i32 to index
      %swap3A_127 = arith.constant 112 : index
      %swap3A_128 = tpu.vector_load %arg8[%swap3A_126, %swap3A_127] {strides = array<i32>} : memref<128x128xf32, #tpu.memory_space<vmem>>, vector<1x16xf32>,
      %swap3A_129 = vector.shape_cast %swap3A_128 : vector<1x16xf32> to vector<16xf32>
      %swap3A_130 = vector.shape_cast %broadcast_in_dim3A_125 : vector<16xf32> to vector<1x16xf32>
      tpu.vector_store %arg8[%swap3A_126, %swap3A_127], %swap3A_130 {strides = array<i32>} : memref<128x128xf32, #tpu.memory_space<vmem>>, vector<1x16xf32>,
    }
    %scan3A_7 = arith.constant 128 : i32
    %mul3A_8 = arith.constant 640 : i32
    %mul3A_9 = arith.muli %arg1, %mul3A_8 : i32
    %add3A_10 = arith.constant 0 : i32
    %add3A_11 = arith.addi %mul3A_9, %add3A_10 : i32
    "tpu.region"() ({
      %run_scoped3A = tpu.sem_alloc : memref<!tpu.dma_semaphore, #tpu.memory_space<semaphore_mem>>
      %dma_start3A_76 = arith.constant 0 : i32
      %dma_start3A_77 = tpu.memref_slice %arg12[%add3A_11, %dma_start3A_76] : memref<10240x128xf32, #tpu.memory_space<vmem_shared>> -> memref<128x128xf32, #tpu.memory_space<vmem_shared>>
      %dma_start3A_78 = arith.constant 0 : i32
      %dma_start3A_79 = tpu.memref_slice %arg12[%add3A_11, %dma_start3A_78] : memref<10240x128xf32, #tpu.memory_space<vmem_shared>> -> memref<128x128xf32, #tpu.memory_space<vmem_shared>>
      tpu.enqueue_dma source(%arg8 : memref<128x128xf32, #tpu.memory_space<vmem>>) target(%dma_start3A_79 : memref<128x128xf32, #tpu.memory_space<vmem_shared>>) target_semaphore(%run_scoped3A : memref<!tpu.dma_semaphore, #tpu.memory_space<semaphore_mem>>)
      %dma_wait3A = arith.constant 0 : i32
      %dma_wait3A_80 = tpu.memref_slice %arg12[%add3A_11, %dma_wait3A] : memref<10240x128xf32, #tpu.memory_space<vmem_shared>> -> memref<128x128xf32, #tpu.memory_space<vmem_shared>>
      %dma_wait3A_81 = arith.constant 0 : i32
      %dma_wait3A_82 = tpu.memref_slice %arg12[%add3A_11, %dma_wait3A_81] : memref<10240x128xf32, #tpu.memory_space<vmem_shared>> -> memref<128x128xf32, #tpu.memory_space<vmem_shared>>
      tpu.wait_dma2 semaphore(%run_scoped3A : memref<!tpu.dma_semaphore, #tpu.memory_space<semaphore_mem>>) src(%arg8 : memref<128x128xf32, #tpu.memory_space<vmem>>) dst(%dma_wait3A_82 : memref<128x128xf32, #tpu.memory_space<vmem_shared>>)
      tpu.yield
    }) : () -> ()
    %mul3A_12 = arith.constant 640 : i32
    %mul3A_13 = arith.muli %arg1, %mul3A_12 : i32
    %add3A_14 = arith.constant 128 : i32
    %add3A_15 = arith.addi %mul3A_13, %add3A_14 : i32
    "tpu.region"() ({
      %run_scoped3A = tpu.sem_alloc : memref<!tpu.dma_semaphore, #tpu.memory_space<semaphore_mem>>
      %dma_start3A_76 = arith.constant 0 : i32
      %dma_start3A_77 = tpu.memref_slice %arg12[%add3A_15, %dma_start3A_76] : memref<10240x128xf32, #tpu.memory_space<vmem_shared>> -> memref<128x128xf32, #tpu.memory_space<vmem_shared>>
      %dma_start3A_78 = arith.constant 0 : i32
      %dma_start3A_79 = tpu.memref_slice %arg12[%add3A_15, %dma_start3A_78] : memref<10240x128xf32, #tpu.memory_space<vmem_shared>> -> memref<128x128xf32, #tpu.memory_space<vmem_shared>>
      tpu.enqueue_dma source(%arg8 : memref<128x128xf32, #tpu.memory_space<vmem>>) target(%dma_start3A_79 : memref<128x128xf32, #tpu.memory_space<vmem_shared>>) target_semaphore(%run_scoped3A : memref<!tpu.dma_semaphore, #tpu.memory_space<semaphore_mem>>)
      %dma_wait3A = arith.constant 0 : i32
      %dma_wait3A_80 = tpu.memref_slice %arg12[%add3A_15, %dma_wait3A] : memref<10240x128xf32, #tpu.memory_space<vmem_shared>> -> memref<128x128xf32, #tpu.memory_space<vmem_shared>>
      %dma_wait3A_81 = arith.constant 0 : i32
      %dma_wait3A_82 = tpu.memref_slice %arg12[%add3A_15, %dma_wait3A_81] : memref<10240x128xf32, #tpu.memory_space<vmem_shared>> -> memref<128x128xf32, #tpu.memory_space<vmem_shared>>
      tpu.wait_dma2 semaphore(%run_scoped3A : memref<!tpu.dma_semaphore, #tpu.memory_space<semaphore_mem>>) src(%arg8 : memref<128x128xf32, #tpu.memory_space<vmem>>) dst(%dma_wait3A_82 : memref<128x128xf32, #tpu.memory_space<vmem_shared>>)
      tpu.yield
    }) : () -> ()
    %mul3A_16 = arith.constant 640 : i32
    %mul3A_17 = arith.muli %arg1, %mul3A_16 : i32
    %add3A_18 = arith.constant 256 : i32
    %add3A_19 = arith.addi %mul3A_17, %add3A_18 : i32
    "tpu.region"() ({
      %run_scoped3A = tpu.sem_alloc : memref<!tpu.dma_semaphore, #tpu.memory_space<semaphore_mem>>
      %dma_start3A_76 = arith.constant 0 : i32
      %dma_start3A_77 = tpu.memref_slice %arg12[%add3A_19, %dma_start3A_76] : memref<10240x128xf32, #tpu.memory_space<vmem_shared>> -> memref<128x128xf32, #tpu.memory_space<vmem_shared>>
      %dma_start3A_78 = arith.constant 0 : i32
      %dma_start3A_79 = tpu.memref_slice %arg12[%add3A_19, %dma_start3A_78] : memref<10240x128xf32, #tpu.memory_space<vmem_shared>> -> memref<128x128xf32, #tpu.memory_space<vmem_shared>>
      tpu.enqueue_dma source(%arg8 : memref<128x128xf32, #tpu.memory_space<vmem>>) target(%dma_start3A_79 : memref<128x128xf32, #tpu.memory_space<vmem_shared>>) target_semaphore(%run_scoped3A : memref<!tpu.dma_semaphore, #tpu.memory_space<semaphore_mem>>)
      %dma_wait3A = arith.constant 0 : i32
      %dma_wait3A_80 = tpu.memref_slice %arg12[%add3A_19, %dma_wait3A] : memref<10240x128xf32, #tpu.memory_space<vmem_shared>> -> memref<128x128xf32, #tpu.memory_space<vmem_shared>>
      %dma_wait3A_81 = arith.constant 0 : i32
      %dma_wait3A_82 = tpu.memref_slice %arg12[%add3A_19, %dma_wait3A_81] : memref<10240x128xf32, #tpu.memory_space<vmem_shared>> -> memref<128x128xf32, #tpu.memory_space<vmem_shared>>
      tpu.wait_dma2 semaphore(%run_scoped3A : memref<!tpu.dma_semaphore, #tpu.memory_space<semaphore_mem>>) src(%arg8 : memref<128x128xf32, #tpu.memory_space<vmem>>) dst(%dma_wait3A_82 : memref<128x128xf32, #tpu.memory_space<vmem_shared>>)
      tpu.yield
    }) : () -> ()
    %mul3A_20 = arith.constant 640 : i32
    %mul3A_21 = arith.muli %arg1, %mul3A_20 : i32
    %add3A_22 = arith.constant 384 : i32
    %add3A_23 = arith.addi %mul3A_21, %add3A_22 : i32
    "tpu.region"() ({
      %run_scoped3A = tpu.sem_alloc : memref<!tpu.dma_semaphore, #tpu.memory_space<semaphore_mem>>
      %dma_start3A_76 = arith.constant 0 : i32
      %dma_start3A_77 = tpu.memref_slice %arg12[%add3A_23, %dma_start3A_76] : memref<10240x128xf32, #tpu.memory_space<vmem_shared>> -> memref<128x128xf32, #tpu.memory_space<vmem_shared>>
      %dma_start3A_78 = arith.constant 0 : i32
      %dma_start3A_79 = tpu.memref_slice %arg12[%add3A_23, %dma_start3A_78] : memref<10240x128xf32, #tpu.memory_space<vmem_shared>> -> memref<128x128xf32, #tpu.memory_space<vmem_shared>>
      tpu.enqueue_dma source(%arg8 : memref<128x128xf32, #tpu.memory_space<vmem>>) target(%dma_start3A_79 : memref<128x128xf32, #tpu.memory_space<vmem_shared>>) target_semaphore(%run_scoped3A : memref<!tpu.dma_semaphore, #tpu.memory_space<semaphore_mem>>)
      %dma_wait3A = arith.constant 0 : i32
      %dma_wait3A_80 = tpu.memref_slice %arg12[%add3A_23, %dma_wait3A] : memref<10240x128xf32, #tpu.memory_space<vmem_shared>> -> memref<128x128xf32, #tpu.memory_space<vmem_shared>>
      %dma_wait3A_81 = arith.constant 0 : i32
      %dma_wait3A_82 = tpu.memref_slice %arg12[%add3A_23, %dma_wait3A_81] : memref<10240x128xf32, #tpu.memory_space<vmem_shared>> -> memref<128x128xf32, #tpu.memory_space<vmem_shared>>
      tpu.wait_dma2 semaphore(%run_scoped3A : memref<!tpu.dma_semaphore, #tpu.memory_space<semaphore_mem>>) src(%arg8 : memref<128x128xf32, #tpu.memory_space<vmem>>) dst(%dma_wait3A_82 : memref<128x128xf32, #tpu.memory_space<vmem_shared>>)
      tpu.yield
    }) : () -> ()
    %mul3A_24 = arith.constant 640 : i32
    %mul3A_25 = arith.muli %arg1, %mul3A_24 : i32
    %add3A_26 = arith.constant 512 : i32
    %add3A_27 = arith.addi %mul3A_25, %add3A_26 : i32
    "tpu.region"() ({
      %run_scoped3A = tpu.sem_alloc : memref<!tpu.dma_semaphore, #tpu.memory_space<semaphore_mem>>
      %dma_start3A_76 = arith.constant 0 : i32
      %dma_start3A_77 = tpu.memref_slice %arg12[%add3A_27, %dma_start3A_76] : memref<10240x128xf32, #tpu.memory_space<vmem_shared>> -> memref<128x128xf32, #tpu.memory_space<vmem_shared>>
      %dma_start3A_78 = arith.constant 0 : i32
      %dma_start3A_79 = tpu.memref_slice %arg12[%add3A_27, %dma_start3A_78] : memref<10240x128xf32, #tpu.memory_space<vmem_shared>> -> memref<128x128xf32, #tpu.memory_space<vmem_shared>>
      tpu.enqueue_dma source(%arg8 : memref<128x128xf32, #tpu.memory_space<vmem>>) target(%dma_start3A_79 : memref<128x128xf32, #tpu.memory_space<vmem_shared>>) target_semaphore(%run_scoped3A : memref<!tpu.dma_semaphore, #tpu.memory_space<semaphore_mem>>)
      %dma_wait3A = arith.constant 0 : i32
      %dma_wait3A_80 = tpu.memref_slice %arg12[%add3A_27, %dma_wait3A] : memref<10240x128xf32, #tpu.memory_space<vmem_shared>> -> memref<128x128xf32, #tpu.memory_space<vmem_shared>>
      %dma_wait3A_81 = arith.constant 0 : i32
      %dma_wait3A_82 = tpu.memref_slice %arg12[%add3A_27, %dma_wait3A_81] : memref<10240x128xf32, #tpu.memory_space<vmem_shared>> -> memref<128x128xf32, #tpu.memory_space<vmem_shared>>
      tpu.wait_dma2 semaphore(%run_scoped3A : memref<!tpu.dma_semaphore, #tpu.memory_space<semaphore_mem>>) src(%arg8 : memref<128x128xf32, #tpu.memory_space<vmem>>) dst(%dma_wait3A_82 : memref<128x128xf32, #tpu.memory_space<vmem_shared>>)
      tpu.yield
    }) : () -> ()
    %barrier3A = arith.constant 0 : index
    tpu.barrier barrier_id(%barrier3A)
    "tpu.region"() ({
      %run_scoped3A = tpu.sem_alloc : memref<!tpu.dma_semaphore, #tpu.memory_space<semaphore_mem>>
      %dma_start3A_76 = arith.constant 0 : i32
      %dma_start3A_77 = tpu.memref_slice %arg3[%mul3A_2, %dma_start3A_76] : memref<2560x128xi32, #tpu.memory_space<hbm>> -> memref<80x128xi32, #tpu.memory_space<hbm>>
      %dma_start3A_78 = arith.constant 0 : i32
      %dma_start3A_79 = tpu.memref_slice %arg3[%mul3A_2, %dma_start3A_78] : memref<2560x128xi32, #tpu.memory_space<hbm>> -> memref<80x128xi32, #tpu.memory_space<hbm>>
      tpu.enqueue_dma source(%dma_start3A_79 : memref<80x128xi32, #tpu.memory_space<hbm>>) target(%arg6 : memref<80x128xi32, #tpu.memory_space<vmem>>) target_semaphore(%run_scoped3A : memref<!tpu.dma_semaphore, #tpu.memory_space<semaphore_mem>>)
      %dma_wait3A = arith.constant 0 : i32
      %dma_wait3A_80 = tpu.memref_slice %arg3[%mul3A_2, %dma_wait3A] : memref<2560x128xi32, #tpu.memory_space<hbm>> -> memref<80x128xi32, #tpu.memory_space<hbm>>
      %dma_wait3A_81 = arith.constant 0 : i32
      %dma_wait3A_82 = tpu.memref_slice %arg3[%mul3A_2, %dma_wait3A_81] : memref<2560x128xi32, #tpu.memory_space<hbm>> -> memref<80x128xi32, #tpu.memory_space<hbm>>
      tpu.wait_dma2 semaphore(%run_scoped3A : memref<!tpu.dma_semaphore, #tpu.memory_space<semaphore_mem>>) src(%dma_wait3A_82 : memref<80x128xi32, #tpu.memory_space<hbm>>) dst(%arg6 : memref<80x128xi32, #tpu.memory_space<vmem>>)
      tpu.yield
    }) : () -> ()
    %add3A_28 = arith.constant 0 : i32
    %add3A_29 = arith.addi %mul3A_2, %add3A_28 : i32
    "tpu.region"() ({
      %run_scoped3A = tpu.sem_alloc : memref<!tpu.dma_semaphore, #tpu.memory_space<semaphore_mem>>
      %dma_start3A_76 = arith.constant 0 : i32
      %dma_start3A_77 = tpu.memref_slice %arg4[%add3A_29, %dma_start3A_76] : memref<2560x128xi32, #tpu.memory_space<hbm>> -> memref<40x128xi32, #tpu.memory_space<hbm>>
      %dma_start3A_78 = arith.constant 0 : i32
      %dma_start3A_79 = tpu.memref_slice %arg4[%add3A_29, %dma_start3A_78] : memref<2560x128xi32, #tpu.memory_space<hbm>> -> memref<40x128xi32, #tpu.memory_space<hbm>>
      tpu.enqueue_dma source(%dma_start3A_79 : memref<40x128xi32, #tpu.memory_space<hbm>>) target(%arg7 : memref<40x128xi32, #tpu.memory_space<vmem>>) target_semaphore(%run_scoped3A : memref<!tpu.dma_semaphore, #tpu.memory_space<semaphore_mem>>)
      %dma_wait3A = arith.constant 0 : i32
      %dma_wait3A_80 = tpu.memref_slice %arg4[%add3A_29, %dma_wait3A] : memref<2560x128xi32, #tpu.memory_space<hbm>> -> memref<40x128xi32, #tpu.memory_space<hbm>>
      %dma_wait3A_81 = arith.constant 0 : i32
      %dma_wait3A_82 = tpu.memref_slice %arg4[%add3A_29, %dma_wait3A_81] : memref<2560x128xi32, #tpu.memory_space<hbm>> -> memref<40x128xi32, #tpu.memory_space<hbm>>
      tpu.wait_dma2 semaphore(%run_scoped3A : memref<!tpu.dma_semaphore, #tpu.memory_space<semaphore_mem>>) src(%dma_wait3A_82 : memref<40x128xi32, #tpu.memory_space<hbm>>) dst(%arg7 : memref<40x128xi32, #tpu.memory_space<vmem>>)
      tpu.yield
    }) : () -> ()
    %dma_start3A = arith.constant 0 : i32
    %dma_start3A_30 = arith.constant 0 : i32
    %dma_start3A_31 = tpu.memref_slice %arg6[%dma_start3A, %dma_start3A_30] : memref<80x128xi32, #tpu.memory_space<vmem>> -> memref<1x128xi32, #tpu.memory_space<vmem>>
    %dma_start3A_32 = tpu.memref_squeeze %dma_start3A_31 : memref<1x128xi32, #tpu.memory_space<vmem>> -> memref<128xi32, #tpu.memory_space<vmem>>
    %dma_start3A_33 = arith.constant 0 : i32
    %dma_start3A_34 = arith.constant 0 : i32
    %dma_start3A_35 = tpu.memref_slice %arg2[%dma_start3A_33, %dma_start3A_34] : memref<10240x128xf32, #tpu.memory_space<hbm>> -> memref<10240x128xf32, #tpu.memory_space<hbm>>
    tpu.enqueue_indirect_dma source(%dma_start3A_35 : memref<10240x128xf32, #tpu.memory_space<hbm>>) target(%arg8 : memref<128x128xf32, #tpu.memory_space<vmem>>) offsets(%dma_start3A_32 : memref<128xi32, #tpu.memory_space<vmem>>) semaphore(%arg10 : memref<!tpu.dma_semaphore, #tpu.memory_space<semaphore_mem>>)
    %dma_start3A_36 = arith.constant 1 : i32
    %dma_start3A_37 = arith.constant 0 : i32
    %dma_start3A_38 = tpu.memref_slice %arg6[%dma_start3A_36, %dma_start3A_37] : memref<80x128xi32, #tpu.memory_space<vmem>> -> memref<1x128xi32, #tpu.memory_space<vmem>>
    %dma_start3A_39 = tpu.memref_squeeze %dma_start3A_38 : memref<1x128xi32, #tpu.memory_space<vmem>> -> memref<128xi32, #tpu.memory_space<vmem>>
    %dma_start3A_40 = arith.constant 0 : i32
    %dma_start3A_41 = arith.constant 0 : i32
    %dma_start3A_42 = tpu.memref_slice %arg2[%dma_start3A_40, %dma_start3A_41] : memref<10240x128xf32, #tpu.memory_space<hbm>> -> memref<10240x128xf32, #tpu.memory_space<hbm>>
    tpu.enqueue_indirect_dma source(%dma_start3A_42 : memref<10240x128xf32, #tpu.memory_space<hbm>>) target(%arg9 : memref<128x128xf32, #tpu.memory_space<vmem>>) offsets(%dma_start3A_39 : memref<128xi32, #tpu.memory_space<vmem>>) semaphore(%arg11 : memref<!tpu.dma_semaphore, #tpu.memory_space<semaphore_mem>>)
    %scan3A_43 = arith.constant 0 : i32
    %scan3A_44 = arith.constant 0 : i32
    %scan3A_45 = arith.constant 20 : i32
    %scan3A_46 = arith.addi %scan3A_44, %scan3A_45 : i32
    %scan3A_47 = arith.constant 1 : i32
    scf.for %scan3A_76 = %scan3A_44 to %scan3A_46 step %scan3A_47  : i32 {
      %mul3A_77 = arith.constant 2 : i32
      %mul3A_78 = arith.muli %scan3A_76, %mul3A_77 : i32
      %add3A_79 = arith.constant 0 : i32
      %add3A_80 = arith.addi %mul3A_78, %add3A_79 : i32
      %add3A_81 = arith.constant 0 : i32
      %add3A_82 = arith.addi %add3A_81, %add3A_80 : i32
      %dma_wait3A = arith.constant 0 : i32
      %dma_wait3A_83 = tpu.memref_slice %arg6[%add3A_82, %dma_wait3A] : memref<80x128xi32, #tpu.memory_space<vmem>> -> memref<1x128xi32, #tpu.memory_space<vmem>>
      %dma_wait3A_84 = tpu.memref_squeeze %dma_wait3A_83 : memref<1x128xi32, #tpu.memory_space<vmem>> -> memref<128xi32, #tpu.memory_space<vmem>>
      %dma_wait3A_85 = arith.constant 0 : i32
      %dma_wait3A_86 = arith.constant 0 : i32
      %dma_wait3A_87 = tpu.memref_slice %arg2[%dma_wait3A_85, %dma_wait3A_86] : memref<10240x128xf32, #tpu.memory_space<hbm>> -> memref<10240x128xf32, #tpu.memory_space<hbm>>
      tpu.wait_indirect_dma semaphore(%arg10 : memref<!tpu.dma_semaphore, #tpu.memory_space<semaphore_mem>>) src(%dma_wait3A_87 : memref<10240x128xf32, #tpu.memory_space<hbm>>) dst(%arg8 : memref<128x128xf32, #tpu.memory_space<vmem>>)
      "tpu.region"() ({
        %run_scoped3A = tpu.sem_alloc : memref<!tpu.dma_semaphore, #tpu.memory_space<semaphore_mem>>
        %dma_start3A_111 = arith.constant 0 : i32
        %dma_start3A_112 = tpu.memref_slice %arg7[%add3A_80, %dma_start3A_111] : memref<40x128xi32, #tpu.memory_space<vmem>> -> memref<1x128xi32, #tpu.memory_space<vmem>>
        %dma_start3A_113 = tpu.memref_squeeze %dma_start3A_112 : memref<1x128xi32, #tpu.memory_space<vmem>> -> memref<128xi32, #tpu.memory_space<vmem>>
        %dma_start3A_114 = arith.constant 0 : i32
        %dma_start3A_115 = arith.constant 0 : i32
        %dma_start3A_116 = tpu.memref_slice %arg12[%dma_start3A_114, %dma_start3A_115] : memref<10240x128xf32, #tpu.memory_space<vmem_shared>> -> memref<10240x128xf32, #tpu.memory_space<vmem_shared>>
        tpu.enqueue_indirect_dma source(%arg8 : memref<128x128xf32, #tpu.memory_space<vmem>>) target(%dma_start3A_116 : memref<10240x128xf32, #tpu.memory_space<vmem_shared>>) offsets(%dma_start3A_113 : memref<128xi32, #tpu.memory_space<vmem>>) semaphore(%run_scoped3A : memref<!tpu.dma_semaphore, #tpu.memory_space<semaphore_mem>>) {add = true}
        %dma_wait3A_117 = arith.constant 0 : i32
        %dma_wait3A_118 = tpu.memref_slice %arg7[%add3A_80, %dma_wait3A_117] : memref<40x128xi32, #tpu.memory_space<vmem>> -> memref<1x128xi32, #tpu.memory_space<vmem>>
        %dma_wait3A_119 = tpu.memref_squeeze %dma_wait3A_118 : memref<1x128xi32, #tpu.memory_space<vmem>> -> memref<128xi32, #tpu.memory_space<vmem>>
        %dma_wait3A_120 = arith.constant 0 : i32
        %dma_wait3A_121 = arith.constant 0 : i32
        %dma_wait3A_122 = tpu.memref_slice %arg12[%dma_wait3A_120, %dma_wait3A_121] : memref<10240x128xf32, #tpu.memory_space<vmem_shared>> -> memref<10240x128xf32, #tpu.memory_space<vmem_shared>>
        tpu.wait_indirect_dma semaphore(%run_scoped3A : memref<!tpu.dma_semaphore, #tpu.memory_space<semaphore_mem>>) src(%arg8 : memref<128x128xf32, #tpu.memory_space<vmem>>) dst(%dma_wait3A_122 : memref<10240x128xf32, #tpu.memory_space<vmem_shared>>)
        tpu.yield
      }) : () -> ()
      %add3A_88 = arith.constant 2 : i32
      %add3A_89 = arith.addi %add3A_80, %add3A_88 : i32
      %lt3A = arith.constant 40 : i32
      %lt3A_90 = arith.cmpi slt, %add3A_89, %lt3A : i32
      %convert_element_type3A = arith.extui %lt3A_90 : i1 to i32
      %cond3A = arith.constant 0 : i32
      %cond3A_91 = arith.cmpi ne, %convert_element_type3A, %cond3A : i32
      scf.if %cond3A_91 {
        %add3A_111 = arith.constant 0 : i32
        %add3A_112 = arith.addi %add3A_111, %add3A_80 : i32
        %add3A_113 = arith.constant 2 : i32
        %add3A_114 = arith.addi %add3A_112, %add3A_113 : i32
        %dma_start3A_115 = arith.constant 0 : i32
        %dma_start3A_116 = tpu.memref_slice %arg6[%add3A_114, %dma_start3A_115] : memref<80x128xi32, #tpu.memory_space<vmem>> -> memref<1x128xi32, #tpu.memory_space<vmem>>
        %dma_start3A_117 = tpu.memref_squeeze %dma_start3A_116 : memref<1x128xi32, #tpu.memory_space<vmem>> -> memref<128xi32, #tpu.memory_space<vmem>>
        %dma_start3A_118 = arith.constant 0 : i32
        %dma_start3A_119 = arith.constant 0 : i32
        %dma_start3A_120 = tpu.memref_slice %arg2[%dma_start3A_118, %dma_start3A_119] : memref<10240x128xf32, #tpu.memory_space<hbm>> -> memref<10240x128xf32, #tpu.memory_space<hbm>>
        tpu.enqueue_indirect_dma source(%dma_start3A_120 : memref<10240x128xf32, #tpu.memory_space<hbm>>) target(%arg8 : memref<128x128xf32, #tpu.memory_space<vmem>>) offsets(%dma_start3A_117 : memref<128xi32, #tpu.memory_space<vmem>>) semaphore(%arg10 : memref<!tpu.dma_semaphore, #tpu.memory_space<semaphore_mem>>)
      } else {
      }
      %mul3A_92 = arith.constant 2 : i32
      %mul3A_93 = arith.muli %scan3A_76, %mul3A_92 : i32
      %add3A_94 = arith.constant 1 : i32
      %add3A_95 = arith.addi %mul3A_93, %add3A_94 : i32
      %add3A_96 = arith.constant 0 : i32
      %add3A_97 = arith.addi %add3A_96, %add3A_95 : i32
      %dma_wait3A_98 = arith.constant 0 : i32
      %dma_wait3A_99 = tpu.memref_slice %arg6[%add3A_97, %dma_wait3A_98] : memref<80x128xi32, #tpu.memory_space<vmem>> -> memref<1x128xi32, #tpu.memory_space<vmem>>
      %dma_wait3A_100 = tpu.memref_squeeze %dma_wait3A_99 : memref<1x128xi32, #tpu.memory_space<vmem>> -> memref<128xi32, #tpu.memory_space<vmem>>
      %dma_wait3A_101 = arith.constant 0 : i32
      %dma_wait3A_102 = arith.constant 0 : i32
      %dma_wait3A_103 = tpu.memref_slice %arg2[%dma_wait3A_101, %dma_wait3A_102] : memref<10240x128xf32, #tpu.memory_space<hbm>> -> memref<10240x128xf32, #tpu.memory_space<hbm>>
      tpu.wait_indirect_dma semaphore(%arg11 : memref<!tpu.dma_semaphore, #tpu.memory_space<semaphore_mem>>) src(%dma_wait3A_103 : memref<10240x128xf32, #tpu.memory_space<hbm>>) dst(%arg9 : memref<128x128xf32, #tpu.memory_space<vmem>>)
      "tpu.region"() ({
        %run_scoped3A = tpu.sem_alloc : memref<!tpu.dma_semaphore, #tpu.memory_space<semaphore_mem>>
        %dma_start3A_111 = arith.constant 0 : i32
        %dma_start3A_112 = tpu.memref_slice %arg7[%add3A_95, %dma_start3A_111] : memref<40x128xi32, #tpu.memory_space<vmem>> -> memref<1x128xi32, #tpu.memory_space<vmem>>
        %dma_start3A_113 = tpu.memref_squeeze %dma_start3A_112 : memref<1x128xi32, #tpu.memory_space<vmem>> -> memref<128xi32, #tpu.memory_space<vmem>>
        %dma_start3A_114 = arith.constant 0 : i32
        %dma_start3A_115 = arith.constant 0 : i32
        %dma_start3A_116 = tpu.memref_slice %arg12[%dma_start3A_114, %dma_start3A_115] : memref<10240x128xf32, #tpu.memory_space<vmem_shared>> -> memref<10240x128xf32, #tpu.memory_space<vmem_shared>>
        tpu.enqueue_indirect_dma source(%arg9 : memref<128x128xf32, #tpu.memory_space<vmem>>) target(%dma_start3A_116 : memref<10240x128xf32, #tpu.memory_space<vmem_shared>>) offsets(%dma_start3A_113 : memref<128xi32, #tpu.memory_space<vmem>>) semaphore(%run_scoped3A : memref<!tpu.dma_semaphore, #tpu.memory_space<semaphore_mem>>) {add = true}
        %dma_wait3A_117 = arith.constant 0 : i32
        %dma_wait3A_118 = tpu.memref_slice %arg7[%add3A_95, %dma_wait3A_117] : memref<40x128xi32, #tpu.memory_space<vmem>> -> memref<1x128xi32, #tpu.memory_space<vmem>>
        %dma_wait3A_119 = tpu.memref_squeeze %dma_wait3A_118 : memref<1x128xi32, #tpu.memory_space<vmem>> -> memref<128xi32, #tpu.memory_space<vmem>>
        %dma_wait3A_120 = arith.constant 0 : i32
        %dma_wait3A_121 = arith.constant 0 : i32
        %dma_wait3A_122 = tpu.memref_slice %arg12[%dma_wait3A_120, %dma_wait3A_121] : memref<10240x128xf32, #tpu.memory_space<vmem_shared>> -> memref<10240x128xf32, #tpu.memory_space<vmem_shared>>
        tpu.wait_indirect_dma semaphore(%run_scoped3A : memref<!tpu.dma_semaphore, #tpu.memory_space<semaphore_mem>>) src(%arg9 : memref<128x128xf32, #tpu.memory_space<vmem>>) dst(%dma_wait3A_122 : memref<10240x128xf32, #tpu.memory_space<vmem_shared>>)
        tpu.yield
      }) : () -> ()
      %add3A_104 = arith.constant 2 : i32
      %add3A_105 = arith.addi %add3A_95, %add3A_104 : i32
      %lt3A_106 = arith.constant 40 : i32
      %lt3A_107 = arith.cmpi slt, %add3A_105, %lt3A_106 : i32
      %convert_element_type3A_108 = arith.extui %lt3A_107 : i1 to i32
      %cond3A_109 = arith.constant 0 : i32
      %cond3A_110 = arith.cmpi ne, %convert_element_type3A_108, %cond3A_109 : i32
      scf.if %cond3A_110 {
        %add3A_111 = arith.constant 0 : i32
        %add3A_112 = arith.addi %add3A_111, %add3A_95 : i32
        %add3A_113 = arith.constant 2 : i32
        %add3A_114 = arith.addi %add3A_112, %add3A_113 : i32
        %dma_start3A_115 = arith.constant 0 : i32
        %dma_start3A_116 = tpu.memref_slice %arg6[%add3A_114, %dma_start3A_115] : memref<80x128xi32, #tpu.memory_space<vmem>> -> memref<1x128xi32, #tpu.memory_space<vmem>>
        %dma_start3A_117 = tpu.memref_squeeze %dma_start3A_116 : memref<1x128xi32, #tpu.memory_space<vmem>> -> memref<128xi32, #tpu.memory_space<vmem>>
        %dma_start3A_118 = arith.constant 0 : i32
        %dma_start3A_119 = arith.constant 0 : i32
        %dma_start3A_120 = tpu.memref_slice %arg2[%dma_start3A_118, %dma_start3A_119] : memref<10240x128xf32, #tpu.memory_space<hbm>> -> memref<10240x128xf32, #tpu.memory_space<hbm>>
        tpu.enqueue_indirect_dma source(%dma_start3A_120 : memref<10240x128xf32, #tpu.memory_space<hbm>>) target(%arg9 : memref<128x128xf32, #tpu.memory_space<vmem>>) offsets(%dma_start3A_117 : memref<128xi32, #tpu.memory_space<vmem>>) semaphore(%arg11 : memref<!tpu.dma_semaphore, #tpu.memory_space<semaphore_mem>>)
      } else {
      }
    }
    %scan3A_48 = arith.constant 20 : i32
    %add3A_49 = arith.constant 40 : i32
    %add3A_50 = arith.addi %mul3A_2, %add3A_49 : i32
    "tpu.region"() ({
      %run_scoped3A = tpu.sem_alloc : memref<!tpu.dma_semaphore, #tpu.memory_space<semaphore_mem>>
      %dma_start3A_76 = arith.constant 0 : i32
      %dma_start3A_77 = tpu.memref_slice %arg4[%add3A_50, %dma_start3A_76] : memref<2560x128xi32, #tpu.memory_space<hbm>> -> memref<40x128xi32, #tpu.memory_space<hbm>>
      %dma_start3A_78 = arith.constant 0 : i32
      %dma_start3A_79 = tpu.memref_slice %arg4[%add3A_50, %dma_start3A_78] : memref<2560x128xi32, #tpu.memory_space<hbm>> -> memref<40x128xi32, #tpu.memory_space<hbm>>
      tpu.enqueue_dma source(%dma_start3A_79 : memref<40x128xi32, #tpu.memory_space<hbm>>) target(%arg7 : memref<40x128xi32, #tpu.memory_space<vmem>>) target_semaphore(%run_scoped3A : memref<!tpu.dma_semaphore, #tpu.memory_space<semaphore_mem>>)
      %dma_wait3A = arith.constant 0 : i32
      %dma_wait3A_80 = tpu.memref_slice %arg4[%add3A_50, %dma_wait3A] : memref<2560x128xi32, #tpu.memory_space<hbm>> -> memref<40x128xi32, #tpu.memory_space<hbm>>
      %dma_wait3A_81 = arith.constant 0 : i32
      %dma_wait3A_82 = tpu.memref_slice %arg4[%add3A_50, %dma_wait3A_81] : memref<2560x128xi32, #tpu.memory_space<hbm>> -> memref<40x128xi32, #tpu.memory_space<hbm>>
      tpu.wait_dma2 semaphore(%run_scoped3A : memref<!tpu.dma_semaphore, #tpu.memory_space<semaphore_mem>>) src(%dma_wait3A_82 : memref<40x128xi32, #tpu.memory_space<hbm>>) dst(%arg7 : memref<40x128xi32, #tpu.memory_space<vmem>>)
      tpu.yield
    }) : () -> ()
    %dma_start3A_51 = arith.constant 40 : i32
    %dma_start3A_52 = arith.constant 0 : i32
    %dma_start3A_53 = tpu.memref_slice %arg6[%dma_start3A_51, %dma_start3A_52] : memref<80x128xi32, #tpu.memory_space<vmem>> -> memref<1x128xi32, #tpu.memory_space<vmem>>
    %dma_start3A_54 = tpu.memref_squeeze %dma_start3A_53 : memref<1x128xi32, #tpu.memory_space<vmem>> -> memref<128xi32, #tpu.memory_space<vmem>>
    %dma_start3A_55 = arith.constant 0 : i32
    %dma_start3A_56 = arith.constant 0 : i32
    %dma_start3A_57 = tpu.memref_slice %arg2[%dma_start3A_55, %dma_start3A_56] : memref<10240x128xf32, #tpu.memory_space<hbm>> -> memref<10240x128xf32, #tpu.memory_space<hbm>>
    tpu.enqueue_indirect_dma source(%dma_start3A_57 : memref<10240x128xf32, #tpu.memory_space<hbm>>) target(%arg8 : memref<128x128xf32, #tpu.memory_space<vmem>>) offsets(%dma_start3A_54 : memref<128xi32, #tpu.memory_space<vmem>>) semaphore(%arg10 : memref<!tpu.dma_semaphore, #tpu.memory_space<semaphore_mem>>)
    %dma_start3A_58 = arith.constant 41 : i32
    %dma_start3A_59 = arith.constant 0 : i32
    %dma_start3A_60 = tpu.memref_slice %arg6[%dma_start3A_58, %dma_start3A_59] : memref<80x128xi32, #tpu.memory_space<vmem>> -> memref<1x128xi32, #tpu.memory_space<vmem>>
    %dma_start3A_61 = tpu.memref_squeeze %dma_start3A_60 : memref<1x128xi32, #tpu.memory_space<vmem>> -> memref<128xi32, #tpu.memory_space<vmem>>
    %dma_start3A_62 = arith.constant 0 : i32
    %dma_start3A_63 = arith.constant 0 : i32
    %dma_start3A_64 = tpu.memref_slice %arg2[%dma_start3A_62, %dma_start3A_63] : memref<10240x128xf32, #tpu.memory_space<hbm>> -> memref<10240x128xf32, #tpu.memory_space<hbm>>
    tpu.enqueue_indirect_dma source(%dma_start3A_64 : memref<10240x128xf32, #tpu.memory_space<hbm>>) target(%arg9 : memref<128x128xf32, #tpu.memory_space<vmem>>) offsets(%dma_start3A_61 : memref<128xi32, #tpu.memory_space<vmem>>) semaphore(%arg11 : memref<!tpu.dma_semaphore, #tpu.memory_space<semaphore_mem>>)
    %scan3A_65 = arith.constant 0 : i32
    %scan3A_66 = arith.constant 0 : i32
    %scan3A_67 = arith.constant 20 : i32
    %scan3A_68 = arith.addi %scan3A_66, %scan3A_67 : i32
    %scan3A_69 = arith.constant 1 : i32
    scf.for %scan3A_76 = %scan3A_66 to %scan3A_68 step %scan3A_69  : i32 {
      %mul3A_77 = arith.constant 2 : i32
      %mul3A_78 = arith.muli %scan3A_76, %mul3A_77 : i32
      %add3A_79 = arith.constant 0 : i32
      %add3A_80 = arith.addi %mul3A_78, %add3A_79 : i32
      %add3A_81 = arith.constant 40 : i32
      %add3A_82 = arith.addi %add3A_81, %add3A_80 : i32
      %dma_wait3A = arith.constant 0 : i32
      %dma_wait3A_83 = tpu.memref_slice %arg6[%add3A_82, %dma_wait3A] : memref<80x128xi32, #tpu.memory_space<vmem>> -> memref<1x128xi32, #tpu.memory_space<vmem>>
      %dma_wait3A_84 = tpu.memref_squeeze %dma_wait3A_83 : memref<1x128xi32, #tpu.memory_space<vmem>> -> memref<128xi32, #tpu.memory_space<vmem>>
      %dma_wait3A_85 = arith.constant 0 : i32
      %dma_wait3A_86 = arith.constant 0 : i32
      %dma_wait3A_87 = tpu.memref_slice %arg2[%dma_wait3A_85, %dma_wait3A_86] : memref<10240x128xf32, #tpu.memory_space<hbm>> -> memref<10240x128xf32, #tpu.memory_space<hbm>>
      tpu.wait_indirect_dma semaphore(%arg10 : memref<!tpu.dma_semaphore, #tpu.memory_space<semaphore_mem>>) src(%dma_wait3A_87 : memref<10240x128xf32, #tpu.memory_space<hbm>>) dst(%arg8 : memref<128x128xf32, #tpu.memory_space<vmem>>)
      "tpu.region"() ({
        %run_scoped3A = tpu.sem_alloc : memref<!tpu.dma_semaphore, #tpu.memory_space<semaphore_mem>>
        %dma_start3A_111 = arith.constant 0 : i32
        %dma_start3A_112 = tpu.memref_slice %arg7[%add3A_80, %dma_start3A_111] : memref<40x128xi32, #tpu.memory_space<vmem>> -> memref<1x128xi32, #tpu.memory_space<vmem>>
        %dma_start3A_113 = tpu.memref_squeeze %dma_start3A_112 : memref<1x128xi32, #tpu.memory_space<vmem>> -> memref<128xi32, #tpu.memory_space<vmem>>
        %dma_start3A_114 = arith.constant 0 : i32
        %dma_start3A_115 = arith.constant 0 : i32
        %dma_start3A_116 = tpu.memref_slice %arg12[%dma_start3A_114, %dma_start3A_115] : memref<10240x128xf32, #tpu.memory_space<vmem_shared>> -> memref<10240x128xf32, #tpu.memory_space<vmem_shared>>
        tpu.enqueue_indirect_dma source(%arg8 : memref<128x128xf32, #tpu.memory_space<vmem>>) target(%dma_start3A_116 : memref<10240x128xf32, #tpu.memory_space<vmem_shared>>) offsets(%dma_start3A_113 : memref<128xi32, #tpu.memory_space<vmem>>) semaphore(%run_scoped3A : memref<!tpu.dma_semaphore, #tpu.memory_space<semaphore_mem>>) {add = true}
        %dma_wait3A_117 = arith.constant 0 : i32
        %dma_wait3A_118 = tpu.memref_slice %arg7[%add3A_80, %dma_wait3A_117] : memref<40x128xi32, #tpu.memory_space<vmem>> -> memref<1x128xi32, #tpu.memory_space<vmem>>
        %dma_wait3A_119 = tpu.memref_squeeze %dma_wait3A_118 : memref<1x128xi32, #tpu.memory_space<vmem>> -> memref<128xi32, #tpu.memory_space<vmem>>
        %dma_wait3A_120 = arith.constant 0 : i32
        %dma_wait3A_121 = arith.constant 0 : i32
        %dma_wait3A_122 = tpu.memref_slice %arg12[%dma_wait3A_120, %dma_wait3A_121] : memref<10240x128xf32, #tpu.memory_space<vmem_shared>> -> memref<10240x128xf32, #tpu.memory_space<vmem_shared>>
        tpu.wait_indirect_dma semaphore(%run_scoped3A : memref<!tpu.dma_semaphore, #tpu.memory_space<semaphore_mem>>) src(%arg8 : memref<128x128xf32, #tpu.memory_space<vmem>>) dst(%dma_wait3A_122 : memref<10240x128xf32, #tpu.memory_space<vmem_shared>>)
        tpu.yield
      }) : () -> ()
      %add3A_88 = arith.constant 2 : i32
      %add3A_89 = arith.addi %add3A_80, %add3A_88 : i32
      %lt3A = arith.constant 40 : i32
      %lt3A_90 = arith.cmpi slt, %add3A_89, %lt3A : i32
      %convert_element_type3A = arith.extui %lt3A_90 : i1 to i32
      %cond3A = arith.constant 0 : i32
      %cond3A_91 = arith.cmpi ne, %convert_element_type3A, %cond3A : i32
      scf.if %cond3A_91 {
        %add3A_111 = arith.constant 40 : i32
        %add3A_112 = arith.addi %add3A_111, %add3A_80 : i32
        %add3A_113 = arith.constant 2 : i32
        %add3A_114 = arith.addi %add3A_112, %add3A_113 : i32
        %dma_start3A_115 = arith.constant 0 : i32
        %dma_start3A_116 = tpu.memref_slice %arg6[%add3A_114, %dma_start3A_115] : memref<80x128xi32, #tpu.memory_space<vmem>> -> memref<1x128xi32, #tpu.memory_space<vmem>>
        %dma_start3A_117 = tpu.memref_squeeze %dma_start3A_116 : memref<1x128xi32, #tpu.memory_space<vmem>> -> memref<128xi32, #tpu.memory_space<vmem>>
        %dma_start3A_118 = arith.constant 0 : i32
        %dma_start3A_119 = arith.constant 0 : i32
        %dma_start3A_120 = tpu.memref_slice %arg2[%dma_start3A_118, %dma_start3A_119] : memref<10240x128xf32, #tpu.memory_space<hbm>> -> memref<10240x128xf32, #tpu.memory_space<hbm>>
        tpu.enqueue_indirect_dma source(%dma_start3A_120 : memref<10240x128xf32, #tpu.memory_space<hbm>>) target(%arg8 : memref<128x128xf32, #tpu.memory_space<vmem>>) offsets(%dma_start3A_117 : memref<128xi32, #tpu.memory_space<vmem>>) semaphore(%arg10 : memref<!tpu.dma_semaphore, #tpu.memory_space<semaphore_mem>>)
      } else {
      }
      %mul3A_92 = arith.constant 2 : i32
      %mul3A_93 = arith.muli %scan3A_76, %mul3A_92 : i32
      %add3A_94 = arith.constant 1 : i32
      %add3A_95 = arith.addi %mul3A_93, %add3A_94 : i32
      %add3A_96 = arith.constant 40 : i32
      %add3A_97 = arith.addi %add3A_96, %add3A_95 : i32
      %dma_wait3A_98 = arith.constant 0 : i32
      %dma_wait3A_99 = tpu.memref_slice %arg6[%add3A_97, %dma_wait3A_98] : memref<80x128xi32, #tpu.memory_space<vmem>> -> memref<1x128xi32, #tpu.memory_space<vmem>>
      %dma_wait3A_100 = tpu.memref_squeeze %dma_wait3A_99 : memref<1x128xi32, #tpu.memory_space<vmem>> -> memref<128xi32, #tpu.memory_space<vmem>>
      %dma_wait3A_101 = arith.constant 0 : i32
      %dma_wait3A_102 = arith.constant 0 : i32
      %dma_wait3A_103 = tpu.memref_slice %arg2[%dma_wait3A_101, %dma_wait3A_102] : memref<10240x128xf32, #tpu.memory_space<hbm>> -> memref<10240x128xf32, #tpu.memory_space<hbm>>
      tpu.wait_indirect_dma semaphore(%arg11 : memref<!tpu.dma_semaphore, #tpu.memory_space<semaphore_mem>>) src(%dma_wait3A_103 : memref<10240x128xf32, #tpu.memory_space<hbm>>) dst(%arg9 : memref<128x128xf32, #tpu.memory_space<vmem>>)
      "tpu.region"() ({
        %run_scoped3A = tpu.sem_alloc : memref<!tpu.dma_semaphore, #tpu.memory_space<semaphore_mem>>
        %dma_start3A_111 = arith.constant 0 : i32
        %dma_start3A_112 = tpu.memref_slice %arg7[%add3A_95, %dma_start3A_111] : memref<40x128xi32, #tpu.memory_space<vmem>> -> memref<1x128xi32, #tpu.memory_space<vmem>>
        %dma_start3A_113 = tpu.memref_squeeze %dma_start3A_112 : memref<1x128xi32, #tpu.memory_space<vmem>> -> memref<128xi32, #tpu.memory_space<vmem>>
        %dma_start3A_114 = arith.constant 0 : i32
        %dma_start3A_115 = arith.constant 0 : i32
        %dma_start3A_116 = tpu.memref_slice %arg12[%dma_start3A_114, %dma_start3A_115] : memref<10240x128xf32, #tpu.memory_space<vmem_shared>> -> memref<10240x128xf32, #tpu.memory_space<vmem_shared>>
        tpu.enqueue_indirect_dma source(%arg9 : memref<128x128xf32, #tpu.memory_space<vmem>>) target(%dma_start3A_116 : memref<10240x128xf32, #tpu.memory_space<vmem_shared>>) offsets(%dma_start3A_113 : memref<128xi32, #tpu.memory_space<vmem>>) semaphore(%run_scoped3A : memref<!tpu.dma_semaphore, #tpu.memory_space<semaphore_mem>>) {add = true}
        %dma_wait3A_117 = arith.constant 0 : i32
        %dma_wait3A_118 = tpu.memref_slice %arg7[%add3A_95, %dma_wait3A_117] : memref<40x128xi32, #tpu.memory_space<vmem>> -> memref<1x128xi32, #tpu.memory_space<vmem>>
        %dma_wait3A_119 = tpu.memref_squeeze %dma_wait3A_118 : memref<1x128xi32, #tpu.memory_space<vmem>> -> memref<128xi32, #tpu.memory_space<vmem>>
        %dma_wait3A_120 = arith.constant 0 : i32
        %dma_wait3A_121 = arith.constant 0 : i32
        %dma_wait3A_122 = tpu.memref_slice %arg12[%dma_wait3A_120, %dma_wait3A_121] : memref<10240x128xf32, #tpu.memory_space<vmem_shared>> -> memref<10240x128xf32, #tpu.memory_space<vmem_shared>>
        tpu.wait_indirect_dma semaphore(%run_scoped3A : memref<!tpu.dma_semaphore, #tpu.memory_space<semaphore_mem>>) src(%arg9 : memref<128x128xf32, #tpu.memory_space<vmem>>) dst(%dma_wait3A_122 : memref<10240x128xf32, #tpu.memory_space<vmem_shared>>)
        tpu.yield
      }) : () -> ()
      %add3A_104 = arith.constant 2 : i32
      %add3A_105 = arith.addi %add3A_95, %add3A_104 : i32
      %lt3A_106 = arith.constant 40 : i32
      %lt3A_107 = arith.cmpi slt, %add3A_105, %lt3A_106 : i32
      %convert_element_type3A_108 = arith.extui %lt3A_107 : i1 to i32
      %cond3A_109 = arith.constant 0 : i32
      %cond3A_110 = arith.cmpi ne, %convert_element_type3A_108, %cond3A_109 : i32
      scf.if %cond3A_110 {
        %add3A_111 = arith.constant 40 : i32
        %add3A_112 = arith.addi %add3A_111, %add3A_95 : i32
        %add3A_113 = arith.constant 2 : i32
        %add3A_114 = arith.addi %add3A_112, %add3A_113 : i32
        %dma_start3A_115 = arith.constant 0 : i32
        %dma_start3A_116 = tpu.memref_slice %arg6[%add3A_114, %dma_start3A_115] : memref<80x128xi32, #tpu.memory_space<vmem>> -> memref<1x128xi32, #tpu.memory_space<vmem>>
        %dma_start3A_117 = tpu.memref_squeeze %dma_start3A_116 : memref<1x128xi32, #tpu.memory_space<vmem>> -> memref<128xi32, #tpu.memory_space<vmem>>
        %dma_start3A_118 = arith.constant 0 : i32
        %dma_start3A_119 = arith.constant 0 : i32
        %dma_start3A_120 = tpu.memref_slice %arg2[%dma_start3A_118, %dma_start3A_119] : memref<10240x128xf32, #tpu.memory_space<hbm>> -> memref<10240x128xf32, #tpu.memory_space<hbm>>
        tpu.enqueue_indirect_dma source(%dma_start3A_120 : memref<10240x128xf32, #tpu.memory_space<hbm>>) target(%arg9 : memref<128x128xf32, #tpu.memory_space<vmem>>) offsets(%dma_start3A_117 : memref<128xi32, #tpu.memory_space<vmem>>) semaphore(%arg11 : memref<!tpu.dma_semaphore, #tpu.memory_space<semaphore_mem>>)
      } else {
      }
    }
    %scan3A_70 = arith.constant 20 : i32
    %barrier3A_71 = arith.constant 0 : index
    tpu.barrier barrier_id(%barrier3A_71)
    %mul3A_72 = arith.constant 640 : i32
    %mul3A_73 = arith.muli %arg1, %mul3A_72 : i32
    %mul3A_74 = arith.constant 640 : i32
    %mul3A_75 = arith.muli %arg1, %mul3A_74 : i32
    "tpu.region"() ({
      %run_scoped3A = tpu.sem_alloc : memref<!tpu.dma_semaphore, #tpu.memory_space<semaphore_mem>>
      %dma_start3A_76 = arith.constant 0 : i32
      %dma_start3A_77 = tpu.memref_slice %arg5[%arg0, %mul3A_75, %dma_start3A_76] : memref<2x10240x128xf32, #tpu.memory_space<hbm>> -> memref<1x640x128xf32, #tpu.memory_space<hbm>>
      %dma_start3A_78 = tpu.memref_squeeze %dma_start3A_77 : memref<1x640x128xf32, #tpu.memory_space<hbm>> -> memref<640x128xf32, #tpu.memory_space<hbm>>
      %dma_start3A_79 = arith.constant 0 : i32
      %dma_start3A_80 = tpu.memref_slice %arg12[%mul3A_73, %dma_start3A_79] : memref<10240x128xf32, #tpu.memory_space<vmem_shared>> -> memref<640x128xf32, #tpu.memory_space<vmem_shared>>
      tpu.enqueue_dma source(%dma_start3A_80 : memref<640x128xf32, #tpu.memory_space<vmem_shared>>) target(%dma_start3A_78 : memref<640x128xf32, #tpu.memory_space<hbm>>) target_semaphore(%run_scoped3A : memref<!tpu.dma_semaphore, #tpu.memory_space<semaphore_mem>>)
      %dma_wait3A = arith.constant 0 : i32
      %dma_wait3A_81 = tpu.memref_slice %arg5[%arg0, %mul3A_75, %dma_wait3A] : memref<2x10240x128xf32, #tpu.memory_space<hbm>> -> memref<1x640x128xf32, #tpu.memory_space<hbm>>
      %dma_wait3A_82 = tpu.memref_squeeze %dma_wait3A_81 : memref<1x640x128xf32, #tpu.memory_space<hbm>> -> memref<640x128xf32, #tpu.memory_space<hbm>>
      %dma_wait3A_83 = arith.constant 0 : i32
      %dma_wait3A_84 = tpu.memref_slice %arg12[%mul3A_73, %dma_wait3A_83] : memref<10240x128xf32, #tpu.memory_space<vmem_shared>> -> memref<640x128xf32, #tpu.memory_space<vmem_shared>>
      tpu.wait_dma2 semaphore(%run_scoped3A : memref<!tpu.dma_semaphore, #tpu.memory_space<semaphore_mem>>) src(%dma_wait3A_84 : memref<640x128xf32, #tpu.memory_space<vmem_shared>>) dst(%dma_wait3A_82 : memref<640x128xf32, #tpu.memory_space<hbm>>)
      tpu.yield
    }) : () -> ()
    return
  }
}

#map = affine_map<(d0, d1) -> (0, 0)>
#map1 = affine_map<(d0, d1) -> (0, 0, 0)>
module attributes {stable_mosaic.version = 14 : i64} {
  func.func @_prop_body(%arg0: i32, %arg1: i32, %arg2: memref<10240x128xf32, #tpu.memory_space<hbm>>, %arg3: memref<2560x128xi32, #tpu.memory_space<hbm>>, %arg4: memref<2560x128xi32, #tpu.memory_space<hbm>>, %arg5: memref<2x10240x128xf32, #tpu.memory_space<hbm>>, %arg6: memref<80x128xi32, #tpu.memory_space<vmem>>, %arg7: memref<40x128xi32, #tpu.memory_space<vmem>>, %arg8: memref<128x128xf32, #tpu.memory_space<vmem>>, %arg9: memref<128x128xf32, #tpu.memory_space<vmem>>, %arg10: memref<!tpu.dma_semaphore, #tpu.memory_space<semaphore_mem>>, %arg11: memref<!tpu.dma_semaphore, #tpu.memory_space<semaphore_mem>>, %arg12: memref<10240x128xf32, #tpu.memory_space<vmem_shared>>) attributes {dimension_semantics = [#tpu.dimension_semantics<core_parallel>, #tpu.dimension_semantics<subcore_parallel>], iteration_bounds = array<i64: 2, 16>, scalar_prefetch = 0 : i64, scratch_operands = 7 : i64, tpu.core_type = #tpu.core_type<sc_vector_subcore>, window_params = [{transform_indices = #map}, {transform_indices = #map}, {transform_indices = #map}, {transform_indices = #map1}]} {
    %mul3A = arith.constant 2 : i32
    %mul3A_0 = arith.muli %arg1, %mul3A : i32
    %add3A = arith.addi %mul3A_0, %arg0 : i32
    %mul3A_1 = arith.constant 80 : i32
    %mul3A_2 = arith.muli %add3A, %mul3A_1 : i32
    %scan3A = arith.constant 0 : i32
    %scan3A_3 = arith.constant 0 : i32
    %scan3A_4 = arith.constant 128 : i32
    %scan3A_5 = arith.addi %scan3A_3, %scan3A_4 : i32
    %scan3A_6 = arith.constant 1 : i32
    scf.for %scan3A_76 = %scan3A_3 to %scan3A_5 step %scan3A_6  : i32 {
      %broadcast_in_dim3A = arith.constant 0.000000e+00 : f32
      %broadcast_in_dim3A_77 = vector.broadcast %broadcast_in_dim3A : f32 to vector<16xf32>
      %swap3A = arith.index_cast %scan3A_76 : i32 to index
      %swap3A_78 = arith.constant 0 : index
      %swap3A_79 = tpu.vector_load %arg8[%swap3A, %swap3A_78] {strides = array<i32>} : memref<128x128xf32, #tpu.memory_space<vmem>>, vector<1x16xf32>,
      %swap3A_80 = vector.shape_cast %swap3A_79 : vector<1x16xf32> to vector<16xf32>
      %swap3A_81 = vector.shape_cast %broadcast_in_dim3A_77 : vector<16xf32> to vector<1x16xf32>
      tpu.vector_store %arg8[%swap3A, %swap3A_78], %swap3A_81 {strides = array<i32>} : memref<128x128xf32, #tpu.memory_space<vmem>>, vector<1x16xf32>,
      %broadcast_in_dim3A_82 = arith.constant 0.000000e+00 : f32
      %broadcast_in_dim3A_83 = vector.broadcast %broadcast_in_dim3A_82 : f32 to vector<16xf32>
      %swap3A_84 = arith.index_cast %scan3A_76 : i32 to index
      %swap3A_85 = arith.constant 16 : index
      %swap3A_86 = tpu.vector_load %arg8[%swap3A_84, %swap3A_85] {strides = array<i32>} : memref<128x128xf32, #tpu.memory_space<vmem>>, vector<1x16xf32>,
      %swap3A_87 = vector.shape_cast %swap3A_86 : vector<1x16xf32> to vector<16xf32>
      %swap3A_88 = vector.shape_cast %broadcast_in_dim3A_83 : vector<16xf32> to vector<1x16xf32>
      tpu.vector_store %arg8[%swap3A_84, %swap3A_85], %swap3A_88 {strides = array<i32>} : memref<128x128xf32, #tpu.memory_space<vmem>>, vector<1x16xf32>,
      %broadcast_in_dim3A_89 = arith.constant 0.000000e+00 : f32
      %broadcast_in_dim3A_90 = vector.broadcast %broadcast_in_dim3A_89 : f32 to vector<16xf32>
      %swap3A_91 = arith.index_cast %scan3A_76 : i32 to index
      %swap3A_92 = arith.constant 32 : index
      %swap3A_93 = tpu.vector_load %arg8[%swap3A_91, %swap3A_92] {strides = array<i32>} : memref<128x128xf32, #tpu.memory_space<vmem>>, vector<1x16xf32>,
      %swap3A_94 = vector.shape_cast %swap3A_93 : vector<1x16xf32> to vector<16xf32>
      %swap3A_95 = vector.shape_cast %broadcast_in_dim3A_90 : vector<16xf32> to vector<1x16xf32>
      tpu.vector_store %arg8[%swap3A_91, %swap3A_92], %swap3A_95 {strides = array<i32>} : memref<128x128xf32, #tpu.memory_space<vmem>>, vector<1x16xf32>,
      %broadcast_in_dim3A_96 = arith.constant 0.000000e+00 : f32
      %broadcast_in_dim3A_97 = vector.broadcast %broadcast_in_dim3A_96 : f32 to vector<16xf32>
      %swap3A_98 = arith.index_cast %scan3A_76 : i32 to index
      %swap3A_99 = arith.constant 48 : index
      %swap3A_100 = tpu.vector_load %arg8[%swap3A_98, %swap3A_99] {strides = array<i32>} : memref<128x128xf32, #tpu.memory_space<vmem>>, vector<1x16xf32>,
      %swap3A_101 = vector.shape_cast %swap3A_100 : vector<1x16xf32> to vector<16xf32>
      %swap3A_102 = vector.shape_cast %broadcast_in_dim3A_97 : vector<16xf32> to vector<1x16xf32>
      tpu.vector_store %arg8[%swap3A_98, %swap3A_99], %swap3A_102 {strides = array<i32>} : memref<128x128xf32, #tpu.memory_space<vmem>>, vector<1x16xf32>,
      %broadcast_in_dim3A_103 = arith.constant 0.000000e+00 : f32
      %broadcast_in_dim3A_104 = vector.broadcast %broadcast_in_dim3A_103 : f32 to vector<16xf32>
      %swap3A_105 = arith.index_cast %scan3A_76 : i32 to index
      %swap3A_106 = arith.constant 64 : index
      %swap3A_107 = tpu.vector_load %arg8[%swap3A_105, %swap3A_106] {strides = array<i32>} : memref<128x128xf32, #tpu.memory_space<vmem>>, vector<1x16xf32>,
      %swap3A_108 = vector.shape_cast %swap3A_107 : vector<1x16xf32> to vector<16xf32>
      %swap3A_109 = vector.shape_cast %broadcast_in_dim3A_104 : vector<16xf32> to vector<1x16xf32>
      tpu.vector_store %arg8[%swap3A_105, %swap3A_106], %swap3A_109 {strides = array<i32>} : memref<128x128xf32, #tpu.memory_space<vmem>>, vector<1x16xf32>,
      %broadcast_in_dim3A_110 = arith.constant 0.000000e+00 : f32
      %broadcast_in_dim3A_111 = vector.broadcast %broadcast_in_dim3A_110 : f32 to vector<16xf32>
      %swap3A_112 = arith.index_cast %scan3A_76 : i32 to index
      %swap3A_113 = arith.constant 80 : index
      %swap3A_114 = tpu.vector_load %arg8[%swap3A_112, %swap3A_113] {strides = array<i32>} : memref<128x128xf32, #tpu.memory_space<vmem>>, vector<1x16xf32>,
      %swap3A_115 = vector.shape_cast %swap3A_114 : vector<1x16xf32> to vector<16xf32>
      %swap3A_116 = vector.shape_cast %broadcast_in_dim3A_111 : vector<16xf32> to vector<1x16xf32>
      tpu.vector_store %arg8[%swap3A_112, %swap3A_113], %swap3A_116 {strides = array<i32>} : memref<128x128xf32, #tpu.memory_space<vmem>>, vector<1x16xf32>,
      %broadcast_in_dim3A_117 = arith.constant 0.000000e+00 : f32
      %broadcast_in_dim3A_118 = vector.broadcast %broadcast_in_dim3A_117 : f32 to vector<16xf32>
      %swap3A_119 = arith.index_cast %scan3A_76 : i32 to index
      %swap3A_120 = arith.constant 96 : index
      %swap3A_121 = tpu.vector_load %arg8[%swap3A_119, %swap3A_120] {strides = array<i32>} : memref<128x128xf32, #tpu.memory_space<vmem>>, vector<1x16xf32>,
      %swap3A_122 = vector.shape_cast %swap3A_121 : vector<1x16xf32> to vector<16xf32>
      %swap3A_123 = vector.shape_cast %broadcast_in_dim3A_118 : vector<16xf32> to vector<1x16xf32>
      tpu.vector_store %arg8[%swap3A_119, %swap3A_120], %swap3A_123 {strides = array<i32>} : memref<128x128xf32, #tpu.memory_space<vmem>>, vector<1x16xf32>,
      %broadcast_in_dim3A_124 = arith.constant 0.000000e+00 : f32
      %broadcast_in_dim3A_125 = vector.broadcast %broadcast_in_dim3A_124 : f32 to vector<16xf32>
      %swap3A_126 = arith.index_cast %scan3A_76 : i32 to index
      %swap3A_127 = arith.constant 112 : index
      %swap3A_128 = tpu.vector_load %arg8[%swap3A_126, %swap3A_127] {strides = array<i32>} : memref<128x128xf32, #tpu.memory_space<vmem>>, vector<1x16xf32>,
      %swap3A_129 = vector.shape_cast %swap3A_128 : vector<1x16xf32> to vector<16xf32>
      %swap3A_130 = vector.shape_cast %broadcast_in_dim3A_125 : vector<16xf32> to vector<1x16xf32>
      tpu.vector_store %arg8[%swap3A_126, %swap3A_127], %swap3A_130 {strides = array<i32>} : memref<128x128xf32, #tpu.memory_space<vmem>>, vector<1x16xf32>,
    }
    %scan3A_7 = arith.constant 128 : i32
    %mul3A_8 = arith.constant 640 : i32
    %mul3A_9 = arith.muli %arg1, %mul3A_8 : i32
    %add3A_10 = arith.constant 0 : i32
    %add3A_11 = arith.addi %mul3A_9, %add3A_10 : i32
    "tpu.region"() ({
      %run_scoped3A = tpu.sem_alloc : memref<!tpu.dma_semaphore, #tpu.memory_space<semaphore_mem>>
      %dma_start3A_76 = arith.constant 0 : i32
      %dma_start3A_77 = tpu.memref_slice %arg12[%add3A_11, %dma_start3A_76] : memref<10240x128xf32, #tpu.memory_space<vmem_shared>> -> memref<128x128xf32, #tpu.memory_space<vmem_shared>>
      %dma_start3A_78 = arith.constant 0 : i32
      %dma_start3A_79 = tpu.memref_slice %arg12[%add3A_11, %dma_start3A_78] : memref<10240x128xf32, #tpu.memory_space<vmem_shared>> -> memref<128x128xf32, #tpu.memory_space<vmem_shared>>
      tpu.enqueue_dma source(%arg8 : memref<128x128xf32, #tpu.memory_space<vmem>>) target(%dma_start3A_79 : memref<128x128xf32, #tpu.memory_space<vmem_shared>>) target_semaphore(%run_scoped3A : memref<!tpu.dma_semaphore, #tpu.memory_space<semaphore_mem>>)
      %dma_wait3A = arith.constant 0 : i32
      %dma_wait3A_80 = tpu.memref_slice %arg12[%add3A_11, %dma_wait3A] : memref<10240x128xf32, #tpu.memory_space<vmem_shared>> -> memref<128x128xf32, #tpu.memory_space<vmem_shared>>
      %dma_wait3A_81 = arith.constant 0 : i32
      %dma_wait3A_82 = tpu.memref_slice %arg12[%add3A_11, %dma_wait3A_81] : memref<10240x128xf32, #tpu.memory_space<vmem_shared>> -> memref<128x128xf32, #tpu.memory_space<vmem_shared>>
      tpu.wait_dma2 semaphore(%run_scoped3A : memref<!tpu.dma_semaphore, #tpu.memory_space<semaphore_mem>>) src(%arg8 : memref<128x128xf32, #tpu.memory_space<vmem>>) dst(%dma_wait3A_82 : memref<128x128xf32, #tpu.memory_space<vmem_shared>>)
      tpu.yield
    }) : () -> ()
    %mul3A_12 = arith.constant 640 : i32
    %mul3A_13 = arith.muli %arg1, %mul3A_12 : i32
    %add3A_14 = arith.constant 128 : i32
    %add3A_15 = arith.addi %mul3A_13, %add3A_14 : i32
    "tpu.region"() ({
      %run_scoped3A = tpu.sem_alloc : memref<!tpu.dma_semaphore, #tpu.memory_space<semaphore_mem>>
      %dma_start3A_76 = arith.constant 0 : i32
      %dma_start3A_77 = tpu.memref_slice %arg12[%add3A_15, %dma_start3A_76] : memref<10240x128xf32, #tpu.memory_space<vmem_shared>> -> memref<128x128xf32, #tpu.memory_space<vmem_shared>>
      %dma_start3A_78 = arith.constant 0 : i32
      %dma_start3A_79 = tpu.memref_slice %arg12[%add3A_15, %dma_start3A_78] : memref<10240x128xf32, #tpu.memory_space<vmem_shared>> -> memref<128x128xf32, #tpu.memory_space<vmem_shared>>
      tpu.enqueue_dma source(%arg8 : memref<128x128xf32, #tpu.memory_space<vmem>>) target(%dma_start3A_79 : memref<128x128xf32, #tpu.memory_space<vmem_shared>>) target_semaphore(%run_scoped3A : memref<!tpu.dma_semaphore, #tpu.memory_space<semaphore_mem>>)
      %dma_wait3A = arith.constant 0 : i32
      %dma_wait3A_80 = tpu.memref_slice %arg12[%add3A_15, %dma_wait3A] : memref<10240x128xf32, #tpu.memory_space<vmem_shared>> -> memref<128x128xf32, #tpu.memory_space<vmem_shared>>
      %dma_wait3A_81 = arith.constant 0 : i32
      %dma_wait3A_82 = tpu.memref_slice %arg12[%add3A_15, %dma_wait3A_81] : memref<10240x128xf32, #tpu.memory_space<vmem_shared>> -> memref<128x128xf32, #tpu.memory_space<vmem_shared>>
      tpu.wait_dma2 semaphore(%run_scoped3A : memref<!tpu.dma_semaphore, #tpu.memory_space<semaphore_mem>>) src(%arg8 : memref<128x128xf32, #tpu.memory_space<vmem>>) dst(%dma_wait3A_82 : memref<128x128xf32, #tpu.memory_space<vmem_shared>>)
      tpu.yield
    }) : () -> ()
    %mul3A_16 = arith.constant 640 : i32
    %mul3A_17 = arith.muli %arg1, %mul3A_16 : i32
    %add3A_18 = arith.constant 256 : i32
    %add3A_19 = arith.addi %mul3A_17, %add3A_18 : i32
    "tpu.region"() ({
      %run_scoped3A = tpu.sem_alloc : memref<!tpu.dma_semaphore, #tpu.memory_space<semaphore_mem>>
      %dma_start3A_76 = arith.constant 0 : i32
      %dma_start3A_77 = tpu.memref_slice %arg12[%add3A_19, %dma_start3A_76] : memref<10240x128xf32, #tpu.memory_space<vmem_shared>> -> memref<128x128xf32, #tpu.memory_space<vmem_shared>>
      %dma_start3A_78 = arith.constant 0 : i32
      %dma_start3A_79 = tpu.memref_slice %arg12[%add3A_19, %dma_start3A_78] : memref<10240x128xf32, #tpu.memory_space<vmem_shared>> -> memref<128x128xf32, #tpu.memory_space<vmem_shared>>
      tpu.enqueue_dma source(%arg8 : memref<128x128xf32, #tpu.memory_space<vmem>>) target(%dma_start3A_79 : memref<128x128xf32, #tpu.memory_space<vmem_shared>>) target_semaphore(%run_scoped3A : memref<!tpu.dma_semaphore, #tpu.memory_space<semaphore_mem>>)
      %dma_wait3A = arith.constant 0 : i32
      %dma_wait3A_80 = tpu.memref_slice %arg12[%add3A_19, %dma_wait3A] : memref<10240x128xf32, #tpu.memory_space<vmem_shared>> -> memref<128x128xf32, #tpu.memory_space<vmem_shared>>
      %dma_wait3A_81 = arith.constant 0 : i32
      %dma_wait3A_82 = tpu.memref_slice %arg12[%add3A_19, %dma_wait3A_81] : memref<10240x128xf32, #tpu.memory_space<vmem_shared>> -> memref<128x128xf32, #tpu.memory_space<vmem_shared>>
      tpu.wait_dma2 semaphore(%run_scoped3A : memref<!tpu.dma_semaphore, #tpu.memory_space<semaphore_mem>>) src(%arg8 : memref<128x128xf32, #tpu.memory_space<vmem>>) dst(%dma_wait3A_82 : memref<128x128xf32, #tpu.memory_space<vmem_shared>>)
      tpu.yield
    }) : () -> ()
    %mul3A_20 = arith.constant 640 : i32
    %mul3A_21 = arith.muli %arg1, %mul3A_20 : i32
    %add3A_22 = arith.constant 384 : i32
    %add3A_23 = arith.addi %mul3A_21, %add3A_22 : i32
    "tpu.region"() ({
      %run_scoped3A = tpu.sem_alloc : memref<!tpu.dma_semaphore, #tpu.memory_space<semaphore_mem>>
      %dma_start3A_76 = arith.constant 0 : i32
      %dma_start3A_77 = tpu.memref_slice %arg12[%add3A_23, %dma_start3A_76] : memref<10240x128xf32, #tpu.memory_space<vmem_shared>> -> memref<128x128xf32, #tpu.memory_space<vmem_shared>>
      %dma_start3A_78 = arith.constant 0 : i32
      %dma_start3A_79 = tpu.memref_slice %arg12[%add3A_23, %dma_start3A_78] : memref<10240x128xf32, #tpu.memory_space<vmem_shared>> -> memref<128x128xf32, #tpu.memory_space<vmem_shared>>
      tpu.enqueue_dma source(%arg8 : memref<128x128xf32, #tpu.memory_space<vmem>>) target(%dma_start3A_79 : memref<128x128xf32, #tpu.memory_space<vmem_shared>>) target_semaphore(%run_scoped3A : memref<!tpu.dma_semaphore, #tpu.memory_space<semaphore_mem>>)
      %dma_wait3A = arith.constant 0 : i32
      %dma_wait3A_80 = tpu.memref_slice %arg12[%add3A_23, %dma_wait3A] : memref<10240x128xf32, #tpu.memory_space<vmem_shared>> -> memref<128x128xf32, #tpu.memory_space<vmem_shared>>
      %dma_wait3A_81 = arith.constant 0 : i32
      %dma_wait3A_82 = tpu.memref_slice %arg12[%add3A_23, %dma_wait3A_81] : memref<10240x128xf32, #tpu.memory_space<vmem_shared>> -> memref<128x128xf32, #tpu.memory_space<vmem_shared>>
      tpu.wait_dma2 semaphore(%run_scoped3A : memref<!tpu.dma_semaphore, #tpu.memory_space<semaphore_mem>>) src(%arg8 : memref<128x128xf32, #tpu.memory_space<vmem>>) dst(%dma_wait3A_82 : memref<128x128xf32, #tpu.memory_space<vmem_shared>>)
      tpu.yield
    }) : () -> ()
    %mul3A_24 = arith.constant 640 : i32
    %mul3A_25 = arith.muli %arg1, %mul3A_24 : i32
    %add3A_26 = arith.constant 512 : i32
    %add3A_27 = arith.addi %mul3A_25, %add3A_26 : i32
    "tpu.region"() ({
      %run_scoped3A = tpu.sem_alloc : memref<!tpu.dma_semaphore, #tpu.memory_space<semaphore_mem>>
      %dma_start3A_76 = arith.constant 0 : i32
      %dma_start3A_77 = tpu.memref_slice %arg12[%add3A_27, %dma_start3A_76] : memref<10240x128xf32, #tpu.memory_space<vmem_shared>> -> memref<128x128xf32, #tpu.memory_space<vmem_shared>>
      %dma_start3A_78 = arith.constant 0 : i32
      %dma_start3A_79 = tpu.memref_slice %arg12[%add3A_27, %dma_start3A_78] : memref<10240x128xf32, #tpu.memory_space<vmem_shared>> -> memref<128x128xf32, #tpu.memory_space<vmem_shared>>
      tpu.enqueue_dma source(%arg8 : memref<128x128xf32, #tpu.memory_space<vmem>>) target(%dma_start3A_79 : memref<128x128xf32, #tpu.memory_space<vmem_shared>>) target_semaphore(%run_scoped3A : memref<!tpu.dma_semaphore, #tpu.memory_space<semaphore_mem>>)
      %dma_wait3A = arith.constant 0 : i32
      %dma_wait3A_80 = tpu.memref_slice %arg12[%add3A_27, %dma_wait3A] : memref<10240x128xf32, #tpu.memory_space<vmem_shared>> -> memref<128x128xf32, #tpu.memory_space<vmem_shared>>
      %dma_wait3A_81 = arith.constant 0 : i32
      %dma_wait3A_82 = tpu.memref_slice %arg12[%add3A_27, %dma_wait3A_81] : memref<10240x128xf32, #tpu.memory_space<vmem_shared>> -> memref<128x128xf32, #tpu.memory_space<vmem_shared>>
      tpu.wait_dma2 semaphore(%run_scoped3A : memref<!tpu.dma_semaphore, #tpu.memory_space<semaphore_mem>>) src(%arg8 : memref<128x128xf32, #tpu.memory_space<vmem>>) dst(%dma_wait3A_82 : memref<128x128xf32, #tpu.memory_space<vmem_shared>>)
      tpu.yield
    }) : () -> ()
    %barrier3A = arith.constant 0 : index
    tpu.barrier barrier_id(%barrier3A)
    "tpu.region"() ({
      %run_scoped3A = tpu.sem_alloc : memref<!tpu.dma_semaphore, #tpu.memory_space<semaphore_mem>>
      %dma_start3A_76 = arith.constant 0 : i32
      %dma_start3A_77 = tpu.memref_slice %arg3[%mul3A_2, %dma_start3A_76] : memref<2560x128xi32, #tpu.memory_space<hbm>> -> memref<80x128xi32, #tpu.memory_space<hbm>>
      %dma_start3A_78 = arith.constant 0 : i32
      %dma_start3A_79 = tpu.memref_slice %arg3[%mul3A_2, %dma_start3A_78] : memref<2560x128xi32, #tpu.memory_space<hbm>> -> memref<80x128xi32, #tpu.memory_space<hbm>>
      tpu.enqueue_dma source(%dma_start3A_79 : memref<80x128xi32, #tpu.memory_space<hbm>>) target(%arg6 : memref<80x128xi32, #tpu.memory_space<vmem>>) target_semaphore(%run_scoped3A : memref<!tpu.dma_semaphore, #tpu.memory_space<semaphore_mem>>)
      %dma_wait3A = arith.constant 0 : i32
      %dma_wait3A_80 = tpu.memref_slice %arg3[%mul3A_2, %dma_wait3A] : memref<2560x128xi32, #tpu.memory_space<hbm>> -> memref<80x128xi32, #tpu.memory_space<hbm>>
      %dma_wait3A_81 = arith.constant 0 : i32
      %dma_wait3A_82 = tpu.memref_slice %arg3[%mul3A_2, %dma_wait3A_81] : memref<2560x128xi32, #tpu.memory_space<hbm>> -> memref<80x128xi32, #tpu.memory_space<hbm>>
      tpu.wait_dma2 semaphore(%run_scoped3A : memref<!tpu.dma_semaphore, #tpu.memory_space<semaphore_mem>>) src(%dma_wait3A_82 : memref<80x128xi32, #tpu.memory_space<hbm>>) dst(%arg6 : memref<80x128xi32, #tpu.memory_space<vmem>>)
      tpu.yield
    }) : () -> ()
    %add3A_28 = arith.constant 0 : i32
    %add3A_29 = arith.addi %mul3A_2, %add3A_28 : i32
    "tpu.region"() ({
      %run_scoped3A = tpu.sem_alloc : memref<!tpu.dma_semaphore, #tpu.memory_space<semaphore_mem>>
      %dma_start3A_76 = arith.constant 0 : i32
      %dma_start3A_77 = tpu.memref_slice %arg4[%add3A_29, %dma_start3A_76] : memref<2560x128xi32, #tpu.memory_space<hbm>> -> memref<40x128xi32, #tpu.memory_space<hbm>>
      %dma_start3A_78 = arith.constant 0 : i32
      %dma_start3A_79 = tpu.memref_slice %arg4[%add3A_29, %dma_start3A_78] : memref<2560x128xi32, #tpu.memory_space<hbm>> -> memref<40x128xi32, #tpu.memory_space<hbm>>
      tpu.enqueue_dma source(%dma_start3A_79 : memref<40x128xi32, #tpu.memory_space<hbm>>) target(%arg7 : memref<40x128xi32, #tpu.memory_space<vmem>>) target_semaphore(%run_scoped3A : memref<!tpu.dma_semaphore, #tpu.memory_space<semaphore_mem>>)
      %dma_wait3A = arith.constant 0 : i32
      %dma_wait3A_80 = tpu.memref_slice %arg4[%add3A_29, %dma_wait3A] : memref<2560x128xi32, #tpu.memory_space<hbm>> -> memref<40x128xi32, #tpu.memory_space<hbm>>
      %dma_wait3A_81 = arith.constant 0 : i32
      %dma_wait3A_82 = tpu.memref_slice %arg4[%add3A_29, %dma_wait3A_81] : memref<2560x128xi32, #tpu.memory_space<hbm>> -> memref<40x128xi32, #tpu.memory_space<hbm>>
      tpu.wait_dma2 semaphore(%run_scoped3A : memref<!tpu.dma_semaphore, #tpu.memory_space<semaphore_mem>>) src(%dma_wait3A_82 : memref<40x128xi32, #tpu.memory_space<hbm>>) dst(%arg7 : memref<40x128xi32, #tpu.memory_space<vmem>>)
      tpu.yield
    }) : () -> ()
    %dma_start3A = arith.constant 0 : i32
    %dma_start3A_30 = arith.constant 0 : i32
    %dma_start3A_31 = tpu.memref_slice %arg6[%dma_start3A, %dma_start3A_30] : memref<80x128xi32, #tpu.memory_space<vmem>> -> memref<1x128xi32, #tpu.memory_space<vmem>>
    %dma_start3A_32 = tpu.memref_squeeze %dma_start3A_31 : memref<1x128xi32, #tpu.memory_space<vmem>> -> memref<128xi32, #tpu.memory_space<vmem>>
    %dma_start3A_33 = arith.constant 0 : i32
    %dma_start3A_34 = arith.constant 0 : i32
    %dma_start3A_35 = tpu.memref_slice %arg2[%dma_start3A_33, %dma_start3A_34] : memref<10240x128xf32, #tpu.memory_space<hbm>> -> memref<10240x128xf32, #tpu.memory_space<hbm>>
    tpu.enqueue_indirect_dma source(%dma_start3A_35 : memref<10240x128xf32, #tpu.memory_space<hbm>>) target(%arg8 : memref<128x128xf32, #tpu.memory_space<vmem>>) offsets(%dma_start3A_32 : memref<128xi32, #tpu.memory_space<vmem>>) semaphore(%arg10 : memref<!tpu.dma_semaphore, #tpu.memory_space<semaphore_mem>>)
    %dma_start3A_36 = arith.constant 1 : i32
    %dma_start3A_37 = arith.constant 0 : i32
    %dma_start3A_38 = tpu.memref_slice %arg6[%dma_start3A_36, %dma_start3A_37] : memref<80x128xi32, #tpu.memory_space<vmem>> -> memref<1x128xi32, #tpu.memory_space<vmem>>
    %dma_start3A_39 = tpu.memref_squeeze %dma_start3A_38 : memref<1x128xi32, #tpu.memory_space<vmem>> -> memref<128xi32, #tpu.memory_space<vmem>>
    %dma_start3A_40 = arith.constant 0 : i32
    %dma_start3A_41 = arith.constant 0 : i32
    %dma_start3A_42 = tpu.memref_slice %arg2[%dma_start3A_40, %dma_start3A_41] : memref<10240x128xf32, #tpu.memory_space<hbm>> -> memref<10240x128xf32, #tpu.memory_space<hbm>>
    tpu.enqueue_indirect_dma source(%dma_start3A_42 : memref<10240x128xf32, #tpu.memory_space<hbm>>) target(%arg9 : memref<128x128xf32, #tpu.memory_space<vmem>>) offsets(%dma_start3A_39 : memref<128xi32, #tpu.memory_space<vmem>>) semaphore(%arg11 : memref<!tpu.dma_semaphore, #tpu.memory_space<semaphore_mem>>)
    %scan3A_43 = arith.constant 0 : i32
    %scan3A_44 = arith.constant 0 : i32
    %scan3A_45 = arith.constant 20 : i32
    %scan3A_46 = arith.addi %scan3A_44, %scan3A_45 : i32
    %scan3A_47 = arith.constant 1 : i32
    scf.for %scan3A_76 = %scan3A_44 to %scan3A_46 step %scan3A_47  : i32 {
      %mul3A_77 = arith.constant 2 : i32
      %mul3A_78 = arith.muli %scan3A_76, %mul3A_77 : i32
      %add3A_79 = arith.constant 0 : i32
      %add3A_80 = arith.addi %mul3A_78, %add3A_79 : i32
      %add3A_81 = arith.constant 0 : i32
      %add3A_82 = arith.addi %add3A_81, %add3A_80 : i32
      %dma_wait3A = arith.constant 0 : i32
      %dma_wait3A_83 = tpu.memref_slice %arg6[%add3A_82, %dma_wait3A] : memref<80x128xi32, #tpu.memory_space<vmem>> -> memref<1x128xi32, #tpu.memory_space<vmem>>
      %dma_wait3A_84 = tpu.memref_squeeze %dma_wait3A_83 : memref<1x128xi32, #tpu.memory_space<vmem>> -> memref<128xi32, #tpu.memory_space<vmem>>
      %dma_wait3A_85 = arith.constant 0 : i32
      %dma_wait3A_86 = arith.constant 0 : i32
      %dma_wait3A_87 = tpu.memref_slice %arg2[%dma_wait3A_85, %dma_wait3A_86] : memref<10240x128xf32, #tpu.memory_space<hbm>> -> memref<10240x128xf32, #tpu.memory_space<hbm>>
      tpu.wait_indirect_dma semaphore(%arg10 : memref<!tpu.dma_semaphore, #tpu.memory_space<semaphore_mem>>) src(%dma_wait3A_87 : memref<10240x128xf32, #tpu.memory_space<hbm>>) dst(%arg8 : memref<128x128xf32, #tpu.memory_space<vmem>>)
      "tpu.region"() ({
        %run_scoped3A = tpu.sem_alloc : memref<!tpu.dma_semaphore, #tpu.memory_space<semaphore_mem>>
        %dma_start3A_111 = arith.constant 0 : i32
        %dma_start3A_112 = tpu.memref_slice %arg7[%add3A_80, %dma_start3A_111] : memref<40x128xi32, #tpu.memory_space<vmem>> -> memref<1x128xi32, #tpu.memory_space<vmem>>
        %dma_start3A_113 = tpu.memref_squeeze %dma_start3A_112 : memref<1x128xi32, #tpu.memory_space<vmem>> -> memref<128xi32, #tpu.memory_space<vmem>>
        %dma_start3A_114 = arith.constant 0 : i32
        %dma_start3A_115 = arith.constant 0 : i32
        %dma_start3A_116 = tpu.memref_slice %arg12[%dma_start3A_114, %dma_start3A_115] : memref<10240x128xf32, #tpu.memory_space<vmem_shared>> -> memref<10240x128xf32, #tpu.memory_space<vmem_shared>>
        tpu.enqueue_indirect_dma source(%arg8 : memref<128x128xf32, #tpu.memory_space<vmem>>) target(%dma_start3A_116 : memref<10240x128xf32, #tpu.memory_space<vmem_shared>>) offsets(%dma_start3A_113 : memref<128xi32, #tpu.memory_space<vmem>>) semaphore(%run_scoped3A : memref<!tpu.dma_semaphore, #tpu.memory_space<semaphore_mem>>) {add = true}
        %dma_wait3A_117 = arith.constant 0 : i32
        %dma_wait3A_118 = tpu.memref_slice %arg7[%add3A_80, %dma_wait3A_117] : memref<40x128xi32, #tpu.memory_space<vmem>> -> memref<1x128xi32, #tpu.memory_space<vmem>>
        %dma_wait3A_119 = tpu.memref_squeeze %dma_wait3A_118 : memref<1x128xi32, #tpu.memory_space<vmem>> -> memref<128xi32, #tpu.memory_space<vmem>>
        %dma_wait3A_120 = arith.constant 0 : i32
        %dma_wait3A_121 = arith.constant 0 : i32
        %dma_wait3A_122 = tpu.memref_slice %arg12[%dma_wait3A_120, %dma_wait3A_121] : memref<10240x128xf32, #tpu.memory_space<vmem_shared>> -> memref<10240x128xf32, #tpu.memory_space<vmem_shared>>
        tpu.wait_indirect_dma semaphore(%run_scoped3A : memref<!tpu.dma_semaphore, #tpu.memory_space<semaphore_mem>>) src(%arg8 : memref<128x128xf32, #tpu.memory_space<vmem>>) dst(%dma_wait3A_122 : memref<10240x128xf32, #tpu.memory_space<vmem_shared>>)
        tpu.yield
      }) : () -> ()
      %add3A_88 = arith.constant 2 : i32
      %add3A_89 = arith.addi %add3A_80, %add3A_88 : i32
      %lt3A = arith.constant 40 : i32
      %lt3A_90 = arith.cmpi slt, %add3A_89, %lt3A : i32
      %convert_element_type3A = arith.extui %lt3A_90 : i1 to i32
      %cond3A = arith.constant 0 : i32
      %cond3A_91 = arith.cmpi ne, %convert_element_type3A, %cond3A : i32
      scf.if %cond3A_91 {
        %add3A_111 = arith.constant 0 : i32
        %add3A_112 = arith.addi %add3A_111, %add3A_80 : i32
        %add3A_113 = arith.constant 2 : i32
        %add3A_114 = arith.addi %add3A_112, %add3A_113 : i32
        %dma_start3A_115 = arith.constant 0 : i32
        %dma_start3A_116 = tpu.memref_slice %arg6[%add3A_114, %dma_start3A_115] : memref<80x128xi32, #tpu.memory_space<vmem>> -> memref<1x128xi32, #tpu.memory_space<vmem>>
        %dma_start3A_117 = tpu.memref_squeeze %dma_start3A_116 : memref<1x128xi32, #tpu.memory_space<vmem>> -> memref<128xi32, #tpu.memory_space<vmem>>
        %dma_start3A_118 = arith.constant 0 : i32
        %dma_start3A_119 = arith.constant 0 : i32
        %dma_start3A_120 = tpu.memref_slice %arg2[%dma_start3A_118, %dma_start3A_119] : memref<10240x128xf32, #tpu.memory_space<hbm>> -> memref<10240x128xf32, #tpu.memory_space<hbm>>
        tpu.enqueue_indirect_dma source(%dma_start3A_120 : memref<10240x128xf32, #tpu.memory_space<hbm>>) target(%arg8 : memref<128x128xf32, #tpu.memory_space<vmem>>) offsets(%dma_start3A_117 : memref<128xi32, #tpu.memory_space<vmem>>) semaphore(%arg10 : memref<!tpu.dma_semaphore, #tpu.memory_space<semaphore_mem>>)
      } else {
      }
      %mul3A_92 = arith.constant 2 : i32
      %mul3A_93 = arith.muli %scan3A_76, %mul3A_92 : i32
      %add3A_94 = arith.constant 1 : i32
      %add3A_95 = arith.addi %mul3A_93, %add3A_94 : i32
      %add3A_96 = arith.constant 0 : i32
      %add3A_97 = arith.addi %add3A_96, %add3A_95 : i32
      %dma_wait3A_98 = arith.constant 0 : i32
      %dma_wait3A_99 = tpu.memref_slice %arg6[%add3A_97, %dma_wait3A_98] : memref<80x128xi32, #tpu.memory_space<vmem>> -> memref<1x128xi32, #tpu.memory_space<vmem>>
      %dma_wait3A_100 = tpu.memref_squeeze %dma_wait3A_99 : memref<1x128xi32, #tpu.memory_space<vmem>> -> memref<128xi32, #tpu.memory_space<vmem>>
      %dma_wait3A_101 = arith.constant 0 : i32
      %dma_wait3A_102 = arith.constant 0 : i32
      %dma_wait3A_103 = tpu.memref_slice %arg2[%dma_wait3A_101, %dma_wait3A_102] : memref<10240x128xf32, #tpu.memory_space<hbm>> -> memref<10240x128xf32, #tpu.memory_space<hbm>>
      tpu.wait_indirect_dma semaphore(%arg11 : memref<!tpu.dma_semaphore, #tpu.memory_space<semaphore_mem>>) src(%dma_wait3A_103 : memref<10240x128xf32, #tpu.memory_space<hbm>>) dst(%arg9 : memref<128x128xf32, #tpu.memory_space<vmem>>)
      "tpu.region"() ({
        %run_scoped3A = tpu.sem_alloc : memref<!tpu.dma_semaphore, #tpu.memory_space<semaphore_mem>>
        %dma_start3A_111 = arith.constant 0 : i32
        %dma_start3A_112 = tpu.memref_slice %arg7[%add3A_95, %dma_start3A_111] : memref<40x128xi32, #tpu.memory_space<vmem>> -> memref<1x128xi32, #tpu.memory_space<vmem>>
        %dma_start3A_113 = tpu.memref_squeeze %dma_start3A_112 : memref<1x128xi32, #tpu.memory_space<vmem>> -> memref<128xi32, #tpu.memory_space<vmem>>
        %dma_start3A_114 = arith.constant 0 : i32
        %dma_start3A_115 = arith.constant 0 : i32
        %dma_start3A_116 = tpu.memref_slice %arg12[%dma_start3A_114, %dma_start3A_115] : memref<10240x128xf32, #tpu.memory_space<vmem_shared>> -> memref<10240x128xf32, #tpu.memory_space<vmem_shared>>
        tpu.enqueue_indirect_dma source(%arg9 : memref<128x128xf32, #tpu.memory_space<vmem>>) target(%dma_start3A_116 : memref<10240x128xf32, #tpu.memory_space<vmem_shared>>) offsets(%dma_start3A_113 : memref<128xi32, #tpu.memory_space<vmem>>) semaphore(%run_scoped3A : memref<!tpu.dma_semaphore, #tpu.memory_space<semaphore_mem>>) {add = true}
        %dma_wait3A_117 = arith.constant 0 : i32
        %dma_wait3A_118 = tpu.memref_slice %arg7[%add3A_95, %dma_wait3A_117] : memref<40x128xi32, #tpu.memory_space<vmem>> -> memref<1x128xi32, #tpu.memory_space<vmem>>
        %dma_wait3A_119 = tpu.memref_squeeze %dma_wait3A_118 : memref<1x128xi32, #tpu.memory_space<vmem>> -> memref<128xi32, #tpu.memory_space<vmem>>
        %dma_wait3A_120 = arith.constant 0 : i32
        %dma_wait3A_121 = arith.constant 0 : i32
        %dma_wait3A_122 = tpu.memref_slice %arg12[%dma_wait3A_120, %dma_wait3A_121] : memref<10240x128xf32, #tpu.memory_space<vmem_shared>> -> memref<10240x128xf32, #tpu.memory_space<vmem_shared>>
        tpu.wait_indirect_dma semaphore(%run_scoped3A : memref<!tpu.dma_semaphore, #tpu.memory_space<semaphore_mem>>) src(%arg9 : memref<128x128xf32, #tpu.memory_space<vmem>>) dst(%dma_wait3A_122 : memref<10240x128xf32, #tpu.memory_space<vmem_shared>>)
        tpu.yield
      }) : () -> ()
      %add3A_104 = arith.constant 2 : i32
      %add3A_105 = arith.addi %add3A_95, %add3A_104 : i32
      %lt3A_106 = arith.constant 40 : i32
      %lt3A_107 = arith.cmpi slt, %add3A_105, %lt3A_106 : i32
      %convert_element_type3A_108 = arith.extui %lt3A_107 : i1 to i32
      %cond3A_109 = arith.constant 0 : i32
      %cond3A_110 = arith.cmpi ne, %convert_element_type3A_108, %cond3A_109 : i32
      scf.if %cond3A_110 {
        %add3A_111 = arith.constant 0 : i32
        %add3A_112 = arith.addi %add3A_111, %add3A_95 : i32
        %add3A_113 = arith.constant 2 : i32
        %add3A_114 = arith.addi %add3A_112, %add3A_113 : i32
        %dma_start3A_115 = arith.constant 0 : i32
        %dma_start3A_116 = tpu.memref_slice %arg6[%add3A_114, %dma_start3A_115] : memref<80x128xi32, #tpu.memory_space<vmem>> -> memref<1x128xi32, #tpu.memory_space<vmem>>
        %dma_start3A_117 = tpu.memref_squeeze %dma_start3A_116 : memref<1x128xi32, #tpu.memory_space<vmem>> -> memref<128xi32, #tpu.memory_space<vmem>>
        %dma_start3A_118 = arith.constant 0 : i32
        %dma_start3A_119 = arith.constant 0 : i32
        %dma_start3A_120 = tpu.memref_slice %arg2[%dma_start3A_118, %dma_start3A_119] : memref<10240x128xf32, #tpu.memory_space<hbm>> -> memref<10240x128xf32, #tpu.memory_space<hbm>>
        tpu.enqueue_indirect_dma source(%dma_start3A_120 : memref<10240x128xf32, #tpu.memory_space<hbm>>) target(%arg9 : memref<128x128xf32, #tpu.memory_space<vmem>>) offsets(%dma_start3A_117 : memref<128xi32, #tpu.memory_space<vmem>>) semaphore(%arg11 : memref<!tpu.dma_semaphore, #tpu.memory_space<semaphore_mem>>)
      } else {
      }
    }
    %scan3A_48 = arith.constant 20 : i32
    %add3A_49 = arith.constant 40 : i32
    %add3A_50 = arith.addi %mul3A_2, %add3A_49 : i32
    "tpu.region"() ({
      %run_scoped3A = tpu.sem_alloc : memref<!tpu.dma_semaphore, #tpu.memory_space<semaphore_mem>>
      %dma_start3A_76 = arith.constant 0 : i32
      %dma_start3A_77 = tpu.memref_slice %arg4[%add3A_50, %dma_start3A_76] : memref<2560x128xi32, #tpu.memory_space<hbm>> -> memref<40x128xi32, #tpu.memory_space<hbm>>
      %dma_start3A_78 = arith.constant 0 : i32
      %dma_start3A_79 = tpu.memref_slice %arg4[%add3A_50, %dma_start3A_78] : memref<2560x128xi32, #tpu.memory_space<hbm>> -> memref<40x128xi32, #tpu.memory_space<hbm>>
      tpu.enqueue_dma source(%dma_start3A_79 : memref<40x128xi32, #tpu.memory_space<hbm>>) target(%arg7 : memref<40x128xi32, #tpu.memory_space<vmem>>) target_semaphore(%run_scoped3A : memref<!tpu.dma_semaphore, #tpu.memory_space<semaphore_mem>>)
      %dma_wait3A = arith.constant 0 : i32
      %dma_wait3A_80 = tpu.memref_slice %arg4[%add3A_50, %dma_wait3A] : memref<2560x128xi32, #tpu.memory_space<hbm>> -> memref<40x128xi32, #tpu.memory_space<hbm>>
      %dma_wait3A_81 = arith.constant 0 : i32
      %dma_wait3A_82 = tpu.memref_slice %arg4[%add3A_50, %dma_wait3A_81] : memref<2560x128xi32, #tpu.memory_space<hbm>> -> memref<40x128xi32, #tpu.memory_space<hbm>>
      tpu.wait_dma2 semaphore(%run_scoped3A : memref<!tpu.dma_semaphore, #tpu.memory_space<semaphore_mem>>) src(%dma_wait3A_82 : memref<40x128xi32, #tpu.memory_space<hbm>>) dst(%arg7 : memref<40x128xi32, #tpu.memory_space<vmem>>)
      tpu.yield
    }) : () -> ()
    %dma_start3A_51 = arith.constant 40 : i32
    %dma_start3A_52 = arith.constant 0 : i32
    %dma_start3A_53 = tpu.memref_slice %arg6[%dma_start3A_51, %dma_start3A_52] : memref<80x128xi32, #tpu.memory_space<vmem>> -> memref<1x128xi32, #tpu.memory_space<vmem>>
    %dma_start3A_54 = tpu.memref_squeeze %dma_start3A_53 : memref<1x128xi32, #tpu.memory_space<vmem>> -> memref<128xi32, #tpu.memory_space<vmem>>
    %dma_start3A_55 = arith.constant 0 : i32
    %dma_start3A_56 = arith.constant 0 : i32
    %dma_start3A_57 = tpu.memref_slice %arg2[%dma_start3A_55, %dma_start3A_56] : memref<10240x128xf32, #tpu.memory_space<hbm>> -> memref<10240x128xf32, #tpu.memory_space<hbm>>
    tpu.enqueue_indirect_dma source(%dma_start3A_57 : memref<10240x128xf32, #tpu.memory_space<hbm>>) target(%arg8 : memref<128x128xf32, #tpu.memory_space<vmem>>) offsets(%dma_start3A_54 : memref<128xi32, #tpu.memory_space<vmem>>) semaphore(%arg10 : memref<!tpu.dma_semaphore, #tpu.memory_space<semaphore_mem>>)
    %dma_start3A_58 = arith.constant 41 : i32
    %dma_start3A_59 = arith.constant 0 : i32
    %dma_start3A_60 = tpu.memref_slice %arg6[%dma_start3A_58, %dma_start3A_59] : memref<80x128xi32, #tpu.memory_space<vmem>> -> memref<1x128xi32, #tpu.memory_space<vmem>>
    %dma_start3A_61 = tpu.memref_squeeze %dma_start3A_60 : memref<1x128xi32, #tpu.memory_space<vmem>> -> memref<128xi32, #tpu.memory_space<vmem>>
    %dma_start3A_62 = arith.constant 0 : i32
    %dma_start3A_63 = arith.constant 0 : i32
    %dma_start3A_64 = tpu.memref_slice %arg2[%dma_start3A_62, %dma_start3A_63] : memref<10240x128xf32, #tpu.memory_space<hbm>> -> memref<10240x128xf32, #tpu.memory_space<hbm>>
    tpu.enqueue_indirect_dma source(%dma_start3A_64 : memref<10240x128xf32, #tpu.memory_space<hbm>>) target(%arg9 : memref<128x128xf32, #tpu.memory_space<vmem>>) offsets(%dma_start3A_61 : memref<128xi32, #tpu.memory_space<vmem>>) semaphore(%arg11 : memref<!tpu.dma_semaphore, #tpu.memory_space<semaphore_mem>>)
    %scan3A_65 = arith.constant 0 : i32
    %scan3A_66 = arith.constant 0 : i32
    %scan3A_67 = arith.constant 20 : i32
    %scan3A_68 = arith.addi %scan3A_66, %scan3A_67 : i32
    %scan3A_69 = arith.constant 1 : i32
    scf.for %scan3A_76 = %scan3A_66 to %scan3A_68 step %scan3A_69  : i32 {
      %mul3A_77 = arith.constant 2 : i32
      %mul3A_78 = arith.muli %scan3A_76, %mul3A_77 : i32
      %add3A_79 = arith.constant 0 : i32
      %add3A_80 = arith.addi %mul3A_78, %add3A_79 : i32
      %add3A_81 = arith.constant 40 : i32
      %add3A_82 = arith.addi %add3A_81, %add3A_80 : i32
      %dma_wait3A = arith.constant 0 : i32
      %dma_wait3A_83 = tpu.memref_slice %arg6[%add3A_82, %dma_wait3A] : memref<80x128xi32, #tpu.memory_space<vmem>> -> memref<1x128xi32, #tpu.memory_space<vmem>>
      %dma_wait3A_84 = tpu.memref_squeeze %dma_wait3A_83 : memref<1x128xi32, #tpu.memory_space<vmem>> -> memref<128xi32, #tpu.memory_space<vmem>>
      %dma_wait3A_85 = arith.constant 0 : i32
      %dma_wait3A_86 = arith.constant 0 : i32
      %dma_wait3A_87 = tpu.memref_slice %arg2[%dma_wait3A_85, %dma_wait3A_86] : memref<10240x128xf32, #tpu.memory_space<hbm>> -> memref<10240x128xf32, #tpu.memory_space<hbm>>
      tpu.wait_indirect_dma semaphore(%arg10 : memref<!tpu.dma_semaphore, #tpu.memory_space<semaphore_mem>>) src(%dma_wait3A_87 : memref<10240x128xf32, #tpu.memory_space<hbm>>) dst(%arg8 : memref<128x128xf32, #tpu.memory_space<vmem>>)
      "tpu.region"() ({
        %run_scoped3A = tpu.sem_alloc : memref<!tpu.dma_semaphore, #tpu.memory_space<semaphore_mem>>
        %dma_start3A_111 = arith.constant 0 : i32
        %dma_start3A_112 = tpu.memref_slice %arg7[%add3A_80, %dma_start3A_111] : memref<40x128xi32, #tpu.memory_space<vmem>> -> memref<1x128xi32, #tpu.memory_space<vmem>>
        %dma_start3A_113 = tpu.memref_squeeze %dma_start3A_112 : memref<1x128xi32, #tpu.memory_space<vmem>> -> memref<128xi32, #tpu.memory_space<vmem>>
        %dma_start3A_114 = arith.constant 0 : i32
        %dma_start3A_115 = arith.constant 0 : i32
        %dma_start3A_116 = tpu.memref_slice %arg12[%dma_start3A_114, %dma_start3A_115] : memref<10240x128xf32, #tpu.memory_space<vmem_shared>> -> memref<10240x128xf32, #tpu.memory_space<vmem_shared>>
        tpu.enqueue_indirect_dma source(%arg8 : memref<128x128xf32, #tpu.memory_space<vmem>>) target(%dma_start3A_116 : memref<10240x128xf32, #tpu.memory_space<vmem_shared>>) offsets(%dma_start3A_113 : memref<128xi32, #tpu.memory_space<vmem>>) semaphore(%run_scoped3A : memref<!tpu.dma_semaphore, #tpu.memory_space<semaphore_mem>>) {add = true}
        %dma_wait3A_117 = arith.constant 0 : i32
        %dma_wait3A_118 = tpu.memref_slice %arg7[%add3A_80, %dma_wait3A_117] : memref<40x128xi32, #tpu.memory_space<vmem>> -> memref<1x128xi32, #tpu.memory_space<vmem>>
        %dma_wait3A_119 = tpu.memref_squeeze %dma_wait3A_118 : memref<1x128xi32, #tpu.memory_space<vmem>> -> memref<128xi32, #tpu.memory_space<vmem>>
        %dma_wait3A_120 = arith.constant 0 : i32
        %dma_wait3A_121 = arith.constant 0 : i32
        %dma_wait3A_122 = tpu.memref_slice %arg12[%dma_wait3A_120, %dma_wait3A_121] : memref<10240x128xf32, #tpu.memory_space<vmem_shared>> -> memref<10240x128xf32, #tpu.memory_space<vmem_shared>>
        tpu.wait_indirect_dma semaphore(%run_scoped3A : memref<!tpu.dma_semaphore, #tpu.memory_space<semaphore_mem>>) src(%arg8 : memref<128x128xf32, #tpu.memory_space<vmem>>) dst(%dma_wait3A_122 : memref<10240x128xf32, #tpu.memory_space<vmem_shared>>)
        tpu.yield
      }) : () -> ()
      %add3A_88 = arith.constant 2 : i32
      %add3A_89 = arith.addi %add3A_80, %add3A_88 : i32
      %lt3A = arith.constant 40 : i32
      %lt3A_90 = arith.cmpi slt, %add3A_89, %lt3A : i32
      %convert_element_type3A = arith.extui %lt3A_90 : i1 to i32
      %cond3A = arith.constant 0 : i32
      %cond3A_91 = arith.cmpi ne, %convert_element_type3A, %cond3A : i32
      scf.if %cond3A_91 {
        %add3A_111 = arith.constant 40 : i32
        %add3A_112 = arith.addi %add3A_111, %add3A_80 : i32
        %add3A_113 = arith.constant 2 : i32
        %add3A_114 = arith.addi %add3A_112, %add3A_113 : i32
        %dma_start3A_115 = arith.constant 0 : i32
        %dma_start3A_116 = tpu.memref_slice %arg6[%add3A_114, %dma_start3A_115] : memref<80x128xi32, #tpu.memory_space<vmem>> -> memref<1x128xi32, #tpu.memory_space<vmem>>
        %dma_start3A_117 = tpu.memref_squeeze %dma_start3A_116 : memref<1x128xi32, #tpu.memory_space<vmem>> -> memref<128xi32, #tpu.memory_space<vmem>>
        %dma_start3A_118 = arith.constant 0 : i32
        %dma_start3A_119 = arith.constant 0 : i32
        %dma_start3A_120 = tpu.memref_slice %arg2[%dma_start3A_118, %dma_start3A_119] : memref<10240x128xf32, #tpu.memory_space<hbm>> -> memref<10240x128xf32, #tpu.memory_space<hbm>>
        tpu.enqueue_indirect_dma source(%dma_start3A_120 : memref<10240x128xf32, #tpu.memory_space<hbm>>) target(%arg8 : memref<128x128xf32, #tpu.memory_space<vmem>>) offsets(%dma_start3A_117 : memref<128xi32, #tpu.memory_space<vmem>>) semaphore(%arg10 : memref<!tpu.dma_semaphore, #tpu.memory_space<semaphore_mem>>)
      } else {
      }
      %mul3A_92 = arith.constant 2 : i32
      %mul3A_93 = arith.muli %scan3A_76, %mul3A_92 : i32
      %add3A_94 = arith.constant 1 : i32
      %add3A_95 = arith.addi %mul3A_93, %add3A_94 : i32
      %add3A_96 = arith.constant 40 : i32
      %add3A_97 = arith.addi %add3A_96, %add3A_95 : i32
      %dma_wait3A_98 = arith.constant 0 : i32
      %dma_wait3A_99 = tpu.memref_slice %arg6[%add3A_97, %dma_wait3A_98] : memref<80x128xi32, #tpu.memory_space<vmem>> -> memref<1x128xi32, #tpu.memory_space<vmem>>
      %dma_wait3A_100 = tpu.memref_squeeze %dma_wait3A_99 : memref<1x128xi32, #tpu.memory_space<vmem>> -> memref<128xi32, #tpu.memory_space<vmem>>
      %dma_wait3A_101 = arith.constant 0 : i32
      %dma_wait3A_102 = arith.constant 0 : i32
      %dma_wait3A_103 = tpu.memref_slice %arg2[%dma_wait3A_101, %dma_wait3A_102] : memref<10240x128xf32, #tpu.memory_space<hbm>> -> memref<10240x128xf32, #tpu.memory_space<hbm>>
      tpu.wait_indirect_dma semaphore(%arg11 : memref<!tpu.dma_semaphore, #tpu.memory_space<semaphore_mem>>) src(%dma_wait3A_103 : memref<10240x128xf32, #tpu.memory_space<hbm>>) dst(%arg9 : memref<128x128xf32, #tpu.memory_space<vmem>>)
      "tpu.region"() ({
        %run_scoped3A = tpu.sem_alloc : memref<!tpu.dma_semaphore, #tpu.memory_space<semaphore_mem>>
        %dma_start3A_111 = arith.constant 0 : i32
        %dma_start3A_112 = tpu.memref_slice %arg7[%add3A_95, %dma_start3A_111] : memref<40x128xi32, #tpu.memory_space<vmem>> -> memref<1x128xi32, #tpu.memory_space<vmem>>
        %dma_start3A_113 = tpu.memref_squeeze %dma_start3A_112 : memref<1x128xi32, #tpu.memory_space<vmem>> -> memref<128xi32, #tpu.memory_space<vmem>>
        %dma_start3A_114 = arith.constant 0 : i32
        %dma_start3A_115 = arith.constant 0 : i32
        %dma_start3A_116 = tpu.memref_slice %arg12[%dma_start3A_114, %dma_start3A_115] : memref<10240x128xf32, #tpu.memory_space<vmem_shared>> -> memref<10240x128xf32, #tpu.memory_space<vmem_shared>>
        tpu.enqueue_indirect_dma source(%arg9 : memref<128x128xf32, #tpu.memory_space<vmem>>) target(%dma_start3A_116 : memref<10240x128xf32, #tpu.memory_space<vmem_shared>>) offsets(%dma_start3A_113 : memref<128xi32, #tpu.memory_space<vmem>>) semaphore(%run_scoped3A : memref<!tpu.dma_semaphore, #tpu.memory_space<semaphore_mem>>) {add = true}
        %dma_wait3A_117 = arith.constant 0 : i32
        %dma_wait3A_118 = tpu.memref_slice %arg7[%add3A_95, %dma_wait3A_117] : memref<40x128xi32, #tpu.memory_space<vmem>> -> memref<1x128xi32, #tpu.memory_space<vmem>>
        %dma_wait3A_119 = tpu.memref_squeeze %dma_wait3A_118 : memref<1x128xi32, #tpu.memory_space<vmem>> -> memref<128xi32, #tpu.memory_space<vmem>>
        %dma_wait3A_120 = arith.constant 0 : i32
        %dma_wait3A_121 = arith.constant 0 : i32
        %dma_wait3A_122 = tpu.memref_slice %arg12[%dma_wait3A_120, %dma_wait3A_121] : memref<10240x128xf32, #tpu.memory_space<vmem_shared>> -> memref<10240x128xf32, #tpu.memory_space<vmem_shared>>
        tpu.wait_indirect_dma semaphore(%run_scoped3A : memref<!tpu.dma_semaphore, #tpu.memory_space<semaphore_mem>>) src(%arg9 : memref<128x128xf32, #tpu.memory_space<vmem>>) dst(%dma_wait3A_122 : memref<10240x128xf32, #tpu.memory_space<vmem_shared>>)
        tpu.yield
      }) : () -> ()
      %add3A_104 = arith.constant 2 : i32
      %add3A_105 = arith.addi %add3A_95, %add3A_104 : i32
      %lt3A_106 = arith.constant 40 : i32
      %lt3A_107 = arith.cmpi slt, %add3A_105, %lt3A_106 : i32
      %convert_element_type3A_108 = arith.extui %lt3A_107 : i1 to i32
      %cond3A_109 = arith.constant 0 : i32
      %cond3A_110 = arith.cmpi ne, %convert_element_type3A_108, %cond3A_109 : i32
      scf.if %cond3A_110 {
        %add3A_111 = arith.constant 40 : i32
        %add3A_112 = arith.addi %add3A_111, %add3A_95 : i32
        %add3A_113 = arith.constant 2 : i32
        %add3A_114 = arith.addi %add3A_112, %add3A_113 : i32
        %dma_start3A_115 = arith.constant 0 : i32
        %dma_start3A_116 = tpu.memref_slice %arg6[%add3A_114, %dma_start3A_115] : memref<80x128xi32, #tpu.memory_space<vmem>> -> memref<1x128xi32, #tpu.memory_space<vmem>>
        %dma_start3A_117 = tpu.memref_squeeze %dma_start3A_116 : memref<1x128xi32, #tpu.memory_space<vmem>> -> memref<128xi32, #tpu.memory_space<vmem>>
        %dma_start3A_118 = arith.constant 0 : i32
        %dma_start3A_119 = arith.constant 0 : i32
        %dma_start3A_120 = tpu.memref_slice %arg2[%dma_start3A_118, %dma_start3A_119] : memref<10240x128xf32, #tpu.memory_space<hbm>> -> memref<10240x128xf32, #tpu.memory_space<hbm>>
        tpu.enqueue_indirect_dma source(%dma_start3A_120 : memref<10240x128xf32, #tpu.memory_space<hbm>>) target(%arg9 : memref<128x128xf32, #tpu.memory_space<vmem>>) offsets(%dma_start3A_117 : memref<128xi32, #tpu.memory_space<vmem>>) semaphore(%arg11 : memref<!tpu.dma_semaphore, #tpu.memory_space<semaphore_mem>>)
      } else {
      }
    }
    %scan3A_70 = arith.constant 20 : i32
    %barrier3A_71 = arith.constant 0 : index
    tpu.barrier barrier_id(%barrier3A_71)
    %mul3A_72 = arith.constant 640 : i32
    %mul3A_73 = arith.muli %arg1, %mul3A_72 : i32
    %mul3A_74 = arith.constant 640 : i32
    %mul3A_75 = arith.muli %arg1, %mul3A_74 : i32
    "tpu.region"() ({
      %run_scoped3A = tpu.sem_alloc : memref<!tpu.dma_semaphore, #tpu.memory_space<semaphore_mem>>
      %dma_start3A_76 = arith.constant 0 : i32
      %dma_start3A_77 = tpu.memref_slice %arg5[%arg0, %mul3A_75, %dma_start3A_76] : memref<2x10240x128xf32, #tpu.memory_space<hbm>> -> memref<1x640x128xf32, #tpu.memory_space<hbm>>
      %dma_start3A_78 = tpu.memref_squeeze %dma_start3A_77 : memref<1x640x128xf32, #tpu.memory_space<hbm>> -> memref<640x128xf32, #tpu.memory_space<hbm>>
      %dma_start3A_79 = arith.constant 0 : i32
      %dma_start3A_80 = tpu.memref_slice %arg12[%mul3A_73, %dma_start3A_79] : memref<10240x128xf32, #tpu.memory_space<vmem_shared>> -> memref<640x128xf32, #tpu.memory_space<vmem_shared>>
      tpu.enqueue_dma source(%dma_start3A_80 : memref<640x128xf32, #tpu.memory_space<vmem_shared>>) target(%dma_start3A_78 : memref<640x128xf32, #tpu.memory_space<hbm>>) target_semaphore(%run_scoped3A : memref<!tpu.dma_semaphore, #tpu.memory_space<semaphore_mem>>)
      %dma_wait3A = arith.constant 0 : i32
      %dma_wait3A_81 = tpu.memref_slice %arg5[%arg0, %mul3A_75, %dma_wait3A] : memref<2x10240x128xf32, #tpu.memory_space<hbm>> -> memref<1x640x128xf32, #tpu.memory_space<hbm>>
      %dma_wait3A_82 = tpu.memref_squeeze %dma_wait3A_81 : memref<1x640x128xf32, #tpu.memory_space<hbm>> -> memref<640x128xf32, #tpu.memory_space<hbm>>
      %dma_wait3A_83 = arith.constant 0 : i32
      %dma_wait3A_84 = tpu.memref_slice %arg12[%mul3A_73, %dma_wait3A_83] : memref<10240x128xf32, #tpu.memory_space<vmem_shared>> -> memref<640x128xf32, #tpu.memory_space<vmem_shared>>
      tpu.wait_dma2 semaphore(%run_scoped3A : memref<!tpu.dma_semaphore, #tpu.memory_space<semaphore_mem>>) src(%dma_wait3A_84 : memref<640x128xf32, #tpu.memory_space<vmem_shared>>) dst(%dma_wait3A_82 : memref<640x128xf32, #tpu.memory_space<hbm>>)
      tpu.yield
    }) : () -> ()
    return
  }
}

module attributes {stable_mosaic.version = 14 : i64} {
  func.func @_mm1_body(%arg0: i32, %arg1: memref<5120x1xf32, #tpu.memory_space<vmem>>, %arg2: memref<5120x1xf32, #tpu.memory_space<vmem>>, %arg3: memref<5120x128xf32, #tpu.memory_space<vmem>>, %arg4: memref<128x128xf32, #tpu.memory_space<vmem>>, %arg5: memref<5120x1xf32, #tpu.memory_space<vmem>>, %arg6: memref<5120x128xf32, #tpu.memory_space<vmem>>) attributes {dimension_semantics = [#tpu.dimension_semantics<arbitrary>], iteration_bounds = array<i64: 2>, scalar_prefetch = 0 : i64, scratch_operands = 0 : i64, tpu.core_type = #tpu.core_type<tc>, window_params = [{transform_indices = @transform_0, window_bounds = array<i64: 5120, 1>}, {transform_indices = @transform_1, window_bounds = array<i64: 5120, 1>}, {transform_indices = @transform_2, window_bounds = array<i64: 5120, 128>}, {pipeline_mode = #tpu.pipeline_mode<synchronous>, transform_indices = @transform_3, window_bounds = array<i64: 128, 128>}, {transform_indices = @transform_4, window_bounds = array<i64: 5120, 1>}, {transform_indices = @transform_5, window_bounds = array<i64: 5120, 128>}]} {
    %get3A = arith.constant 0 : index
    %get3A_0 = arith.constant 0 : index
    %get3A_1 = vector.load %arg1[%get3A, %get3A_0] : memref<5120x1xf32, #tpu.memory_space<vmem>>, vector<5120x1xf32>
    %get3A_2 = arith.constant 0 : index
    %get3A_3 = arith.constant 0 : index
    %get3A_4 = vector.load %arg2[%get3A_2, %get3A_3] : memref<5120x1xf32, #tpu.memory_space<vmem>>, vector<5120x1xf32>
    %add3A = arith.addf %get3A_1, %get3A_4 : vector<5120x1xf32>
    %add3A_5 = arith.constant 1.000000e+00 : f32
    %add3A_6 = vector.broadcast %add3A_5 : f32 to vector<5120x1xf32>
    %add3A_7 = arith.addf %add3A, %add3A_6 : vector<5120x1xf32>
    %rsqrt3A = math.rsqrt %add3A_7 : vector<5120x1xf32>
    %swap3A = arith.constant 0 : index
    %swap3A_8 = arith.constant 0 : index
    %swap3A_9 = vector.load %arg5[%swap3A, %swap3A_8] : memref<5120x1xf32, #tpu.memory_space<vmem>>, vector<5120x1xf32>
    tpu.vector_store %arg5[%swap3A, %swap3A_8], %rsqrt3A {strides = array<i32>} : memref<5120x1xf32, #tpu.memory_space<vmem>>, vector<5120x1xf32>,
    %get3A_10 = arith.constant 0 : index
    %get3A_11 = arith.constant 0 : index
    %get3A_12 = vector.load %arg3[%get3A_10, %get3A_11] : memref<5120x128xf32, #tpu.memory_space<vmem>>, vector<5120x128xf32>
    %get3A_13 = arith.constant 0 : index
    %get3A_14 = arith.constant 0 : index
    %get3A_15 = vector.load %arg4[%get3A_13, %get3A_14] : memref<128x128xf32, #tpu.memory_space<vmem>>, vector<128x128xf32>
    %dot_general3A = arith.constant dense<0.000000e+00> : vector<5120x128xf32>
    %dot_general3A_16 = tpu.matmul %get3A_12, %get3A_15, %dot_general3A {dimension_numbers = #tpu.dot_dimension_numbers<[1], [0], [0], [1], [0, 0, 1, 1], [], []>, transpose_lhs_hint = false} : vector<5120x128xf32>, vector<128x128xf32>, vector<5120x128xf32> -> vector<5120x128xf32>
    %mul3A = vector.broadcast %rsqrt3A : vector<5120x1xf32> to vector<5120x128xf32>
    %mul3A_17 = arith.mulf %dot_general3A_16, %mul3A : vector<5120x128xf32>
    %swap3A_18 = arith.constant 0 : index
    %swap3A_19 = arith.constant 0 : index
    %swap3A_20 = vector.load %arg6[%swap3A_18, %swap3A_19] : memref<5120x128xf32, #tpu.memory_space<vmem>>, vector<5120x128xf32>
    tpu.vector_store %arg6[%swap3A_18, %swap3A_19], %mul3A_17 {strides = array<i32>} : memref<5120x128xf32, #tpu.memory_space<vmem>>, vector<5120x128xf32>,
    return
  }
  func.func @transform_0(%arg0: i32) -> (i32, i32) {
    %c0_i32 = arith.constant 0 : i32
    %c0_i32_0 = arith.constant 0 : i32
    return %arg0, %c0_i32 : i32, i32
  }
  func.func @transform_1(%arg0: i32) -> (i32, i32) {
    %c0_i32 = arith.constant 0 : i32
    %c0_i32_0 = arith.constant 0 : i32
    return %arg0, %c0_i32 : i32, i32
  }
  func.func @transform_2(%arg0: i32) -> (i32, i32) {
    %c0_i32 = arith.constant 0 : i32
    %c0_i32_0 = arith.constant 0 : i32
    return %arg0, %c0_i32 : i32, i32
  }
  func.func @transform_3(%arg0: i32) -> (i32, i32) {
    %c0_i32 = arith.constant 0 : i32
    %c0_i32_0 = arith.constant 0 : i32
    %c0_i32_1 = arith.constant 0 : i32
    return %c0_i32, %c0_i32_0 : i32, i32
  }
  func.func @transform_4(%arg0: i32) -> (i32, i32) {
    %c0_i32 = arith.constant 0 : i32
    %c0_i32_0 = arith.constant 0 : i32
    return %arg0, %c0_i32 : i32, i32
  }
  func.func @transform_5(%arg0: i32) -> (i32, i32) {
    %c0_i32 = arith.constant 0 : i32
    %c0_i32_0 = arith.constant 0 : i32
    return %arg0, %c0_i32 : i32, i32
  }
}

module attributes {stable_mosaic.version = 14 : i64} {
  func.func @_mm2_body(%arg0: i32, %arg1: memref<5120x128xf32, #tpu.memory_space<vmem>>, %arg2: memref<5120x128xf32, #tpu.memory_space<vmem>>, %arg3: memref<5120x128xf32, #tpu.memory_space<vmem>>, %arg4: memref<5120x1xf32, #tpu.memory_space<vmem>>, %arg5: memref<1x128xf32, #tpu.memory_space<vmem>>, %arg6: memref<128x128xf32, #tpu.memory_space<vmem>>, %arg7: memref<5120x128xf32, #tpu.memory_space<vmem>>) attributes {dimension_semantics = [#tpu.dimension_semantics<arbitrary>], iteration_bounds = array<i64: 2>, scalar_prefetch = 0 : i64, scratch_operands = 0 : i64, tpu.core_type = #tpu.core_type<tc>, window_params = [{transform_indices = @transform_0, window_bounds = array<i64: 5120, 128>}, {transform_indices = @transform_1, window_bounds = array<i64: 5120, 128>}, {transform_indices = @transform_2, window_bounds = array<i64: 5120, 128>}, {transform_indices = @transform_3, window_bounds = array<i64: 5120, 1>}, {pipeline_mode = #tpu.pipeline_mode<synchronous>, transform_indices = @transform_4, window_bounds = array<i64: 1, 128>}, {pipeline_mode = #tpu.pipeline_mode<synchronous>, transform_indices = @transform_5, window_bounds = array<i64: 128, 128>}, {transform_indices = @transform_6, window_bounds = array<i64: 5120, 128>}]} {
    %get3A = arith.constant 0 : index
    %get3A_0 = arith.constant 0 : index
    %get3A_1 = vector.load %arg4[%get3A, %get3A_0] : memref<5120x1xf32, #tpu.memory_space<vmem>>, vector<5120x1xf32>
    %get3A_2 = arith.constant 0 : index
    %get3A_3 = arith.constant 0 : index
    %get3A_4 = vector.load %arg1[%get3A_2, %get3A_3] : memref<5120x128xf32, #tpu.memory_space<vmem>>, vector<5120x128xf32>
    %get3A_5 = arith.constant 0 : index
    %get3A_6 = arith.constant 0 : index
    %get3A_7 = vector.load %arg2[%get3A_5, %get3A_6] : memref<5120x128xf32, #tpu.memory_space<vmem>>, vector<5120x128xf32>
    %add3A = arith.addf %get3A_4, %get3A_7 : vector<5120x128xf32>
    %get3A_8 = arith.constant 0 : index
    %get3A_9 = arith.constant 0 : index
    %get3A_10 = vector.load %arg3[%get3A_8, %get3A_9] : memref<5120x128xf32, #tpu.memory_space<vmem>>, vector<5120x128xf32>
    %add3A_11 = arith.addf %add3A, %get3A_10 : vector<5120x128xf32>
    %mul3A = vector.broadcast %get3A_1 : vector<5120x1xf32> to vector<5120x128xf32>
    %mul3A_12 = arith.mulf %add3A_11, %mul3A : vector<5120x128xf32>
    %get3A_13 = arith.constant 0 : index
    %get3A_14 = arith.constant 0 : index
    %get3A_15 = vector.load %arg5[%get3A_13, %get3A_14] : memref<1x128xf32, #tpu.memory_space<vmem>>, vector<1x128xf32>
    %add3A_16 = vector.broadcast %get3A_15 : vector<1x128xf32> to vector<5120x128xf32>
    %add3A_17 = arith.addf %mul3A_12, %add3A_16 : vector<5120x128xf32>
    %max3A = arith.constant 0.000000e+00 : f32
    %max3A_18 = vector.broadcast %max3A : f32 to vector<5120x128xf32>
    %max3A_19 = arith.maximumf %add3A_17, %max3A_18 : vector<5120x128xf32>
    %get3A_20 = arith.constant 0 : index
    %get3A_21 = arith.constant 0 : index
    %get3A_22 = vector.load %arg6[%get3A_20, %get3A_21] : memref<128x128xf32, #tpu.memory_space<vmem>>, vector<128x128xf32>
    %dot_general3A = arith.constant dense<0.000000e+00> : vector<5120x128xf32>
    %dot_general3A_23 = tpu.matmul %max3A_19, %get3A_22, %dot_general3A {dimension_numbers = #tpu.dot_dimension_numbers<[1], [0], [0], [1], [0, 0, 1, 1], [], []>, transpose_lhs_hint = false} : vector<5120x128xf32>, vector<128x128xf32>, vector<5120x128xf32> -> vector<5120x128xf32>
    %mul3A_24 = vector.broadcast %get3A_1 : vector<5120x1xf32> to vector<5120x128xf32>
    %mul3A_25 = arith.mulf %dot_general3A_23, %mul3A_24 : vector<5120x128xf32>
    %swap3A = arith.constant 0 : index
    %swap3A_26 = arith.constant 0 : index
    %swap3A_27 = vector.load %arg7[%swap3A, %swap3A_26] : memref<5120x128xf32, #tpu.memory_space<vmem>>, vector<5120x128xf32>
    tpu.vector_store %arg7[%swap3A, %swap3A_26], %mul3A_25 {strides = array<i32>} : memref<5120x128xf32, #tpu.memory_space<vmem>>, vector<5120x128xf32>,
    return
  }
  func.func @transform_0(%arg0: i32) -> (i32, i32) {
    %c0_i32 = arith.constant 0 : i32
    %c0_i32_0 = arith.constant 0 : i32
    return %arg0, %c0_i32 : i32, i32
  }
  func.func @transform_1(%arg0: i32) -> (i32, i32) {
    %c0_i32 = arith.constant 0 : i32
    %c0_i32_0 = arith.constant 0 : i32
    return %arg0, %c0_i32 : i32, i32
  }
  func.func @transform_2(%arg0: i32) -> (i32, i32) {
    %c0_i32 = arith.constant 0 : i32
    %c0_i32_0 = arith.constant 0 : i32
    return %arg0, %c0_i32 : i32, i32
  }
  func.func @transform_3(%arg0: i32) -> (i32, i32) {
    %c0_i32 = arith.constant 0 : i32
    %c0_i32_0 = arith.constant 0 : i32
    return %arg0, %c0_i32 : i32, i32
  }
  func.func @transform_4(%arg0: i32) -> (i32, i32) {
    %c0_i32 = arith.constant 0 : i32
    %c0_i32_0 = arith.constant 0 : i32
    %c0_i32_1 = arith.constant 0 : i32
    return %c0_i32, %c0_i32_0 : i32, i32
  }
  func.func @transform_5(%arg0: i32) -> (i32, i32) {
    %c0_i32 = arith.constant 0 : i32
    %c0_i32_0 = arith.constant 0 : i32
    %c0_i32_1 = arith.constant 0 : i32
    return %c0_i32, %c0_i32_0 : i32, i32
  }
  func.func @transform_6(%arg0: i32) -> (i32, i32) {
    %c0_i32 = arith.constant 0 : i32
    %c0_i32_0 = arith.constant 0 : i32
    return %arg0, %c0_i32 : i32, i32
  }
}

module attributes {stable_mosaic.version = 14 : i64} {
  func.func @_fin_body(%arg0: i32, %arg1: memref<1000x128xf32, #tpu.memory_space<vmem>>, %arg2: memref<1000x128xf32, #tpu.memory_space<vmem>>, %arg3: memref<1000x128xf32, #tpu.memory_space<vmem>>, %arg4: memref<1000x1xf32, #tpu.memory_space<vmem>>, %arg5: memref<1x128xf32, #tpu.memory_space<vmem>>, %arg6: memref<1000x128xf32, #tpu.memory_space<vmem>>) attributes {dimension_semantics = [#tpu.dimension_semantics<arbitrary>], iteration_bounds = array<i64: 10>, scalar_prefetch = 0 : i64, scratch_operands = 0 : i64, tpu.core_type = #tpu.core_type<tc>, window_params = [{transform_indices = @transform_0, window_bounds = array<i64: 1000, 128>}, {transform_indices = @transform_1, window_bounds = array<i64: 1000, 128>}, {transform_indices = @transform_2, window_bounds = array<i64: 1000, 128>}, {transform_indices = @transform_3, window_bounds = array<i64: 1000, 1>}, {pipeline_mode = #tpu.pipeline_mode<synchronous>, transform_indices = @transform_4, window_bounds = array<i64: 1, 128>}, {transform_indices = @transform_5, window_bounds = array<i64: 1000, 128>}]} {
    %get3A = arith.constant 0 : index
    %get3A_0 = arith.constant 0 : index
    %get3A_1 = vector.load %arg1[%get3A, %get3A_0] : memref<1000x128xf32, #tpu.memory_space<vmem>>, vector<1000x128xf32>
    %get3A_2 = arith.constant 0 : index
    %get3A_3 = arith.constant 0 : index
    %get3A_4 = vector.load %arg2[%get3A_2, %get3A_3] : memref<1000x128xf32, #tpu.memory_space<vmem>>, vector<1000x128xf32>
    %add3A = arith.addf %get3A_1, %get3A_4 : vector<1000x128xf32>
    %get3A_5 = arith.constant 0 : index
    %get3A_6 = arith.constant 0 : index
    %get3A_7 = vector.load %arg3[%get3A_5, %get3A_6] : memref<1000x128xf32, #tpu.memory_space<vmem>>, vector<1000x128xf32>
    %add3A_8 = arith.addf %add3A, %get3A_7 : vector<1000x128xf32>
    %get3A_9 = arith.constant 0 : index
    %get3A_10 = arith.constant 0 : index
    %get3A_11 = vector.load %arg4[%get3A_9, %get3A_10] : memref<1000x1xf32, #tpu.memory_space<vmem>>, vector<1000x1xf32>
    %mul3A = vector.broadcast %get3A_11 : vector<1000x1xf32> to vector<1000x128xf32>
    %mul3A_12 = arith.mulf %add3A_8, %mul3A : vector<1000x128xf32>
    %get3A_13 = arith.constant 0 : index
    %get3A_14 = arith.constant 0 : index
    %get3A_15 = vector.load %arg5[%get3A_13, %get3A_14] : memref<1x128xf32, #tpu.memory_space<vmem>>, vector<1x128xf32>
    %add3A_16 = vector.broadcast %get3A_15 : vector<1x128xf32> to vector<1000x128xf32>
    %add3A_17 = arith.addf %mul3A_12, %add3A_16 : vector<1000x128xf32>
    %swap3A = arith.constant 0 : index
    %swap3A_18 = arith.constant 0 : index
    %swap3A_19 = vector.load %arg6[%swap3A, %swap3A_18] : memref<1000x128xf32, #tpu.memory_space<vmem>>, vector<1000x128xf32>
    tpu.vector_store %arg6[%swap3A, %swap3A_18], %add3A_17 {strides = array<i32>} : memref<1000x128xf32, #tpu.memory_space<vmem>>, vector<1000x128xf32>,
    return
  }
  func.func @transform_0(%arg0: i32) -> (i32, i32) {
    %c0_i32 = arith.constant 0 : i32
    %c0_i32_0 = arith.constant 0 : i32
    return %arg0, %c0_i32 : i32, i32
  }
  func.func @transform_1(%arg0: i32) -> (i32, i32) {
    %c0_i32 = arith.constant 0 : i32
    %c0_i32_0 = arith.constant 0 : i32
    return %arg0, %c0_i32 : i32, i32
  }
  func.func @transform_2(%arg0: i32) -> (i32, i32) {
    %c0_i32 = arith.constant 0 : i32
    %c0_i32_0 = arith.constant 0 : i32
    return %arg0, %c0_i32 : i32, i32
  }
  func.func @transform_3(%arg0: i32) -> (i32, i32) {
    %c0_i32 = arith.constant 0 : i32
    %c0_i32_0 = arith.constant 0 : i32
    return %arg0, %c0_i32 : i32, i32
  }
  func.func @transform_4(%arg0: i32) -> (i32, i32) {
    %c0_i32 = arith.constant 0 : i32
    %c0_i32_0 = arith.constant 0 : i32
    %c0_i32_1 = arith.constant 0 : i32
    return %c0_i32, %c0_i32_0 : i32, i32
  }
  func.func @transform_5(%arg0: i32) -> (i32, i32) {
    %c0_i32 = arith.constant 0 : i32
    %c0_i32_0 = arith.constant 0 : i32
    return %arg0, %c0_i32 : i32, i32
  }
}

</mosaic_0001>

<sc_bundles>
// kernel: _run.11.cloned.1.call-start
scs
__scs_entry_jumppad:
0x0: {  	(pc) =	sbr.rel $0x88, $3  }
0x1: {  	(tag) =	ssettag $0x0;
	lr =	simm.s32 $0x1  }
0x2: {  	[smem:$0x3F9A] =	sst lr;
	_ =	strace $0xD0000000  }
0x3: {  	_ = 	snop  }
0x4: {  	_ = 	snop  }
0x5: {  	_ = 	snop  }
0x6: {  	_ = 	snop  }
0x7: {  	_ = 	snop  }
__scs_overlays_trampoline_lowered:
0x8: {  	[smem:$0x3FA9] =	sst s0  }
0x9: {  	[smem:$0x3FAA] =	sst s1  }
0xa: {  	[smem:$0x3FAB] =	sst s2  }
0xb: {  	[smem:$0x3FAC] =	sst s3  }
0xc: {  	[smem:$0x3FAD] =	sst s4  }
0xd: {  	[smem:$0x3FAE] =	sst s5  }
0xe: {  	[smem:$0x3FAF] =	sst s6  }
0xf: {  	[smem:$0x3FB0] =	sst s7  }
0x10: {  	[smem:$0x3FB1] =	sst s8  }
0x11: {  	[smem:$0x3FB2] =	sst s9;
	s0 =	simm.s32 @!p0 $0x0  }
0x12: {  	s1 =	sld [smem:$0x3F98];
	s0 =	simm.s32 @p0 $0x1  }
0x13: {  	[smem:$0x3FB3] =	sst s0;
	s0 =	simm.s32 @!p1 $0x0  }
0x14: {  	s2 =	sld [smem:$0x3F97];
	s0 =	simm.s32 @p1 $0x1  }
0x15: {  	[smem:$0x3FB4] =	sst s0;
	s0 =	simm.s32 @!p2 $0x0  }
0x16: {  	s3 =	sld [smem:$0x3FDB];
	s0 =	simm.s32 @p2 $0x1  }
0x17: {  	s4 =	simm.s32 $0x1BF5;
	[smem:$0x3FB6] =	sst s0  }
0x18: {  	s0 =	sld [smem:$0x3F99];
	_ =	swait.ge [sflag:s4], $0x0  }
0x19: {  	s7 =	sld [smem:$0x3F9A]  }
0x1a: {  	s8 =	sadd.s32 $0xFFFFE003, lr  }
0x1b: {  	s9 =	sadd.s32 $0xFFFFFEF7, lr;
	s5 =	simm.s32 $0xFFFFFFFF;
	p2 =	slt.u32 s8, $0xFFFFF086  }
0x1c: {  	p1 =	slt.u32 s9, $0xF7A;
	s5 =	simm.s32 @!p2 $0x0  }
0x1d: {  	s5 =	simm.s32 @p1 $0x1;
	p0 =	seq.s32 s7, s2  }
0x1e: {  	s7 =	smul.u32 @!p0 $0xF7A, s2;
	p2 =	seq.s32 @!p0 s5, $0x0  }
0x1f: {  	s9 =	smul.u32 $0xF7A, s1;
	s8 =	simm.s32 @!p0 $0x1BF5;
	p2 =	por !p2, p0  }
0x20: {  	[sflag:s8] =	ssyncset.s32 @!p0 $0xFFFFF086;
	s6 =	sadd.s32 @!p0 s3, s7;
	s7 =	simm.s32 @!p0 $0x108  }
0x21: {  	s3 =	sadd.s32 s3, s9;
	s6 =	sadd.s32 @!p0 $0x88, s6;
	s7 =	simm.s32 @p2 $0x1082  }
0x22: {  	[simem:s7], [sflag:s8] =	dma.local @!p0 [hbm:s6], $0xF7A  }
0x23: {  	s9 =	sor.u32 $0xD0000000, s2;
	s6 =	simm.s32 $0x108;
	_ =	swait.ge @!p0 [sflag:s8], $0x0  }
0x24: {  	s3 =	sadd.s32 $0x88, s3;
	s6 =	simm.s32 @!p1 $0x1082;
	[sflag:s4] =	ssyncset.s32 $0xFFFFF086  }
0x25: {  	[simem:s6], [sflag:s4] =	dma.local [hbm:s3], $0xF7A  }
0x26: {  	[smem:$0x3F9A] =	sst s1;
	(tag) =	ssettag s2;
	_ =	strace s9  }
0x27: {  	s1 =	sld [smem:$0x3FAA]  }
0x28: {  	s2 =	sld [smem:$0x3FAB]  }
0x29: {  	s4 =	sld [smem:$0x3FAD]  }
0x2a: {  	p0 =	seq.s32 s5, $0x0;
	s5 =	sld [smem:$0x3FAE]  }
0x2b: {  	s6 =	sld [smem:$0x3FAF]  }
0x2c: {  	s7 =	sld [smem:$0x3FB0]  }
0x2d: {  	s3 =	simm.s32 $0x108;
	s8 =	sld [smem:$0x3FB1]  }
0x2e: {  	s3 =	simm.s32 @!p0 $0x1082;
	s9 =	sld [smem:$0x3FB2]  }
0x2f: {  	lr =	sadd.s32 s0, s3;
	s0 =	sld [smem:$0x3FA9]  }
0x30: {  	s3 =	sld [smem:$0x3FAC]  }
0x31: {  	[smem:$0x3FB5] =	sst s10  }
0x32: {  	s10 =	sld [smem:$0x3FB3];
	_ =	sdelay $0x3  }
0x33: {  	p0 =	seq.s32 s10, $0x1;
	s10 =	sld [smem:$0x3FB5];
	_ =	sdelay $0x3  }
0x34: {  	[smem:$0x3FB5] =	sst s10  }
0x35: {  	s10 =	sld [smem:$0x3FB4];
	_ =	sdelay $0x3  }
0x36: {  	p1 =	seq.s32 s10, $0x1;
	s10 =	sld [smem:$0x3FB5];
	_ =	sdelay $0x3  }
0x37: {  	[smem:$0x3FB5] =	sst s10  }
0x38: {  	s10 =	sld [smem:$0x3FB6]  }
0x39: {  	_ = 	snop;
	(pc) =	sbr.ind lr, $3  }
0x3a: {  	_ = 	snop  }
0x3b: {  	_ = 	snop  }
0x3c: {  	p2 =	seq.s32 s10, $0x1;
	s10 =	sld [smem:$0x3FB5]  }
0x3d: {  	_ =	shalt  }
0x3e: {  	_ =	shalt  }
0x3f: {  	_ =	shalt  }
0x40: {  	_ =	shalt  }
0x41: {  	_ =	shalt  }
0x42: {  	_ =	shalt  }
0x43: {  	_ =	shalt  }
0x44: {  	_ =	shalt  }
0x45: {  	_ =	shalt  }
0x46: {  	_ =	shalt  }
0x47: {  	_ =	shalt  }
0x48: {  	_ =	shalt  }
0x49: {  	_ =	shalt  }
0x4a: {  	_ =	shalt  }
0x4b: {  	_ =	shalt  }
0x4c: {  	_ =	shalt  }
0x4d: {  	_ =	shalt  }
0x4e: {  	_ =	shalt  }
0x4f: {  	_ =	shalt  }
0x50: {  	_ =	shalt  }
0x51: {  	_ =	shalt  }
0x52: {  	_ =	shalt  }
0x53: {  	_ =	shalt  }
0x54: {  	_ =	shalt  }
0x55: {  	_ =	shalt  }
0x56: {  	_ =	shalt  }
0x57: {  	_ =	shalt  }
0x58: {  	_ =	shalt  }
0x59: {  	_ =	shalt  }
0x5a: {  	_ =	shalt  }
0x5b: {  	_ =	shalt  }
0x5c: {  	_ =	shalt  }
0x5d: {  	_ =	shalt  }
0x5e: {  	_ =	shalt  }
0x5f: {  	_ =	shalt  }
0x60: {  	_ =	shalt  }
0x61: {  	_ =	shalt  }
0x62: {  	_ =	shalt  }
0x63: {  	_ =	shalt  }
0x64: {  	_ =	shalt  }
0x65: {  	_ =	shalt  }
0x66: {  	_ =	shalt  }
0x67: {  	_ =	shalt  }
0x68: {  	_ =	shalt  }
0x69: {  	_ =	shalt  }
0x6a: {  	_ =	shalt  }
0x6b: {  	_ =	shalt  }
0x6c: {  	_ =	shalt  }
0x6d: {  	_ =	shalt  }
0x6e: {  	_ =	shalt  }
0x6f: {  	_ =	shalt  }
0x70: {  	_ =	shalt  }
0x71: {  	_ =	shalt  }
0x72: {  	_ =	shalt  }
0x73: {  	_ =	shalt  }
0x74: {  	_ =	shalt  }
0x75: {  	_ =	shalt  }
0x76: {  	_ =	shalt  }
0x77: {  	_ =	shalt  }
0x78: {  	_ =	shalt  }
0x79: {  	_ =	shalt  }
0x7a: {  	_ =	shalt  }
0x7b: {  	_ =	shalt  }
0x7c: {  	_ =	shalt  }
0x7d: {  	_ =	shalt  }
0x7e: {  	_ =	shalt  }
0x7f: {  	_ =	shalt  }
0x80: {  	_ =	shalt  }
0x81: {  	_ =	shalt  }
0x82: {  	_ =	shalt  }
0x83: {  	_ =	shalt  }
0x84: {  	_ =	shalt  }
0x85: {  	_ =	shalt  }
0x86: {  	_ =	shalt  }
0x87: {  	_ =	shalt  }
.Lfunc_end0:
.L_simem_size_0:
called_computation.1_lowered:
.L_overlay_start_0:
0x88: {  	s2 =	sld [smem:$0x3FD9]  }
0x89: {  	s3 =	sld [smem:$0x3FFE];
	_ =	sdelay $0x1  }
0x8a: {  	s1 =	srdreg.scid  }
0x8b: {  	s0 =	sand.u32 $0x1, s1  }
0x8c: {  	s17 =	sshll.u32 s0, $0xA;
	s2 =	sadd.s32 s3, s2  }
0x8d: {  	s2 =	sadd.s32 s2, s17  }
0x8e: {  	[smem:$0x3FC1] =	sst s2  }
0x8f: {  	_ = 	snop  }
0x90: {  	s2 =	sld [smem:$0x3FC8]  }
0x91: {  	s18 =	sld [smem:$0x3FC7];
	(tm) =	ssettm $0x1  }
0x92: {  	s4 =	sld [smem:$0x3FFB];
	_ =	sdelay $0x3  }
0x93: {  	_ =	strace s4  }
0x94: {  	s4 =	sld [smem:$0x3FFC];
	_ =	sdelay $0x3  }
0x95: {  	_ =	strace s4  }
0x96: {  	s4 =	sld [smem:$0x3FFD];
	_ =	sdelay $0x3  }
0x97: {  	_ =	strace s4  }
0x98: {  	_ =	strace $0x8FFFFFFF  }
0x99: {  	s19 =	sld [smem:$0x3FDB];
	_ =	sdelay $0x1  }
0x9a: {  	s5 =	simm.s32 $_scs_section_size  }
0x9b: {  	s6 =	simm.s32 $_size__tile_overlayer_lowered;
	s7 =	simm.s32 $_tile_overlayer_lowered  }
0x9c: {  	s22 =	simm.s32 $0x1BFF;
	s21 =	sshll.u32 s7, $0x1;
	s4 =	sadd.s32 s5, s19  }
0x9d: {  	s8 =	simm.s32 $0x0;
	s20 =	sshll.u32 s6, $0x1;
	s6 =	sadd.s32 s21, s4  }
0x9e: {  	[timem:s8], [sflag:s22] =	dma.local [hbm:s6], s20  }
0x9f: {  	_ =	swait.ge [sflag:s22], s20  }
0xa0: {  	s5 =	ssub.s32 $0x0, s20;
	[sflag:s22] =	ssyncset.done $0x0  }
0xa1: {  	[sflag:s22] =	ssyncadd.s32 s5;
	_ =	sdelay $0x1  }
0xa2: {  	s23 =	simm.s32 $0x1B8B  }
0xa3: {  	_ =	swait.ge [sflag:s23], $0x1  }
0xa4: {  	[sflag:s23] =	ssyncset.done $0x0  }
0xa5: {  	s25 =	simm.s32 $0x1B8E;
	s24 =	sld [smem:$0x3FFE];
	[sflag:s23] =	ssyncadd.s32 $0xFFFFFFFF  }
0xa6: {  	s26 =	simm.s32 $execute0_lowered;
	[smem:$0x3FD2] =	sst s25  }
0xa7: {  	s6 =	sshll.u32 s26, $0x1;
	_ =	strace $0x80000049;
	[dreg:$0x1] =	wrdreg $0xFFFFFFFF  }
0xa8: {  	s28 =	simm.s32 $_size_execute0_lowered;
	s4 =	sadd.s32 s4, s6;
	[dreg:$0x0] =	wrdreg $0x0  }
0xa9: {  	s6 =	sshll.u32 s28, $0x1;
	[dreg:$0x2] =	wrdreg s4  }
0xaa: {  	[dreg:$0x3] =	wrdreg s6  }
0xab: {  	[dreg:$0x4] =	wrdreg $0xC0  }
0xac: {  	_ =	task [dreg:s8], $0x5FFFF  }
0xad: {  	[dreg:$0x1] =	wrdreg $0xFFFFFFFF  }
0xae: {  	[dreg:$0x0] =	wrdreg $0x60  }
0xaf: {  	[dreg:$0x2] =	wrdreg s24  }
0xb0: {  	[dreg:$0x3] =	wrdreg s2  }
0xb1: {  	[dreg:$0x4] =	wrdreg s18  }
0xb2: {  	[dreg:$0x5] =	wrdreg $0xBC000  }
0xb3: {  	[dreg:$0x6] =	wrdreg $0x9  }
0xb4: {  	_ =	task.clear_ibuf [dreg:s8], $0x7FFFF;
	_ =	strace $0x90000049  }
0xb5: {  	s29 =	simm.s32 $0x9;
	_ =	strace $0x8000004B  }
0xb6: {  	_ =	swait.ge [sflag:s29], $0x1  }
0xb7: {  	[sflag:s29] =	ssyncadd.s32 $0xFFFFFFFF  }
0xb8: {  	_ =	strace $0x9000004B  }
0xb9: {  	_ =	sfence  }
0xba: {  	s30 =	sld [smem:$0x0];
	_ =	sdelay $0x2  }
0xbb: {  	s31 =	sshll.u32 s1, $0xD;
	s1 =	sshrl.u32 s1, $0x2  }
0xbc: {  	s3 =	sand.u32 $0x4000, s31;
	s1 =	sadd.s32 s1, s30  }
0xbd: {  	s0 =	sor.u32 s3, s0;
	s1 =	sshll.u32 s1, $0x11  }
0xbe: {  	s0 =	sor.u32 s1, s0  }
0xbf: {  	s0 =	sadd.s32 $0x8F2B, s0  }
0xc0: {  	[sflag:s0] =	ssyncadd.remote.s32 $0x1  }
0xc1: {  	_ =	sfence.sel $0xFFFF  }
0xc2: {  	[dreg:$0x0] =	wrdreg $0xFFFFFFFF;
	(pc) =	sbr.abs _section_cstart, $3  }
0xc3: {  	[dreg:$0x1] =	wrdreg $0xFFFFFFFF  }
0xc4: {  	_ =	task.clear_ibuf [dreg:s8], $0x2FFFF;
	_ =	strace $0x9FFFFFFF  }
0xc5: {  	(tm) =	ssettm $0x7FFFFFFF  }
tec
execute0_lowered:
.L_overlay_start_1:
0x0: {  	(tag) =	ssettag $0x1  }
0x1: {  	s5 =	rddreg [dreg:$0x0]  }
0x2: {  	s10 =	rddreg [dreg:$0x1]  }
0x3: {  	s11 =	rddreg [dreg:$0x2]  }
0x4: {  	s2 =	rddreg [dreg:$0x3]  }
0x5: {  	s0 =	srdreg.scid;
	s1 =	rddreg [dreg:$0x4];
	s3 =	simm.s32 $0x0  }
0x6: {  	s16 =	simm.s32 $0x3;
	s17 =	simm.s32 $0x2800;
	s18 =	simm.s32 $0x80  }
0x7: {  	s19 =	simm.s32 $0x7C00;
	s20 =	simm.s32 $0x1;
	s21 =	simm.s32 $0x2  }
0x8: {  	s22 =	simm.s32 $0x3B00;
	s23 =	simm.s32 $0x3B80;
	s6 =	sand.u32 $0x1, s0  }
0x9: {  	s24 =	simm.s32 $0x1400;
	s0 =	stileid.u32;
	s4 =	smul.u32 $0x140000, s6  }
0xa: {  	s25 =	simm.s32 $0x1480;
	[smem:$0x7FF] =	sst s3;
	s7 =	smul.u32 $0x14000, s0  }
0xb: {  	s8 =	smul.u32 $0x50000, s0;
	s28 =	sshll.u32 s0, $0x1;
	s29 =	ssub.s32 $0x2, s6  }
0xc: {  	_ =	strace $0x8000004A;
	s9 =	sor.u32 s6, s28;
	s31 =	sshrl.u32 s29, $0x1  }
0xd: {  	s4 =	sadd.s32 s7, s4;
	s30 =	sshrl.u32 s8, $0x2;
	s12 =	smul.u32 $0x2800, s9  }
0xe: {  	s14 =	ssub.s32 s29, s31;
	s15 =	smul.u32 $0x500, s9;
	s7 =	sshrl.u32 s4, $0x3  }
0xf: {  	s4 =	sadd.s32 $0x3C00, s5;
	s14 =	smax.u32 s14, $0x1;
	s13 =	sadd.s32 s7, s5  }
0x10: {  	s5 =	sadd.s32 s30, s2;
	s12 =	sshrl.u32 s12, $0x3;
	s10 =	sadd.s32 s10, s15  }
0x11: {  	s6 =	sadd.s32 $0x4000, s5;
	s7 =	sadd.s32 $0x8000, s5;
	s8 =	sadd.s32 $0xC000, s5  }
0x12: {  	s9 =	sadd.s32 $0x10000, s5;
	s12 =	sadd.s32 s11, s12;
	s11 =	sadd.s32 s11, s15  }
0x13: {  	v0 =	vimm.f32 $0.0e+00;
	s13 =	sadd.s32 $0x53C00, s13;
	s15 =	simm.s32 $0x3C00;
	s12 =	sadd.s32 $0x280, s12  }
.LBB2_1:
0x14: {  	s26 =	simm.s32 $0x0;
	s28 =	simm.s32 $0x200  }
.LBB2_2:
0x15: {  	p0 =	sne.s32 s28, $0xFE00;
	[tilespmem:s26+$0x3C70] =	vst v0  }
0x16: {  	[tilespmem:s26+$0x3C00] =	vst v0  }
0x17: {  	[tilespmem:s26+$0x3C10] =	vst v0  }
.Ltmp0:
0x18: {  	[tilespmem:s26+$0x3C20] =	vst v0;
	(pc) =	sbr.rel @p0 .LBB2_2-.Ltmp0, $4  }
0x19: {  	[tilespmem:s26+$0x3C30] =	vst v0  }
0x1a: {  	[tilespmem:s26+$0x3C40] =	vst v0  }
0x1b: {  	[tilespmem:s26+$0x3C50] =	vst v0  }
0x1c: {  	[tilespmem:s26+$0x3C60] =	vst v0;
	s26 =	sshra.s32 s28, $0x2;
	s28 =	sadd.s32 $0x200, s28  }
0x1d: {  	[tilespmem:s26+$0x3C70] =	vst v0  }
0x1e: {  	[tilespmem:s26+$0x3C00] =	vst v0  }
0x1f: {  	[tilespmem:s26+$0x3C10] =	vst v0  }
0x20: {  	[tilespmem:s26+$0x3C20] =	vst v0  }
0x21: {  	[tilespmem:s26+$0x3C30] =	vst v0  }
0x22: {  	[tilespmem:s26+$0x3C40] =	vst v0  }
0x23: {  	[tilespmem:s26+$0x3C50] =	vst v0  }
0x24: {  	[tilespmem:s26+$0x3C60] =	vst v0  }
0x25: {  	[spmem:s5] =	stream.linear.scatter [tilespmem:s15], [sflag:$0x3], $0x4000, $0x38;
	[tilespmem:$0x1FC00] =	vst v63  }
0x26: {  	_ =	swait.ge [sflag:s16], $0x4000  }
0x27: {  	[sflag:s16] =	ssyncset.done $0x0  }
0x28: {  	[sflag:s16] =	ssyncadd.s32 $0xFFFFC000  }
0x29: {  	[spmem:s6] =	stream.linear.scatter [tilespmem:s15], [sflag:$0x3], $0x4000, $0x38;
	[tilespmem:$0x1FC00] =	vst v63  }
0x2a: {  	_ =	swait.ge [sflag:s16], $0x4000  }
0x2b: {  	[sflag:s16] =	ssyncset.done $0x0  }
0x2c: {  	[sflag:s16] =	ssyncadd.s32 $0xFFFFC000  }
0x2d: {  	[spmem:s7] =	stream.linear.scatter [tilespmem:s15], [sflag:$0x3], $0x4000, $0x38;
	[tilespmem:$0x1FC00] =	vst v63  }
0x2e: {  	_ =	swait.ge [sflag:s16], $0x4000  }
0x2f: {  	[sflag:s16] =	ssyncset.done $0x0  }
0x30: {  	[sflag:s16] =	ssyncadd.s32 $0xFFFFC000  }
0x31: {  	[spmem:s8] =	stream.linear.scatter [tilespmem:s15], [sflag:$0x3], $0x4000, $0x38;
	[tilespmem:$0x1FC00] =	vst v63  }
0x32: {  	_ =	swait.ge [sflag:s16], $0x4000  }
0x33: {  	[sflag:s16] =	ssyncset.done $0x0  }
0x34: {  	[sflag:s16] =	ssyncadd.s32 $0xFFFFC000  }
0x35: {  	[spmem:s9] =	stream.linear.scatter [tilespmem:s15], [sflag:$0x3], $0x4000, $0x38;
	[tilespmem:$0x1FC00] =	vst v63  }
0x36: {  	_ =	swait.ge [sflag:s16], $0x4000  }
0x37: {  	[sflag:s16] =	ssyncset.done $0x0  }
0x38: {  	[sflag:s16] =	ssyncadd.s32 $0xFFFFC000  }
0x39: {  	s31 =	simm.s32 $0x0;
	[bflag:$0x0] =	sbarrier.arrive $0xFFFF  }
0x3a: {  	[tilespmem:s31], [sflag:$0x3] =	stream.linear.gather [hbm4b:s10+s31], $0x2800, $0x38;
	[tilespmem:$0x1FC00] =	vst v63  }
0x3b: {  	_ =	swait.ge [sflag:s16], $0x2800  }
0x3c: {  	[sflag:s16] =	ssyncset.done $0x0  }
0x3d: {  	[sflag:s16] =	ssyncadd.s32 $0xFFFFD800  }
0x3e: {  	[tilespmem:s17], [sflag:$0x3] =	stream.linear.gather [hbm4b:s11+s31], $0x1400, $0x38;
	[tilespmem:$0x1FC00] =	vst v63  }
0x3f: {  	_ =	swait.ge [sflag:s16], $0x1400  }
0x40: {  	[sflag:s16] =	ssyncset.done $0x0  }
0x41: {  	[sflag:s16] =	ssyncadd.s32 $0xFFFFEC00  }
0x42: {  	[tilespmem:s15], [sflag:$0x1] =	stream.indirect.gather [hbm4b:s4+s18], $0x80, s31, s18, $0xb8;
	[tilespmem:$0x1FC00] =	vst v63  }
0x43: {  	_ = 	snop  }
0x44: {  	[tilespmem:s19], [sflag:$0x2] =	stream.indirect.gather [hbm4b:s4+s18], $0x80, s18, s18, $0xb8;
	[tilespmem:$0x1FC00] =	vst v63  }
0x45: {  	_ =	swait.ge [sflag:s20], $0x4000  }
0x46: {  	[sflag:s20] =	ssyncset.done $0x0  }
0x47: {  	s29 =	simm.s32 $0x2800;
	[sflag:s20] =	ssyncadd.s32 $0xFFFFC000  }
0x48: {  	[spmem:s2] =	stream.indirect.scatter.add.f32 [tilespmem:s15], [sflag:$0x3], $0x80, s29, s18, $0xb8;
	[tilespmem:$0x1FC00] =	vst v63  }
0x49: {  	_ =	swait.ge [sflag:s16], $0x4000  }
0x4a: {  	[sflag:s16] =	ssyncset.done $0x0  }
0x4b: {  	s30 =	simm.s32 $0x100;
	[sflag:s16] =	ssyncadd.s32 $0xFFFFC000  }
0x4c: {  	[tilespmem:s15], [sflag:$0x1] =	stream.indirect.gather [hbm4b:s4+s18], $0x80, s30, s18, $0xb8;
	[tilespmem:$0x1FC00] =	vst v63  }
0x4d: {  	_ =	swait.ge [sflag:s21], $0x4000  }
0x4e: {  	[sflag:s21] =	ssyncset.done $0x0  }
0x4f: {  	s31 =	simm.s32 $0x2880;
	[sflag:s21] =	ssyncadd.s32 $0xFFFFC000  }
0x50: {  	[spmem:s2] =	stream.indirect.scatter.add.f32 [tilespmem:s19], [sflag:$0x3], $0x80, s31, s18, $0xb8;
	[tilespmem:$0x1FC00] =	vst v63  }
0x51: {  	_ =	swait.ge [sflag:s16], $0x4000  }
0x52: {  	[sflag:s16] =	ssyncset.done $0x0  }
0x53: {  	s26 =	simm.s32 $0x400;
	s28 =	simm.s32 $0x180;
	[sflag:s16] =	ssyncadd.s32 $0xFFFFC000  }
.LBB2_4:
0x54: {  	[tilespmem:s19], [sflag:$0x2] =	stream.indirect.gather [hbm4b:s4+s18], $0x80, s28, s18, $0xb8;
	[tilespmem:$0x1FC00] =	vst v63  }
0x55: {  	s28 =	smov.u32 s26  }
0x56: {  	p0 =	sne.s32 s26, $0x4800;
	s26 =	sadd.s32 $0x400, s26;
	_ =	swait.ge [sflag:s20], $0x4000  }
0x57: {  	s28 =	sshra.s32 s28, $0x2;
	[sflag:s20] =	ssyncset.done $0x0  }
0x58: {  	s29 =	sadd.s32 $0x2800, s28;
	[sflag:s20] =	ssyncadd.s32 $0xFFFFC000  }
0x59: {  	[spmem:s2] =	stream.indirect.scatter.add.f32 [tilespmem:s15], [sflag:$0x3], $0x80, s29, s18, $0xb8;
	[tilespmem:$0x1FC00] =	vst v63  }
0x5a: {  	_ =	swait.ge [sflag:s16], $0x4000  }
0x5b: {  	[sflag:s16] =	ssyncset.done $0x0  }
0x5c: {  	s29 =	sadd.s32 $0x100, s28;
	[sflag:s16] =	ssyncadd.s32 $0xFFFFC000  }
0x5d: {  	[tilespmem:s15], [sflag:$0x1] =	stream.indirect.gather [hbm4b:s4+s18], $0x80, s29, s18, $0xb8;
	[tilespmem:$0x1FC00] =	vst v63  }
0x5e: {  	_ =	swait.ge [sflag:s21], $0x4000  }
0x5f: {  	[sflag:s21] =	ssyncset.done $0x0  }
.Ltmp1:
0x60: {  	s29 =	sadd.s32 $0x2880, s28;
	[sflag:s21] =	ssyncadd.s32 $0xFFFFC000;
	(pc) =	sbr.rel @p0 .LBB2_4-.Ltmp1, $4  }
0x61: {  	[spmem:s2] =	stream.indirect.scatter.add.f32 [tilespmem:s19], [sflag:$0x3], $0x80, s29, s18, $0xb8;
	[tilespmem:$0x1FC00] =	vst v63  }
0x62: {  	_ =	swait.ge [sflag:s16], $0x4000  }
0x63: {  	[sflag:s16] =	ssyncset.done $0x0  }
0x64: {  	s28 =	sadd.s32 $0x180, s28;
	[sflag:s16] =	ssyncadd.s32 $0xFFFFC000  }
0x65: {  	[tilespmem:s19], [sflag:$0x2] =	stream.indirect.gather [hbm4b:s4+s18], $0x80, s28, s18, $0xb8;
	[tilespmem:$0x1FC00] =	vst v63  }
0x66: {  	_ =	swait.ge [sflag:s20], $0x4000  }
0x67: {  	[sflag:s20] =	ssyncset.done $0x0  }
0x68: {  	[sflag:s20] =	ssyncadd.s32 $0xFFFFC000  }
0x69: {  	[spmem:s2] =	stream.indirect.scatter.add.f32 [tilespmem:s15], [sflag:$0x3], $0x80, s22, s18, $0xb8;
	[tilespmem:$0x1FC00] =	vst v63  }
0x6a: {  	_ =	swait.ge [sflag:s16], $0x4000  }
0x6b: {  	[sflag:s16] =	ssyncset.done $0x0  }
0x6c: {  	[sflag:s16] =	ssyncadd.s32 $0xFFFFC000  }
0x6d: {  	_ =	swait.ge [sflag:s21], $0x4000  }
0x6e: {  	[sflag:s21] =	ssyncset.done $0x0  }
0x6f: {  	[sflag:s21] =	ssyncadd.s32 $0xFFFFC000  }
0x70: {  	[spmem:s2] =	stream.indirect.scatter.add.f32 [tilespmem:s19], [sflag:$0x3], $0x80, s23, s18, $0xb8;
	[tilespmem:$0x1FC00] =	vst v63  }
0x71: {  	_ =	swait.ge [sflag:s16], $0x4000  }
0x72: {  	[sflag:s16] =	ssyncset.done $0x0  }
0x73: {  	s26 =	simm.s32 $0x0;
	[sflag:s16] =	ssyncadd.s32 $0xFFFFC000  }
0x74: {  	[tilespmem:s17], [sflag:$0x3] =	stream.linear.gather [hbm4b:s12+s26], $0x1400, $0x38;
	[tilespmem:$0x1FC00] =	vst v63  }
0x75: {  	_ =	swait.ge [sflag:s16], $0x1400  }
0x76: {  	[sflag:s16] =	ssyncset.done $0x0  }
0x77: {  	[sflag:s16] =	ssyncadd.s32 $0xFFFFEC00  }
0x78: {  	[tilespmem:s15], [sflag:$0x1] =	stream.indirect.gather [hbm4b:s4+s18], $0x80, s24, s18, $0xb8;
	[tilespmem:$0x1FC00] =	vst v63  }
0x79: {  	_ = 	snop  }
0x7a: {  	[tilespmem:s19], [sflag:$0x2] =	stream.indirect.gather [hbm4b:s4+s18], $0x80, s25, s18, $0xb8;
	[tilespmem:$0x1FC00] =	vst v63  }
0x7b: {  	_ =	swait.ge [sflag:s20], $0x4000  }
0x7c: {  	[sflag:s20] =	ssyncset.done $0x0  }
0x7d: {  	s29 =	simm.s32 $0x2800;
	[sflag:s20] =	ssyncadd.s32 $0xFFFFC000  }
0x7e: {  	[spmem:s2] =	stream.indirect.scatter.add.f32 [tilespmem:s15], [sflag:$0x3], $0x80, s29, s18, $0xb8;
	[tilespmem:$0x1FC00] =	vst v63  }
0x7f: {  	_ =	swait.ge [sflag:s16], $0x4000  }
0x80: {  	[sflag:s16] =	ssyncset.done $0x0  }
0x81: {  	s30 =	simm.s32 $0x1500;
	[sflag:s16] =	ssyncadd.s32 $0xFFFFC000  }
0x82: {  	[tilespmem:s15], [sflag:$0x1] =	stream.indirect.gather [hbm4b:s4+s18], $0x80, s30, s18, $0xb8;
	[tilespmem:$0x1FC00] =	vst v63  }
0x83: {  	_ =	swait.ge [sflag:s21], $0x4000  }
0x84: {  	[sflag:s21] =	ssyncset.done $0x0  }
0x85: {  	s31 =	simm.s32 $0x2880;
	[sflag:s21] =	ssyncadd.s32 $0xFFFFC000  }
0x86: {  	[spmem:s2] =	stream.indirect.scatter.add.f32 [tilespmem:s19], [sflag:$0x3], $0x80, s31, s18, $0xb8;
	[tilespmem:$0x1FC00] =	vst v63  }
0x87: {  	_ =	swait.ge [sflag:s16], $0x4000  }
0x88: {  	[sflag:s16] =	ssyncset.done $0x0  }
0x89: {  	s28 =	simm.s32 $0x1580;
	s26 =	simm.s32 $0x400;
	[sflag:s16] =	ssyncadd.s32 $0xFFFFC000  }
.LBB2_6:
0x8a: {  	[tilespmem:s19], [sflag:$0x2] =	stream.indirect.gather [hbm4b:s4+s18], $0x80, s28, s18, $0xb8;
	[tilespmem:$0x1FC00] =	vst v63  }
0x8b: {  	s28 =	smov.u32 s26  }
0x8c: {  	p0 =	sne.s32 s26, $0x4800;
	s26 =	sadd.s32 $0x400, s26;
	_ =	swait.ge [sflag:s20], $0x4000  }
0x8d: {  	s28 =	sshra.s32 s28, $0x2;
	[sflag:s20] =	ssyncset.done $0x0  }
0x8e: {  	s29 =	sadd.s32 $0x2800, s28;
	[sflag:s20] =	ssyncadd.s32 $0xFFFFC000  }
0x8f: {  	[spmem:s2] =	stream.indirect.scatter.add.f32 [tilespmem:s15], [sflag:$0x3], $0x80, s29, s18, $0xb8;
	[tilespmem:$0x1FC00] =	vst v63  }
0x90: {  	_ =	swait.ge [sflag:s16], $0x4000  }
0x91: {  	[sflag:s16] =	ssyncset.done $0x0  }
0x92: {  	s29 =	sadd.s32 $0x1500, s28;
	[sflag:s16] =	ssyncadd.s32 $0xFFFFC000  }
0x93: {  	[tilespmem:s15], [sflag:$0x1] =	stream.indirect.gather [hbm4b:s4+s18], $0x80, s29, s18, $0xb8;
	[tilespmem:$0x1FC00] =	vst v63  }
0x94: {  	_ =	swait.ge [sflag:s21], $0x4000  }
0x95: {  	[sflag:s21] =	ssyncset.done $0x0  }
.Ltmp2:
0x96: {  	s29 =	sadd.s32 $0x2880, s28;
	[sflag:s21] =	ssyncadd.s32 $0xFFFFC000;
	(pc) =	sbr.rel @p0 .LBB2_6-.Ltmp2, $4  }
0x97: {  	[spmem:s2] =	stream.indirect.scatter.add.f32 [tilespmem:s19], [sflag:$0x3], $0x80, s29, s18, $0xb8;
	[tilespmem:$0x1FC00] =	vst v63  }
0x98: {  	_ =	swait.ge [sflag:s16], $0x4000  }
0x99: {  	[sflag:s16] =	ssyncset.done $0x0  }
0x9a: {  	s28 =	sadd.s32 $0x1580, s28;
	[sflag:s16] =	ssyncadd.s32 $0xFFFFC000  }
0x9b: {  	[tilespmem:s19], [sflag:$0x2] =	stream.indirect.gather [hbm4b:s4+s18], $0x80, s28, s18, $0xb8;
	[tilespmem:$0x1FC00] =	vst v63  }
0x9c: {  	_ =	swait.ge [sflag:s20], $0x4000  }
0x9d: {  	[sflag:s20] =	ssyncset.done $0x0  }
0x9e: {  	[sflag:s20] =	ssyncadd.s32 $0xFFFFC000  }
0x9f: {  	[spmem:s2] =	stream.indirect.scatter.add.f32 [tilespmem:s15], [sflag:$0x3], $0x80, s22, s18, $0xb8;
	[tilespmem:$0x1FC00] =	vst v63  }
0xa0: {  	_ =	swait.ge [sflag:s16], $0x4000  }
0xa1: {  	[sflag:s16] =	ssyncset.done $0x0  }
0xa2: {  	[sflag:s16] =	ssyncadd.s32 $0xFFFFC000  }
0xa3: {  	_ =	swait.ge [sflag:s21], $0x4000  }
0xa4: {  	[sflag:s21] =	ssyncset.done $0x0  }
0xa5: {  	[sflag:s21] =	ssyncadd.s32 $0xFFFFC000  }
0xa6: {  	[spmem:s2] =	stream.indirect.scatter.add.f32 [tilespmem:s19], [sflag:$0x3], $0x80, s23, s18, $0xb8;
	[tilespmem:$0x1FC00] =	vst v63  }
0xa7: {  	_ =	swait.ge [sflag:s16], $0x4000  }
0xa8: {  	s26 =	sshll.u32 s0, $0x6;
	s3 =	sadd.s32 $0x1, s3;
	[sflag:s16] =	ssyncset.done $0x0  }
0xa9: {  	s31 =	sshrl.u32 s5, $0x3;
	p0 =	sne.s32 s3, s14;
	[sflag:s16] =	ssyncadd.s32 $0xFFFFC000  }
.Ltmp3:
0xaa: {  	s26 =	sor.u32 $0x1C03, s26;
	[bflag:$0x0] =	sbarrier.arrive $0xFFFF;
	(pc) =	sbr.rel @p0 .LBB2_1-.Ltmp3, $4  }
0xab: {  	[hbm:s13], [sflag:s26] =	dma.local [spmem:s31], $0x2800  }
0xac: {  	_ =	swait.ge [sflag:s16], $0x2800  }
0xad: {  	[sflag:s16] =	ssyncset.done $0x0  }
0xae: {  	[sflag:s16] =	ssyncadd.s32 $0xFFFFD800  }
0xaf: {  	_ =	sfence.sel $0x180000  }
0xb0: {  	[bflag:$0x0] =	sbarrier.arrive $0xFFFF  }
0xb1: {  	p0 =	sne.s32 s0, $0x0;
	_ =	strace $0x9000004A  }
0xb2: {  	s0 =	sadd.s32 @!p0 $0x100000, s1;
	[bflag:$0x2] =	sbarrier.arrive $0xFFFF  }
0xb3: {  	[sflag:s0] =	ssyncadd.tile.s32 @!p0 $0x1;
	_ =	shalt  }
.Lfunc_end2:
_tile_overlayer_lowered:
.L_overlay_start_2:
0xb4: {  	(tag) =	ssettag $0x2  }
0xb5: {  	s0 =	rddreg [dreg:$0x0];
	s2 =	stileid.u32  }
0xb6: {  	s1 =	rddreg [dreg:$0x1];
	p0 =	sne.s32 s2, $0x0  }
0xb7: {  	s3 =	rddreg [dreg:$0x2];
	[bflag:$0x3] =	sbarrier.arrive $0xFFFF;
	s2 =	simm.s32 @!p0 $0x1C03  }
0xb8: {  	[timem:s3], [sflag:s2] =	dma.local @!p0 [hbm:s0], s1  }
0xb9: {  	s0 =	simm.s32 @!p0 $0x3  }
0xba: {  	_ =	swait.ge @!p0 [sflag:s0], s1  }
0xbb: {  	s1 =	ssub.s32 @!p0 $0x0, s1;
	[sflag:s0] =	ssyncset.done @!p0 $0x0  }
0xbc: {  	[sflag:s0] =	ssyncadd.s32 @!p0 s1  }
0xbd: {  	[bflag:$0x3] =	sbarrier.arrive $0xFFFF  }
0xbe: {  	_ =	shalt  }

// kernel: _run.14.cloned.1.call-start
scs
__scs_entry_jumppad:
0x0: {  	(pc) =	sbr.rel $0x88, $3  }
0x1: {  	(tag) =	ssettag $0x0;
	lr =	simm.s32 $0x1  }
0x2: {  	[smem:$0x3F9A] =	sst lr;
	_ =	strace $0xD0000000  }
0x3: {  	_ = 	snop  }
0x4: {  	_ = 	snop  }
0x5: {  	_ = 	snop  }
0x6: {  	_ = 	snop  }
0x7: {  	_ = 	snop  }
__scs_overlays_trampoline_lowered:
0x8: {  	[smem:$0x3FA9] =	sst s0  }
0x9: {  	[smem:$0x3FAA] =	sst s1  }
0xa: {  	[smem:$0x3FAB] =	sst s2  }
0xb: {  	[smem:$0x3FAC] =	sst s3  }
0xc: {  	[smem:$0x3FAD] =	sst s4  }
0xd: {  	[smem:$0x3FAE] =	sst s5  }
0xe: {  	[smem:$0x3FAF] =	sst s6  }
0xf: {  	[smem:$0x3FB0] =	sst s7  }
0x10: {  	[smem:$0x3FB1] =	sst s8  }
0x11: {  	[smem:$0x3FB2] =	sst s9;
	s0 =	simm.s32 @!p0 $0x0  }
0x12: {  	s1 =	sld [smem:$0x3F98];
	s0 =	simm.s32 @p0 $0x1  }
0x13: {  	[smem:$0x3FB3] =	sst s0;
	s0 =	simm.s32 @!p1 $0x0  }
0x14: {  	s2 =	sld [smem:$0x3F97];
	s0 =	simm.s32 @p1 $0x1  }
0x15: {  	[smem:$0x3FB4] =	sst s0;
	s0 =	simm.s32 @!p2 $0x0  }
0x16: {  	s3 =	sld [smem:$0x3FDB];
	s0 =	simm.s32 @p2 $0x1  }
0x17: {  	s4 =	simm.s32 $0x1BF5;
	[smem:$0x3FB6] =	sst s0  }
0x18: {  	s0 =	sld [smem:$0x3F99];
	_ =	swait.ge [sflag:s4], $0x0  }
0x19: {  	s7 =	sld [smem:$0x3F9A]  }
0x1a: {  	s8 =	sadd.s32 $0xFFFFE003, lr  }
0x1b: {  	s9 =	sadd.s32 $0xFFFFFEF7, lr;
	s5 =	simm.s32 $0xFFFFFFFF;
	p2 =	slt.u32 s8, $0xFFFFF086  }
0x1c: {  	p1 =	slt.u32 s9, $0xF7A;
	s5 =	simm.s32 @!p2 $0x0  }
0x1d: {  	s5 =	simm.s32 @p1 $0x1;
	p0 =	seq.s32 s7, s2  }
0x1e: {  	s7 =	smul.u32 @!p0 $0xF7A, s2;
	p2 =	seq.s32 @!p0 s5, $0x0  }
0x1f: {  	s9 =	smul.u32 $0xF7A, s1;
	s8 =	simm.s32 @!p0 $0x1BF5;
	p2 =	por !p2, p0  }
0x20: {  	[sflag:s8] =	ssyncset.s32 @!p0 $0xFFFFF086;
	s6 =	sadd.s32 @!p0 s3, s7;
	s7 =	simm.s32 @!p0 $0x108  }
0x21: {  	s3 =	sadd.s32 s3, s9;
	s6 =	sadd.s32 @!p0 $0x88, s6;
	s7 =	simm.s32 @p2 $0x1082  }
0x22: {  	[simem:s7], [sflag:s8] =	dma.local @!p0 [hbm:s6], $0xF7A  }
0x23: {  	s9 =	sor.u32 $0xD0000000, s2;
	s6 =	simm.s32 $0x108;
	_ =	swait.ge @!p0 [sflag:s8], $0x0  }
0x24: {  	s3 =	sadd.s32 $0x88, s3;
	s6 =	simm.s32 @!p1 $0x1082;
	[sflag:s4] =	ssyncset.s32 $0xFFFFF086  }
0x25: {  	[simem:s6], [sflag:s4] =	dma.local [hbm:s3], $0xF7A  }
0x26: {  	[smem:$0x3F9A] =	sst s1;
	(tag) =	ssettag s2;
	_ =	strace s9  }
0x27: {  	s1 =	sld [smem:$0x3FAA]  }
0x28: {  	s2 =	sld [smem:$0x3FAB]  }
0x29: {  	s4 =	sld [smem:$0x3FAD]  }
0x2a: {  	p0 =	seq.s32 s5, $0x0;
	s5 =	sld [smem:$0x3FAE]  }
0x2b: {  	s6 =	sld [smem:$0x3FAF]  }
0x2c: {  	s7 =	sld [smem:$0x3FB0]  }
0x2d: {  	s3 =	simm.s32 $0x108;
	s8 =	sld [smem:$0x3FB1]  }
0x2e: {  	s3 =	simm.s32 @!p0 $0x1082;
	s9 =	sld [smem:$0x3FB2]  }
0x2f: {  	lr =	sadd.s32 s0, s3;
	s0 =	sld [smem:$0x3FA9]  }
0x30: {  	s3 =	sld [smem:$0x3FAC]  }
0x31: {  	[smem:$0x3FB5] =	sst s10  }
0x32: {  	s10 =	sld [smem:$0x3FB3];
	_ =	sdelay $0x3  }
0x33: {  	p0 =	seq.s32 s10, $0x1;
	s10 =	sld [smem:$0x3FB5];
	_ =	sdelay $0x3  }
0x34: {  	[smem:$0x3FB5] =	sst s10  }
0x35: {  	s10 =	sld [smem:$0x3FB4];
	_ =	sdelay $0x3  }
0x36: {  	p1 =	seq.s32 s10, $0x1;
	s10 =	sld [smem:$0x3FB5];
	_ =	sdelay $0x3  }
0x37: {  	[smem:$0x3FB5] =	sst s10  }
0x38: {  	s10 =	sld [smem:$0x3FB6]  }
0x39: {  	_ = 	snop;
	(pc) =	sbr.ind lr, $3  }
0x3a: {  	_ = 	snop  }
0x3b: {  	_ = 	snop  }
0x3c: {  	p2 =	seq.s32 s10, $0x1;
	s10 =	sld [smem:$0x3FB5]  }
0x3d: {  	_ =	shalt  }
0x3e: {  	_ =	shalt  }
0x3f: {  	_ =	shalt  }
0x40: {  	_ =	shalt  }
0x41: {  	_ =	shalt  }
0x42: {  	_ =	shalt  }
0x43: {  	_ =	shalt  }
0x44: {  	_ =	shalt  }
0x45: {  	_ =	shalt  }
0x46: {  	_ =	shalt  }
0x47: {  	_ =	shalt  }
0x48: {  	_ =	shalt  }
0x49: {  	_ =	shalt  }
0x4a: {  	_ =	shalt  }
0x4b: {  	_ =	shalt  }
0x4c: {  	_ =	shalt  }
0x4d: {  	_ =	shalt  }
0x4e: {  	_ =	shalt  }
0x4f: {  	_ =	shalt  }
0x50: {  	_ =	shalt  }
0x51: {  	_ =	shalt  }
0x52: {  	_ =	shalt  }
0x53: {  	_ =	shalt  }
0x54: {  	_ =	shalt  }
0x55: {  	_ =	shalt  }
0x56: {  	_ =	shalt  }
0x57: {  	_ =	shalt  }
0x58: {  	_ =	shalt  }
0x59: {  	_ =	shalt  }
0x5a: {  	_ =	shalt  }
0x5b: {  	_ =	shalt  }
0x5c: {  	_ =	shalt  }
0x5d: {  	_ =	shalt  }
0x5e: {  	_ =	shalt  }
0x5f: {  	_ =	shalt  }
0x60: {  	_ =	shalt  }
0x61: {  	_ =	shalt  }
0x62: {  	_ =	shalt  }
0x63: {  	_ =	shalt  }
0x64: {  	_ =	shalt  }
0x65: {  	_ =	shalt  }
0x66: {  	_ =	shalt  }
0x67: {  	_ =	shalt  }
0x68: {  	_ =	shalt  }
0x69: {  	_ =	shalt  }
0x6a: {  	_ =	shalt  }
0x6b: {  	_ =	shalt  }
0x6c: {  	_ =	shalt  }
0x6d: {  	_ =	shalt  }
0x6e: {  	_ =	shalt  }
0x6f: {  	_ =	shalt  }
0x70: {  	_ =	shalt  }
0x71: {  	_ =	shalt  }
0x72: {  	_ =	shalt  }
0x73: {  	_ =	shalt  }
0x74: {  	_ =	shalt  }
0x75: {  	_ =	shalt  }
0x76: {  	_ =	shalt  }
0x77: {  	_ =	shalt  }
0x78: {  	_ =	shalt  }
0x79: {  	_ =	shalt  }
0x7a: {  	_ =	shalt  }
0x7b: {  	_ =	shalt  }
0x7c: {  	_ =	shalt  }
0x7d: {  	_ =	shalt  }
0x7e: {  	_ =	shalt  }
0x7f: {  	_ =	shalt  }
0x80: {  	_ =	shalt  }
0x81: {  	_ =	shalt  }
0x82: {  	_ =	shalt  }
0x83: {  	_ =	shalt  }
0x84: {  	_ =	shalt  }
0x85: {  	_ =	shalt  }
0x86: {  	_ =	shalt  }
0x87: {  	_ =	shalt  }
.Lfunc_end0:
.L_simem_size_0:
called_computation.2_lowered:
.L_overlay_start_0:
0x88: {  	s2 =	sld [smem:$0x3FD9]  }
0x89: {  	s3 =	sld [smem:$0x3FFE];
	_ =	sdelay $0x1  }
0x8a: {  	s1 =	srdreg.scid  }
0x8b: {  	s0 =	sand.u32 $0x1, s1  }
0x8c: {  	s17 =	sshll.u32 s0, $0xA;
	s2 =	sadd.s32 s3, s2  }
0x8d: {  	s2 =	sadd.s32 s2, s17  }
0x8e: {  	[smem:$0x3FC1] =	sst s2  }
0x8f: {  	_ = 	snop  }
0x90: {  	s2 =	sld [smem:$0x3FC8]  }
0x91: {  	s18 =	sld [smem:$0x3FC7];
	(tm) =	ssettm $0x1  }
0x92: {  	s4 =	sld [smem:$0x3FFB];
	_ =	sdelay $0x3  }
0x93: {  	_ =	strace s4  }
0x94: {  	s4 =	sld [smem:$0x3FFC];
	_ =	sdelay $0x3  }
0x95: {  	_ =	strace s4  }
0x96: {  	s4 =	sld [smem:$0x3FFD];
	_ =	sdelay $0x3  }
0x97: {  	_ =	strace s4  }
0x98: {  	_ =	strace $0x8FFFFFFF  }
0x99: {  	s19 =	sld [smem:$0x3FDB];
	_ =	sdelay $0x1  }
0x9a: {  	s5 =	simm.s32 $_scs_section_size  }
0x9b: {  	s6 =	simm.s32 $_size__tile_overlayer_lowered;
	s7 =	simm.s32 $_tile_overlayer_lowered  }
0x9c: {  	s22 =	simm.s32 $0x1BFF;
	s21 =	sshll.u32 s7, $0x1;
	s4 =	sadd.s32 s5, s19  }
0x9d: {  	s8 =	simm.s32 $0x0;
	s20 =	sshll.u32 s6, $0x1;
	s6 =	sadd.s32 s21, s4  }
0x9e: {  	[timem:s8], [sflag:s22] =	dma.local [hbm:s6], s20  }
0x9f: {  	_ =	swait.ge [sflag:s22], s20  }
0xa0: {  	s5 =	ssub.s32 $0x0, s20;
	[sflag:s22] =	ssyncset.done $0x0  }
0xa1: {  	[sflag:s22] =	ssyncadd.s32 s5;
	_ =	sdelay $0x1  }
0xa2: {  	s23 =	simm.s32 $0x1B8B  }
0xa3: {  	_ =	swait.ge [sflag:s23], $0x1  }
0xa4: {  	[sflag:s23] =	ssyncset.done $0x0  }
0xa5: {  	s25 =	simm.s32 $0x1B8E;
	s24 =	sld [smem:$0x3FFE];
	[sflag:s23] =	ssyncadd.s32 $0xFFFFFFFF  }
0xa6: {  	s26 =	simm.s32 $execute0_lowered;
	[smem:$0x3FD2] =	sst s25  }
0xa7: {  	s6 =	sshll.u32 s26, $0x1;
	_ =	strace $0x8000004C;
	[dreg:$0x1] =	wrdreg $0xFFFFFFFF  }
0xa8: {  	s28 =	simm.s32 $_size_execute0_lowered;
	s4 =	sadd.s32 s4, s6;
	[dreg:$0x0] =	wrdreg $0x0  }
0xa9: {  	s6 =	sshll.u32 s28, $0x1;
	[dreg:$0x2] =	wrdreg s4  }
0xaa: {  	[dreg:$0x3] =	wrdreg s6  }
0xab: {  	[dreg:$0x4] =	wrdreg $0xC0  }
0xac: {  	_ =	task [dreg:s8], $0x5FFFF  }
0xad: {  	[dreg:$0x1] =	wrdreg $0xFFFFFFFF  }
0xae: {  	[dreg:$0x0] =	wrdreg $0x60  }
0xaf: {  	[dreg:$0x2] =	wrdreg s24  }
0xb0: {  	[dreg:$0x3] =	wrdreg s2  }
0xb1: {  	[dreg:$0x4] =	wrdreg s18  }
0xb2: {  	[dreg:$0x5] =	wrdreg $0xBC000  }
0xb3: {  	[dreg:$0x6] =	wrdreg $0x9  }
0xb4: {  	_ =	task.clear_ibuf [dreg:s8], $0x7FFFF;
	_ =	strace $0x9000004C  }
0xb5: {  	s29 =	simm.s32 $0x9;
	_ =	strace $0x8000004E  }
0xb6: {  	_ =	swait.ge [sflag:s29], $0x1  }
0xb7: {  	[sflag:s29] =	ssyncadd.s32 $0xFFFFFFFF  }
0xb8: {  	_ =	strace $0x9000004E  }
0xb9: {  	_ =	sfence  }
0xba: {  	s30 =	sld [smem:$0x0];
	_ =	sdelay $0x2  }
0xbb: {  	s31 =	sshll.u32 s1, $0xD;
	s1 =	sshrl.u32 s1, $0x2  }
0xbc: {  	s3 =	sand.u32 $0x4000, s31;
	s1 =	sadd.s32 s1, s30  }
0xbd: {  	s0 =	sor.u32 s3, s0;
	s1 =	sshll.u32 s1, $0x11  }
0xbe: {  	s0 =	sor.u32 s1, s0  }
0xbf: {  	s0 =	sadd.s32 $0x8F2B, s0  }
0xc0: {  	[sflag:s0] =	ssyncadd.remote.s32 $0x1  }
0xc1: {  	_ =	sfence.sel $0xFFFF  }
0xc2: {  	[dreg:$0x0] =	wrdreg $0xFFFFFFFF;
	(pc) =	sbr.abs _section_cstart, $3  }
0xc3: {  	[dreg:$0x1] =	wrdreg $0xFFFFFFFF  }
0xc4: {  	_ =	task.clear_ibuf [dreg:s8], $0x2FFFF;
	_ =	strace $0x9FFFFFFF  }
0xc5: {  	(tm) =	ssettm $0x7FFFFFFF  }
tec
execute0_lowered:
.L_overlay_start_1:
0x0: {  	(tag) =	ssettag $0x1  }
0x1: {  	s5 =	rddreg [dreg:$0x0]  }
0x2: {  	s10 =	rddreg [dreg:$0x1]  }
0x3: {  	s11 =	rddreg [dreg:$0x2]  }
0x4: {  	s2 =	rddreg [dreg:$0x3]  }
0x5: {  	s0 =	srdreg.scid;
	s1 =	rddreg [dreg:$0x4];
	s3 =	simm.s32 $0x0  }
0x6: {  	s16 =	simm.s32 $0x3;
	s17 =	simm.s32 $0x2800;
	s18 =	simm.s32 $0x80  }
0x7: {  	s19 =	simm.s32 $0x7C00;
	s20 =	simm.s32 $0x1;
	s21 =	simm.s32 $0x2  }
0x8: {  	s22 =	simm.s32 $0x3B00;
	s23 =	simm.s32 $0x3B80;
	s6 =	sand.u32 $0x1, s0  }
0x9: {  	s24 =	simm.s32 $0x1400;
	s0 =	stileid.u32;
	s4 =	smul.u32 $0x140000, s6  }
0xa: {  	s25 =	simm.s32 $0x1480;
	[smem:$0x7FF] =	sst s3;
	s7 =	smul.u32 $0x14000, s0  }
0xb: {  	s8 =	smul.u32 $0x50000, s0;
	s28 =	sshll.u32 s0, $0x1;
	s29 =	ssub.s32 $0x2, s6  }
0xc: {  	_ =	strace $0x8000004D;
	s9 =	sor.u32 s6, s28;
	s31 =	sshrl.u32 s29, $0x1  }
0xd: {  	s4 =	sadd.s32 s7, s4;
	s30 =	sshrl.u32 s8, $0x2;
	s12 =	smul.u32 $0x2800, s9  }
0xe: {  	s14 =	ssub.s32 s29, s31;
	s15 =	smul.u32 $0x500, s9;
	s7 =	sshrl.u32 s4, $0x3  }
0xf: {  	s4 =	sadd.s32 $0x3C00, s5;
	s14 =	smax.u32 s14, $0x1;
	s13 =	sadd.s32 s7, s5  }
0x10: {  	s5 =	sadd.s32 s30, s2;
	s12 =	sshrl.u32 s12, $0x3;
	s10 =	sadd.s32 s10, s15  }
0x11: {  	s6 =	sadd.s32 $0x4000, s5;
	s7 =	sadd.s32 $0x8000, s5;
	s8 =	sadd.s32 $0xC000, s5  }
0x12: {  	s9 =	sadd.s32 $0x10000, s5;
	s12 =	sadd.s32 s11, s12;
	s11 =	sadd.s32 s11, s15  }
0x13: {  	v0 =	vimm.f32 $0.0e+00;
	s13 =	sadd.s32 $0x53C00, s13;
	s15 =	simm.s32 $0x3C00;
	s12 =	sadd.s32 $0x280, s12  }
.LBB2_1:
0x14: {  	s26 =	simm.s32 $0x0;
	s28 =	simm.s32 $0x200  }
.LBB2_2:
0x15: {  	p0 =	sne.s32 s28, $0xFE00;
	[tilespmem:s26+$0x3C70] =	vst v0  }
0x16: {  	[tilespmem:s26+$0x3C00] =	vst v0  }
0x17: {  	[tilespmem:s26+$0x3C10] =	vst v0  }
.Ltmp0:
0x18: {  	[tilespmem:s26+$0x3C20] =	vst v0;
	(pc) =	sbr.rel @p0 .LBB2_2-.Ltmp0, $4  }
0x19: {  	[tilespmem:s26+$0x3C30] =	vst v0  }
0x1a: {  	[tilespmem:s26+$0x3C40] =	vst v0  }
0x1b: {  	[tilespmem:s26+$0x3C50] =	vst v0  }
0x1c: {  	[tilespmem:s26+$0x3C60] =	vst v0;
	s26 =	sshra.s32 s28, $0x2;
	s28 =	sadd.s32 $0x200, s28  }
0x1d: {  	[tilespmem:s26+$0x3C70] =	vst v0  }
0x1e: {  	[tilespmem:s26+$0x3C00] =	vst v0  }
0x1f: {  	[tilespmem:s26+$0x3C10] =	vst v0  }
0x20: {  	[tilespmem:s26+$0x3C20] =	vst v0  }
0x21: {  	[tilespmem:s26+$0x3C30] =	vst v0  }
0x22: {  	[tilespmem:s26+$0x3C40] =	vst v0  }
0x23: {  	[tilespmem:s26+$0x3C50] =	vst v0  }
0x24: {  	[tilespmem:s26+$0x3C60] =	vst v0  }
0x25: {  	[spmem:s5] =	stream.linear.scatter [tilespmem:s15], [sflag:$0x3], $0x4000, $0x38;
	[tilespmem:$0x1FC00] =	vst v63  }
0x26: {  	_ =	swait.ge [sflag:s16], $0x4000  }
0x27: {  	[sflag:s16] =	ssyncset.done $0x0  }
0x28: {  	[sflag:s16] =	ssyncadd.s32 $0xFFFFC000  }
0x29: {  	[spmem:s6] =	stream.linear.scatter [tilespmem:s15], [sflag:$0x3], $0x4000, $0x38;
	[tilespmem:$0x1FC00] =	vst v63  }
0x2a: {  	_ =	swait.ge [sflag:s16], $0x4000  }
0x2b: {  	[sflag:s16] =	ssyncset.done $0x0  }
0x2c: {  	[sflag:s16] =	ssyncadd.s32 $0xFFFFC000  }
0x2d: {  	[spmem:s7] =	stream.linear.scatter [tilespmem:s15], [sflag:$0x3], $0x4000, $0x38;
	[tilespmem:$0x1FC00] =	vst v63  }
0x2e: {  	_ =	swait.ge [sflag:s16], $0x4000  }
0x2f: {  	[sflag:s16] =	ssyncset.done $0x0  }
0x30: {  	[sflag:s16] =	ssyncadd.s32 $0xFFFFC000  }
0x31: {  	[spmem:s8] =	stream.linear.scatter [tilespmem:s15], [sflag:$0x3], $0x4000, $0x38;
	[tilespmem:$0x1FC00] =	vst v63  }
0x32: {  	_ =	swait.ge [sflag:s16], $0x4000  }
0x33: {  	[sflag:s16] =	ssyncset.done $0x0  }
0x34: {  	[sflag:s16] =	ssyncadd.s32 $0xFFFFC000  }
0x35: {  	[spmem:s9] =	stream.linear.scatter [tilespmem:s15], [sflag:$0x3], $0x4000, $0x38;
	[tilespmem:$0x1FC00] =	vst v63  }
0x36: {  	_ =	swait.ge [sflag:s16], $0x4000  }
0x37: {  	[sflag:s16] =	ssyncset.done $0x0  }
0x38: {  	[sflag:s16] =	ssyncadd.s32 $0xFFFFC000  }
0x39: {  	s31 =	simm.s32 $0x0;
	[bflag:$0x0] =	sbarrier.arrive $0xFFFF  }
0x3a: {  	[tilespmem:s31], [sflag:$0x3] =	stream.linear.gather [hbm4b:s10+s31], $0x2800, $0x38;
	[tilespmem:$0x1FC00] =	vst v63  }
0x3b: {  	_ =	swait.ge [sflag:s16], $0x2800  }
0x3c: {  	[sflag:s16] =	ssyncset.done $0x0  }
0x3d: {  	[sflag:s16] =	ssyncadd.s32 $0xFFFFD800  }
0x3e: {  	[tilespmem:s17], [sflag:$0x3] =	stream.linear.gather [hbm4b:s11+s31], $0x1400, $0x38;
	[tilespmem:$0x1FC00] =	vst v63  }
0x3f: {  	_ =	swait.ge [sflag:s16], $0x1400  }
0x40: {  	[sflag:s16] =	ssyncset.done $0x0  }
0x41: {  	[sflag:s16] =	ssyncadd.s32 $0xFFFFEC00  }
0x42: {  	[tilespmem:s15], [sflag:$0x1] =	stream.indirect.gather [hbm4b:s4+s18], $0x80, s31, s18, $0xb8;
	[tilespmem:$0x1FC00] =	vst v63  }
0x43: {  	_ = 	snop  }
0x44: {  	[tilespmem:s19], [sflag:$0x2] =	stream.indirect.gather [hbm4b:s4+s18], $0x80, s18, s18, $0xb8;
	[tilespmem:$0x1FC00] =	vst v63  }
0x45: {  	_ =	swait.ge [sflag:s20], $0x4000  }
0x46: {  	[sflag:s20] =	ssyncset.done $0x0  }
0x47: {  	s29 =	simm.s32 $0x2800;
	[sflag:s20] =	ssyncadd.s32 $0xFFFFC000  }
0x48: {  	[spmem:s2] =	stream.indirect.scatter.add.f32 [tilespmem:s15], [sflag:$0x3], $0x80, s29, s18, $0xb8;
	[tilespmem:$0x1FC00] =	vst v63  }
0x49: {  	_ =	swait.ge [sflag:s16], $0x4000  }
0x4a: {  	[sflag:s16] =	ssyncset.done $0x0  }
0x4b: {  	s30 =	simm.s32 $0x100;
	[sflag:s16] =	ssyncadd.s32 $0xFFFFC000  }
0x4c: {  	[tilespmem:s15], [sflag:$0x1] =	stream.indirect.gather [hbm4b:s4+s18], $0x80, s30, s18, $0xb8;
	[tilespmem:$0x1FC00] =	vst v63  }
0x4d: {  	_ =	swait.ge [sflag:s21], $0x4000  }
0x4e: {  	[sflag:s21] =	ssyncset.done $0x0  }
0x4f: {  	s31 =	simm.s32 $0x2880;
	[sflag:s21] =	ssyncadd.s32 $0xFFFFC000  }
0x50: {  	[spmem:s2] =	stream.indirect.scatter.add.f32 [tilespmem:s19], [sflag:$0x3], $0x80, s31, s18, $0xb8;
	[tilespmem:$0x1FC00] =	vst v63  }
0x51: {  	_ =	swait.ge [sflag:s16], $0x4000  }
0x52: {  	[sflag:s16] =	ssyncset.done $0x0  }
0x53: {  	s26 =	simm.s32 $0x400;
	s28 =	simm.s32 $0x180;
	[sflag:s16] =	ssyncadd.s32 $0xFFFFC000  }
.LBB2_4:
0x54: {  	[tilespmem:s19], [sflag:$0x2] =	stream.indirect.gather [hbm4b:s4+s18], $0x80, s28, s18, $0xb8;
	[tilespmem:$0x1FC00] =	vst v63  }
0x55: {  	s28 =	smov.u32 s26  }
0x56: {  	p0 =	sne.s32 s26, $0x4800;
	s26 =	sadd.s32 $0x400, s26;
	_ =	swait.ge [sflag:s20], $0x4000  }
0x57: {  	s28 =	sshra.s32 s28, $0x2;
	[sflag:s20] =	ssyncset.done $0x0  }
0x58: {  	s29 =	sadd.s32 $0x2800, s28;
	[sflag:s20] =	ssyncadd.s32 $0xFFFFC000  }
0x59: {  	[spmem:s2] =	stream.indirect.scatter.add.f32 [tilespmem:s15], [sflag:$0x3], $0x80, s29, s18, $0xb8;
	[tilespmem:$0x1FC00] =	vst v63  }
0x5a: {  	_ =	swait.ge [sflag:s16], $0x4000  }
0x5b: {  	[sflag:s16] =	ssyncset.done $0x0  }
0x5c: {  	s29 =	sadd.s32 $0x100, s28;
	[sflag:s16] =	ssyncadd.s32 $0xFFFFC000  }
0x5d: {  	[tilespmem:s15], [sflag:$0x1] =	stream.indirect.gather [hbm4b:s4+s18], $0x80, s29, s18, $0xb8;
	[tilespmem:$0x1FC00] =	vst v63  }
0x5e: {  	_ =	swait.ge [sflag:s21], $0x4000  }
0x5f: {  	[sflag:s21] =	ssyncset.done $0x0  }
.Ltmp1:
0x60: {  	s29 =	sadd.s32 $0x2880, s28;
	[sflag:s21] =	ssyncadd.s32 $0xFFFFC000;
	(pc) =	sbr.rel @p0 .LBB2_4-.Ltmp1, $4  }
0x61: {  	[spmem:s2] =	stream.indirect.scatter.add.f32 [tilespmem:s19], [sflag:$0x3], $0x80, s29, s18, $0xb8;
	[tilespmem:$0x1FC00] =	vst v63  }
0x62: {  	_ =	swait.ge [sflag:s16], $0x4000  }
0x63: {  	[sflag:s16] =	ssyncset.done $0x0  }
0x64: {  	s28 =	sadd.s32 $0x180, s28;
	[sflag:s16] =	ssyncadd.s32 $0xFFFFC000  }
0x65: {  	[tilespmem:s19], [sflag:$0x2] =	stream.indirect.gather [hbm4b:s4+s18], $0x80, s28, s18, $0xb8;
	[tilespmem:$0x1FC00] =	vst v63  }
0x66: {  	_ =	swait.ge [sflag:s20], $0x4000  }
0x67: {  	[sflag:s20] =	ssyncset.done $0x0  }
0x68: {  	[sflag:s20] =	ssyncadd.s32 $0xFFFFC000  }
0x69: {  	[spmem:s2] =	stream.indirect.scatter.add.f32 [tilespmem:s15], [sflag:$0x3], $0x80, s22, s18, $0xb8;
	[tilespmem:$0x1FC00] =	vst v63  }
0x6a: {  	_ =	swait.ge [sflag:s16], $0x4000  }
0x6b: {  	[sflag:s16] =	ssyncset.done $0x0  }
0x6c: {  	[sflag:s16] =	ssyncadd.s32 $0xFFFFC000  }
0x6d: {  	_ =	swait.ge [sflag:s21], $0x4000  }
0x6e: {  	[sflag:s21] =	ssyncset.done $0x0  }
0x6f: {  	[sflag:s21] =	ssyncadd.s32 $0xFFFFC000  }
0x70: {  	[spmem:s2] =	stream.indirect.scatter.add.f32 [tilespmem:s19], [sflag:$0x3], $0x80, s23, s18, $0xb8;
	[tilespmem:$0x1FC00] =	vst v63  }
0x71: {  	_ =	swait.ge [sflag:s16], $0x4000  }
0x72: {  	[sflag:s16] =	ssyncset.done $0x0  }
0x73: {  	s26 =	simm.s32 $0x0;
	[sflag:s16] =	ssyncadd.s32 $0xFFFFC000  }
0x74: {  	[tilespmem:s17], [sflag:$0x3] =	stream.linear.gather [hbm4b:s12+s26], $0x1400, $0x38;
	[tilespmem:$0x1FC00] =	vst v63  }
0x75: {  	_ =	swait.ge [sflag:s16], $0x1400  }
0x76: {  	[sflag:s16] =	ssyncset.done $0x0  }
0x77: {  	[sflag:s16] =	ssyncadd.s32 $0xFFFFEC00  }
0x78: {  	[tilespmem:s15], [sflag:$0x1] =	stream.indirect.gather [hbm4b:s4+s18], $0x80, s24, s18, $0xb8;
	[tilespmem:$0x1FC00] =	vst v63  }
0x79: {  	_ = 	snop  }
0x7a: {  	[tilespmem:s19], [sflag:$0x2] =	stream.indirect.gather [hbm4b:s4+s18], $0x80, s25, s18, $0xb8;
	[tilespmem:$0x1FC00] =	vst v63  }
0x7b: {  	_ =	swait.ge [sflag:s20], $0x4000  }
0x7c: {  	[sflag:s20] =	ssyncset.done $0x0  }
0x7d: {  	s29 =	simm.s32 $0x2800;
	[sflag:s20] =	ssyncadd.s32 $0xFFFFC000  }
0x7e: {  	[spmem:s2] =	stream.indirect.scatter.add.f32 [tilespmem:s15], [sflag:$0x3], $0x80, s29, s18, $0xb8;
	[tilespmem:$0x1FC00] =	vst v63  }
0x7f: {  	_ =	swait.ge [sflag:s16], $0x4000  }
0x80: {  	[sflag:s16] =	ssyncset.done $0x0  }
0x81: {  	s30 =	simm.s32 $0x1500;
	[sflag:s16] =	ssyncadd.s32 $0xFFFFC000  }
0x82: {  	[tilespmem:s15], [sflag:$0x1] =	stream.indirect.gather [hbm4b:s4+s18], $0x80, s30, s18, $0xb8;
	[tilespmem:$0x1FC00] =	vst v63  }
0x83: {  	_ =	swait.ge [sflag:s21], $0x4000  }
0x84: {  	[sflag:s21] =	ssyncset.done $0x0  }
0x85: {  	s31 =	simm.s32 $0x2880;
	[sflag:s21] =	ssyncadd.s32 $0xFFFFC000  }
0x86: {  	[spmem:s2] =	stream.indirect.scatter.add.f32 [tilespmem:s19], [sflag:$0x3], $0x80, s31, s18, $0xb8;
	[tilespmem:$0x1FC00] =	vst v63  }
0x87: {  	_ =	swait.ge [sflag:s16], $0x4000  }
0x88: {  	[sflag:s16] =	ssyncset.done $0x0  }
0x89: {  	s28 =	simm.s32 $0x1580;
	s26 =	simm.s32 $0x400;
	[sflag:s16] =	ssyncadd.s32 $0xFFFFC000  }
.LBB2_6:
0x8a: {  	[tilespmem:s19], [sflag:$0x2] =	stream.indirect.gather [hbm4b:s4+s18], $0x80, s28, s18, $0xb8;
	[tilespmem:$0x1FC00] =	vst v63  }
0x8b: {  	s28 =	smov.u32 s26  }
0x8c: {  	p0 =	sne.s32 s26, $0x4800;
	s26 =	sadd.s32 $0x400, s26;
	_ =	swait.ge [sflag:s20], $0x4000  }
0x8d: {  	s28 =	sshra.s32 s28, $0x2;
	[sflag:s20] =	ssyncset.done $0x0  }
0x8e: {  	s29 =	sadd.s32 $0x2800, s28;
	[sflag:s20] =	ssyncadd.s32 $0xFFFFC000  }
0x8f: {  	[spmem:s2] =	stream.indirect.scatter.add.f32 [tilespmem:s15], [sflag:$0x3], $0x80, s29, s18, $0xb8;
	[tilespmem:$0x1FC00] =	vst v63  }
0x90: {  	_ =	swait.ge [sflag:s16], $0x4000  }
0x91: {  	[sflag:s16] =	ssyncset.done $0x0  }
0x92: {  	s29 =	sadd.s32 $0x1500, s28;
	[sflag:s16] =	ssyncadd.s32 $0xFFFFC000  }
0x93: {  	[tilespmem:s15], [sflag:$0x1] =	stream.indirect.gather [hbm4b:s4+s18], $0x80, s29, s18, $0xb8;
	[tilespmem:$0x1FC00] =	vst v63  }
0x94: {  	_ =	swait.ge [sflag:s21], $0x4000  }
0x95: {  	[sflag:s21] =	ssyncset.done $0x0  }
.Ltmp2:
0x96: {  	s29 =	sadd.s32 $0x2880, s28;
	[sflag:s21] =	ssyncadd.s32 $0xFFFFC000;
	(pc) =	sbr.rel @p0 .LBB2_6-.Ltmp2, $4  }
0x97: {  	[spmem:s2] =	stream.indirect.scatter.add.f32 [tilespmem:s19], [sflag:$0x3], $0x80, s29, s18, $0xb8;
	[tilespmem:$0x1FC00] =	vst v63  }
0x98: {  	_ =	swait.ge [sflag:s16], $0x4000  }
0x99: {  	[sflag:s16] =	ssyncset.done $0x0  }
0x9a: {  	s28 =	sadd.s32 $0x1580, s28;
	[sflag:s16] =	ssyncadd.s32 $0xFFFFC000  }
0x9b: {  	[tilespmem:s19], [sflag:$0x2] =	stream.indirect.gather [hbm4b:s4+s18], $0x80, s28, s18, $0xb8;
	[tilespmem:$0x1FC00] =	vst v63  }
0x9c: {  	_ =	swait.ge [sflag:s20], $0x4000  }
0x9d: {  	[sflag:s20] =	ssyncset.done $0x0  }
0x9e: {  	[sflag:s20] =	ssyncadd.s32 $0xFFFFC000  }
0x9f: {  	[spmem:s2] =	stream.indirect.scatter.add.f32 [tilespmem:s15], [sflag:$0x3], $0x80, s22, s18, $0xb8;
	[tilespmem:$0x1FC00] =	vst v63  }
0xa0: {  	_ =	swait.ge [sflag:s16], $0x4000  }
0xa1: {  	[sflag:s16] =	ssyncset.done $0x0  }
0xa2: {  	[sflag:s16] =	ssyncadd.s32 $0xFFFFC000  }
0xa3: {  	_ =	swait.ge [sflag:s21], $0x4000  }
0xa4: {  	[sflag:s21] =	ssyncset.done $0x0  }
0xa5: {  	[sflag:s21] =	ssyncadd.s32 $0xFFFFC000  }
0xa6: {  	[spmem:s2] =	stream.indirect.scatter.add.f32 [tilespmem:s19], [sflag:$0x3], $0x80, s23, s18, $0xb8;
	[tilespmem:$0x1FC00] =	vst v63  }
0xa7: {  	_ =	swait.ge [sflag:s16], $0x4000  }
0xa8: {  	s26 =	sshll.u32 s0, $0x6;
	s3 =	sadd.s32 $0x1, s3;
	[sflag:s16] =	ssyncset.done $0x0  }
0xa9: {  	s31 =	sshrl.u32 s5, $0x3;
	p0 =	sne.s32 s3, s14;
	[sflag:s16] =	ssyncadd.s32 $0xFFFFC000  }
.Ltmp3:
0xaa: {  	s26 =	sor.u32 $0x1C03, s26;
	[bflag:$0x0] =	sbarrier.arrive $0xFFFF;
	(pc) =	sbr.rel @p0 .LBB2_1-.Ltmp3, $4  }
0xab: {  	[hbm:s13], [sflag:s26] =	dma.local [spmem:s31], $0x2800  }
0xac: {  	_ =	swait.ge [sflag:s16], $0x2800  }
0xad: {  	[sflag:s16] =	ssyncset.done $0x0  }
0xae: {  	[sflag:s16] =	ssyncadd.s32 $0xFFFFD800  }
0xaf: {  	_ =	sfence.sel $0x180000  }
0xb0: {  	[bflag:$0x0] =	sbarrier.arrive $0xFFFF  }
0xb1: {  	p0 =	sne.s32 s0, $0x0;
	_ =	strace $0x9000004D  }
0xb2: {  	s0 =	sadd.s32 @!p0 $0x100000, s1;
	[bflag:$0x2] =	sbarrier.arrive $0xFFFF  }
0xb3: {  	[sflag:s0] =	ssyncadd.tile.s32 @!p0 $0x1;
	_ =	shalt  }
.Lfunc_end2:
_tile_overlayer_lowered:
.L_overlay_start_2:
0xb4: {  	(tag) =	ssettag $0x2  }
0xb5: {  	s0 =	rddreg [dreg:$0x0];
	s2 =	stileid.u32  }
0xb6: {  	s1 =	rddreg [dreg:$0x1];
	p0 =	sne.s32 s2, $0x0  }
0xb7: {  	s3 =	rddreg [dreg:$0x2];
	[bflag:$0x3] =	sbarrier.arrive $0xFFFF;
	s2 =	simm.s32 @!p0 $0x1C03  }
0xb8: {  	[timem:s3], [sflag:s2] =	dma.local @!p0 [hbm:s0], s1  }
0xb9: {  	s0 =	simm.s32 @!p0 $0x3  }
0xba: {  	_ =	swait.ge @!p0 [sflag:s0], s1  }
0xbb: {  	s1 =	ssub.s32 @!p0 $0x0, s1;
	[sflag:s0] =	ssyncset.done @!p0 $0x0  }
0xbc: {  	[sflag:s0] =	ssyncadd.s32 @!p0 s1  }
0xbd: {  	[bflag:$0x3] =	sbarrier.arrive $0xFFFF  }
0xbe: {  	_ =	shalt  }

// kernel: _run.8.cloned.1.call-start
scs
__scs_entry_jumppad:
0x0: {  	(pc) =	sbr.rel $0x88, $3  }
0x1: {  	(tag) =	ssettag $0x0;
	lr =	simm.s32 $0x1  }
0x2: {  	[smem:$0x3F9A] =	sst lr;
	_ =	strace $0xD0000000  }
0x3: {  	_ = 	snop  }
0x4: {  	_ = 	snop  }
0x5: {  	_ = 	snop  }
0x6: {  	_ = 	snop  }
0x7: {  	_ = 	snop  }
__scs_overlays_trampoline_lowered:
0x8: {  	[smem:$0x3FA9] =	sst s0  }
0x9: {  	[smem:$0x3FAA] =	sst s1  }
0xa: {  	[smem:$0x3FAB] =	sst s2  }
0xb: {  	[smem:$0x3FAC] =	sst s3  }
0xc: {  	[smem:$0x3FAD] =	sst s4  }
0xd: {  	[smem:$0x3FAE] =	sst s5  }
0xe: {  	[smem:$0x3FAF] =	sst s6  }
0xf: {  	[smem:$0x3FB0] =	sst s7  }
0x10: {  	[smem:$0x3FB1] =	sst s8  }
0x11: {  	[smem:$0x3FB2] =	sst s9;
	s0 =	simm.s32 @!p0 $0x0  }
0x12: {  	s1 =	sld [smem:$0x3F98];
	s0 =	simm.s32 @p0 $0x1  }
0x13: {  	[smem:$0x3FB3] =	sst s0;
	s0 =	simm.s32 @!p1 $0x0  }
0x14: {  	s2 =	sld [smem:$0x3F97];
	s0 =	simm.s32 @p1 $0x1  }
0x15: {  	[smem:$0x3FB4] =	sst s0;
	s0 =	simm.s32 @!p2 $0x0  }
0x16: {  	s3 =	sld [smem:$0x3FDB];
	s0 =	simm.s32 @p2 $0x1  }
0x17: {  	s4 =	simm.s32 $0x1BF5;
	[smem:$0x3FB6] =	sst s0  }
0x18: {  	s0 =	sld [smem:$0x3F99];
	_ =	swait.ge [sflag:s4], $0x0  }
0x19: {  	s7 =	sld [smem:$0x3F9A]  }
0x1a: {  	s8 =	sadd.s32 $0xFFFFE003, lr  }
0x1b: {  	s9 =	sadd.s32 $0xFFFFFEF7, lr;
	s5 =	simm.s32 $0xFFFFFFFF;
	p2 =	slt.u32 s8, $0xFFFFF086  }
0x1c: {  	p1 =	slt.u32 s9, $0xF7A;
	s5 =	simm.s32 @!p2 $0x0  }
0x1d: {  	s5 =	simm.s32 @p1 $0x1;
	p0 =	seq.s32 s7, s2  }
0x1e: {  	s7 =	smul.u32 @!p0 $0xF7A, s2;
	p2 =	seq.s32 @!p0 s5, $0x0  }
0x1f: {  	s9 =	smul.u32 $0xF7A, s1;
	s8 =	simm.s32 @!p0 $0x1BF5;
	p2 =	por !p2, p0  }
0x20: {  	[sflag:s8] =	ssyncset.s32 @!p0 $0xFFFFF086;
	s6 =	sadd.s32 @!p0 s3, s7;
	s7 =	simm.s32 @!p0 $0x108  }
0x21: {  	s3 =	sadd.s32 s3, s9;
	s6 =	sadd.s32 @!p0 $0x88, s6;
	s7 =	simm.s32 @p2 $0x1082  }
0x22: {  	[simem:s7], [sflag:s8] =	dma.local @!p0 [hbm:s6], $0xF7A  }
0x23: {  	s9 =	sor.u32 $0xD0000000, s2;
	s6 =	simm.s32 $0x108;
	_ =	swait.ge @!p0 [sflag:s8], $0x0  }
0x24: {  	s3 =	sadd.s32 $0x88, s3;
	s6 =	simm.s32 @!p1 $0x1082;
	[sflag:s4] =	ssyncset.s32 $0xFFFFF086  }
0x25: {  	[simem:s6], [sflag:s4] =	dma.local [hbm:s3], $0xF7A  }
0x26: {  	[smem:$0x3F9A] =	sst s1;
	(tag) =	ssettag s2;
	_ =	strace s9  }
0x27: {  	s1 =	sld [smem:$0x3FAA]  }
0x28: {  	s2 =	sld [smem:$0x3FAB]  }
0x29: {  	s4 =	sld [smem:$0x3FAD]  }
0x2a: {  	p0 =	seq.s32 s5, $0x0;
	s5 =	sld [smem:$0x3FAE]  }
0x2b: {  	s6 =	sld [smem:$0x3FAF]  }
0x2c: {  	s7 =	sld [smem:$0x3FB0]  }
0x2d: {  	s3 =	simm.s32 $0x108;
	s8 =	sld [smem:$0x3FB1]  }
0x2e: {  	s3 =	simm.s32 @!p0 $0x1082;
	s9 =	sld [smem:$0x3FB2]  }
0x2f: {  	lr =	sadd.s32 s0, s3;
	s0 =	sld [smem:$0x3FA9]  }
0x30: {  	s3 =	sld [smem:$0x3FAC]  }
0x31: {  	[smem:$0x3FB5] =	sst s10  }
0x32: {  	s10 =	sld [smem:$0x3FB3];
	_ =	sdelay $0x3  }
0x33: {  	p0 =	seq.s32 s10, $0x1;
	s10 =	sld [smem:$0x3FB5];
	_ =	sdelay $0x3  }
0x34: {  	[smem:$0x3FB5] =	sst s10  }
0x35: {  	s10 =	sld [smem:$0x3FB4];
	_ =	sdelay $0x3  }
0x36: {  	p1 =	seq.s32 s10, $0x1;
	s10 =	sld [smem:$0x3FB5];
	_ =	sdelay $0x3  }
0x37: {  	[smem:$0x3FB5] =	sst s10  }
0x38: {  	s10 =	sld [smem:$0x3FB6]  }
0x39: {  	_ = 	snop;
	(pc) =	sbr.ind lr, $3  }
0x3a: {  	_ = 	snop  }
0x3b: {  	_ = 	snop  }
0x3c: {  	p2 =	seq.s32 s10, $0x1;
	s10 =	sld [smem:$0x3FB5]  }
0x3d: {  	_ =	shalt  }
0x3e: {  	_ =	shalt  }
0x3f: {  	_ =	shalt  }
0x40: {  	_ =	shalt  }
0x41: {  	_ =	shalt  }
0x42: {  	_ =	shalt  }
0x43: {  	_ =	shalt  }
0x44: {  	_ =	shalt  }
0x45: {  	_ =	shalt  }
0x46: {  	_ =	shalt  }
0x47: {  	_ =	shalt  }
0x48: {  	_ =	shalt  }
0x49: {  	_ =	shalt  }
0x4a: {  	_ =	shalt  }
0x4b: {  	_ =	shalt  }
0x4c: {  	_ =	shalt  }
0x4d: {  	_ =	shalt  }
0x4e: {  	_ =	shalt  }
0x4f: {  	_ =	shalt  }
0x50: {  	_ =	shalt  }
0x51: {  	_ =	shalt  }
0x52: {  	_ =	shalt  }
0x53: {  	_ =	shalt  }
0x54: {  	_ =	shalt  }
0x55: {  	_ =	shalt  }
0x56: {  	_ =	shalt  }
0x57: {  	_ =	shalt  }
0x58: {  	_ =	shalt  }
0x59: {  	_ =	shalt  }
0x5a: {  	_ =	shalt  }
0x5b: {  	_ =	shalt  }
0x5c: {  	_ =	shalt  }
0x5d: {  	_ =	shalt  }
0x5e: {  	_ =	shalt  }
0x5f: {  	_ =	shalt  }
0x60: {  	_ =	shalt  }
0x61: {  	_ =	shalt  }
0x62: {  	_ =	shalt  }
0x63: {  	_ =	shalt  }
0x64: {  	_ =	shalt  }
0x65: {  	_ =	shalt  }
0x66: {  	_ =	shalt  }
0x67: {  	_ =	shalt  }
0x68: {  	_ =	shalt  }
0x69: {  	_ =	shalt  }
0x6a: {  	_ =	shalt  }
0x6b: {  	_ =	shalt  }
0x6c: {  	_ =	shalt  }
0x6d: {  	_ =	shalt  }
0x6e: {  	_ =	shalt  }
0x6f: {  	_ =	shalt  }
0x70: {  	_ =	shalt  }
0x71: {  	_ =	shalt  }
0x72: {  	_ =	shalt  }
0x73: {  	_ =	shalt  }
0x74: {  	_ =	shalt  }
0x75: {  	_ =	shalt  }
0x76: {  	_ =	shalt  }
0x77: {  	_ =	shalt  }
0x78: {  	_ =	shalt  }
0x79: {  	_ =	shalt  }
0x7a: {  	_ =	shalt  }
0x7b: {  	_ =	shalt  }
0x7c: {  	_ =	shalt  }
0x7d: {  	_ =	shalt  }
0x7e: {  	_ =	shalt  }
0x7f: {  	_ =	shalt  }
0x80: {  	_ =	shalt  }
0x81: {  	_ =	shalt  }
0x82: {  	_ =	shalt  }
0x83: {  	_ =	shalt  }
0x84: {  	_ =	shalt  }
0x85: {  	_ =	shalt  }
0x86: {  	_ =	shalt  }
0x87: {  	_ =	shalt  }
.Lfunc_end0:
.L_simem_size_0:
called_computation_lowered:
.L_overlay_start_0:
0x88: {  	s2 =	sld [smem:$0x3FD9]  }
0x89: {  	s3 =	sld [smem:$0x3FFE];
	_ =	sdelay $0x1  }
0x8a: {  	s1 =	srdreg.scid  }
0x8b: {  	s0 =	sand.u32 $0x1, s1  }
0x8c: {  	s18 =	sshll.u32 s0, $0xA;
	s2 =	sadd.s32 s3, s2  }
0x8d: {  	s2 =	sadd.s32 s2, s18  }
0x8e: {  	[smem:$0x3FC1] =	sst s2  }
0x8f: {  	_ = 	snop  }
0x90: {  	s2 =	sld [smem:$0x3FC7]  }
0x91: {  	s19 =	sld [smem:$0x3FD0];
	(tm) =	ssettm $0x1  }
0x92: {  	s4 =	sld [smem:$0x3FFB];
	_ =	sdelay $0x3  }
0x93: {  	_ =	strace s4  }
0x94: {  	s4 =	sld [smem:$0x3FFC];
	_ =	sdelay $0x3  }
0x95: {  	_ =	strace s4  }
0x96: {  	s4 =	sld [smem:$0x3FFD];
	_ =	sdelay $0x3  }
0x97: {  	_ =	strace s4  }
0x98: {  	_ =	strace $0x8FFFFFFF  }
0x99: {  	s20 =	sld [smem:$0x3FDB];
	_ =	sdelay $0x1  }
0x9a: {  	s5 =	simm.s32 $_scs_section_size  }
0x9b: {  	s6 =	simm.s32 $_size__tile_overlayer_lowered;
	s7 =	simm.s32 $_tile_overlayer_lowered  }
0x9c: {  	s23 =	simm.s32 $0x1BFF;
	s22 =	sshll.u32 s7, $0x1;
	s4 =	sadd.s32 s5, s20  }
0x9d: {  	s8 =	simm.s32 $0x0;
	s21 =	sshll.u32 s6, $0x1;
	s6 =	sadd.s32 s22, s4  }
0x9e: {  	[timem:s8], [sflag:s23] =	dma.local [hbm:s6], s21  }
0x9f: {  	_ =	swait.ge [sflag:s23], s21  }
0xa0: {  	s5 =	ssub.s32 $0x0, s21;
	[sflag:s23] =	ssyncset.done $0x0  }
0xa1: {  	[sflag:s23] =	ssyncadd.s32 s5;
	_ =	sdelay $0x1  }
0xa2: {  	s24 =	simm.s32 $0x1B8B  }
0xa3: {  	_ =	swait.ge [sflag:s24], $0x1  }
0xa4: {  	[sflag:s24] =	ssyncset.done $0x0  }
0xa5: {  	s25 =	simm.s32 $0x1B8E;
	[sflag:s24] =	ssyncadd.s32 $0xFFFFFFFF  }
0xa6: {  	s26 =	simm.s32 $execute0_lowered;
	[smem:$0x3FD2] =	sst s25  }
0xa7: {  	s5 =	sshll.u32 s26, $0x1;
	_ =	strace $0x80000046;
	[dreg:$0x1] =	wrdreg $0xFFFFFFFF  }
0xa8: {  	s28 =	simm.s32 $_size_execute0_lowered;
	s4 =	sadd.s32 s4, s5;
	[dreg:$0x0] =	wrdreg $0x0  }
0xa9: {  	s5 =	sshll.u32 s28, $0x1;
	[dreg:$0x2] =	wrdreg s4  }
0xaa: {  	[dreg:$0x3] =	wrdreg s5  }
0xab: {  	[dreg:$0x4] =	wrdreg $0xC0  }
0xac: {  	_ =	task [dreg:s8], $0x5FFFF  }
0xad: {  	[dreg:$0x1] =	wrdreg $0xFFFFFFFF  }
0xae: {  	[dreg:$0x0] =	wrdreg $0x60  }
0xaf: {  	[dreg:$0x2] =	wrdreg s2  }
0xb0: {  	[dreg:$0x3] =	wrdreg s19  }
0xb1: {  	[dreg:$0x4] =	wrdreg $0x2B000  }
0xb2: {  	[dreg:$0x5] =	wrdreg $0x9  }
0xb3: {  	_ =	task.clear_ibuf [dreg:s8], $0x6FFFF;
	_ =	strace $0x90000046  }
0xb4: {  	s29 =	simm.s32 $0x9;
	_ =	strace $0x80000048  }
0xb5: {  	_ =	swait.ge [sflag:s29], $0x1  }
0xb6: {  	[sflag:s29] =	ssyncadd.s32 $0xFFFFFFFF  }
0xb7: {  	_ =	strace $0x90000048  }
0xb8: {  	_ =	sfence  }
0xb9: {  	s30 =	sld [smem:$0x0];
	_ =	sdelay $0x2  }
0xba: {  	s31 =	sshll.u32 s1, $0xD;
	s1 =	sshrl.u32 s1, $0x2  }
0xbb: {  	s3 =	sand.u32 $0x4000, s31;
	s1 =	sadd.s32 s1, s30  }
0xbc: {  	s0 =	sor.u32 s3, s0;
	s1 =	sshll.u32 s1, $0x11  }
0xbd: {  	s0 =	sor.u32 s1, s0  }
0xbe: {  	s0 =	sadd.s32 $0x8F2B, s0  }
0xbf: {  	[sflag:s0] =	ssyncadd.remote.s32 $0x1  }
0xc0: {  	_ =	sfence.sel $0xFFFF  }
0xc1: {  	[dreg:$0x0] =	wrdreg $0xFFFFFFFF;
	(pc) =	sbr.abs _section_cstart, $3  }
0xc2: {  	[dreg:$0x1] =	wrdreg $0xFFFFFFFF  }
0xc3: {  	_ =	task.clear_ibuf [dreg:s8], $0x2FFFF;
	_ =	strace $0x9FFFFFFF  }
0xc4: {  	(tm) =	ssettm $0x7FFFFFFF  }
0xc5: {  	_ =	shalt  }
tec
execute0_lowered:
.L_overlay_start_1:
0x0: {  	(tag) =	ssettag $0x1  }
0x1: {  	s4 =	rddreg [dreg:$0x0]  }
0x2: {  	s6 =	rddreg [dreg:$0x1]  }
0x3: {  	s1 =	rddreg [dreg:$0x2]  }
0x4: {  	s0 =	rddreg [dreg:$0x3]  }
0x5: {  	s3 =	simm.s32 $0x0;
	s5 =	srdreg.scid;
	s2 =	stileid.u32  }
0x6: {  	s12 =	simm.s32 $0x1;
	s15 =	simm.s32 $0x20;
	s16 =	simm.s32 $0x10  }
0x7: {  	s17 =	simm.s32 $0x0;
	[smem:$0x7FF] =	sst s3;
	s9 =	smul.u32 $0x500, s2  }
0x8: {  	s5 =	sand.u32 $0x1, s5;
	s8 =	sshll.u32 s2, $0x1;
	s10 =	smul.u32 $0xA00, s2  }
0x9: {  	s13 =	sshll.u32 s2, $0x6;
	_ =	strace $0x80000047;
	s7 =	ssub.s32 $0x2, s5  }
0xa: {  	s8 =	sor.u32 s5, s8;
	s5 =	sshll.u32 s5, $0x7;
	s13 =	sor.u32 $0x1C02, s13  }
0xb: {  	s11 =	sshrl.u32 s7, $0x1;
	s8 =	smul.u32 $0x500, s8;
	s5 =	sor.u32 s5, s9  }
0xc: {  	s30 =	sshrl.u32 s10, $0x2;
	s9 =	simm.s32 $0x2880;
	s10 =	simm.s32 $0x80  }
0xd: {  	s7 =	ssub.s32 s7, s11;
	s31 =	sshrl.u32 s5, $0x3;
	s5 =	sadd.s32 s30, s1  }
0xe: {  	s11 =	simm.s32 $0x2800;
	s4 =	sadd.s32 s4, s8;
	s6 =	sadd.s32 s6, s31  }
0xf: {  	v0 =	vimm.f32 $1.000000000e+00;
	v1 =	vimm.f32 $0.0e+00;
	s7 =	smax.u32 s7, $0x1;
	s8 =	simm.s32 $0x2;
	s14 =	sshrl.u32 s5, $0x3  }
.LBB2_1:
0x10: {  	[tilespmem:$0x2800] =	vst v0  }
0x11: {  	[tilespmem:$0x2810] =	vst v0  }
0x12: {  	[tilespmem:$0x2820] =	vst v0  }
0x13: {  	[tilespmem:$0x2830] =	vst v0  }
0x14: {  	[tilespmem:$0x2840] =	vst v0  }
0x15: {  	[tilespmem:$0x2850] =	vst v0  }
0x16: {  	[tilespmem:$0x2860] =	vst v0  }
0x17: {  	[tilespmem:$0x2870] =	vst v0  }
0x18: {  	[tilespmem:$0x2880] =	vst v1  }
0x19: {  	[tilespmem:$0x2890] =	vst v1  }
0x1a: {  	[tilespmem:$0x28A0] =	vst v1  }
0x1b: {  	[tilespmem:$0x28B0] =	vst v1  }
0x1c: {  	[tilespmem:$0x28C0] =	vst v1  }
0x1d: {  	[tilespmem:$0x28D0] =	vst v1  }
0x1e: {  	[tilespmem:$0x28E0] =	vst v1  }
0x1f: {  	[tilespmem:$0x28F0] =	vst v1  }
0x20: {  	[tilespmem:$0x2900] =	vst v1  }
0x21: {  	[tilespmem:$0x2910] =	vst v1  }
0x22: {  	[tilespmem:$0x2920] =	vst v1  }
0x23: {  	[tilespmem:$0x2930] =	vst v1  }
0x24: {  	[tilespmem:$0x2940] =	vst v1  }
0x25: {  	[tilespmem:$0x2950] =	vst v1  }
0x26: {  	[tilespmem:$0x2960] =	vst v1  }
0x27: {  	[tilespmem:$0x2970] =	vst v1  }
0x28: {  	[tilespmem:$0x2980] =	vst v1  }
0x29: {  	[tilespmem:$0x2990] =	vst v1  }
0x2a: {  	[tilespmem:$0x29A0] =	vst v1  }
0x2b: {  	[tilespmem:$0x29B0] =	vst v1  }
0x2c: {  	[tilespmem:$0x29C0] =	vst v1  }
0x2d: {  	[tilespmem:$0x29D0] =	vst v1  }
0x2e: {  	[tilespmem:$0x29E0] =	vst v1  }
0x2f: {  	[tilespmem:$0x29F0] =	vst v1  }
0x30: {  	[tilespmem:$0x2A00] =	vst v1  }
0x31: {  	[tilespmem:$0x2A10] =	vst v1  }
0x32: {  	[tilespmem:$0x2A20] =	vst v1  }
0x33: {  	[tilespmem:$0x2A30] =	vst v1  }
0x34: {  	[tilespmem:$0x2A40] =	vst v1  }
0x35: {  	[tilespmem:$0x2A50] =	vst v1  }
0x36: {  	[tilespmem:$0x2A60] =	vst v1  }
0x37: {  	[tilespmem:$0x2A70] =	vst v1  }
0x38: {  	[tilespmem:$0x2A80] =	vst v1  }
0x39: {  	[tilespmem:$0x2A90] =	vst v1  }
0x3a: {  	[tilespmem:$0x2AA0] =	vst v1  }
0x3b: {  	[tilespmem:$0x2AB0] =	vst v1  }
0x3c: {  	[tilespmem:$0x2AC0] =	vst v1  }
0x3d: {  	[tilespmem:$0x2AD0] =	vst v1  }
0x3e: {  	[tilespmem:$0x2AE0] =	vst v1  }
0x3f: {  	[tilespmem:$0x2AF0] =	vst v1  }
0x40: {  	[tilespmem:s3], [sflag:$0x2] =	stream.linear.gather [hbm4b:s4+s3], $0x2800, $0x38;
	[tilespmem:$0x2D80] =	vst v63  }
0x41: {  	_ =	swait.ge [sflag:s8], $0x2800  }
0x42: {  	[sflag:s8] =	ssyncset.done $0x0  }
0x43: {  	[sflag:s8] =	ssyncadd.s32 $0xFFFFD800  }
0x44: {  	[spmem:s5] =	stream.linear.scatter [tilespmem:s9], [sflag:$0x2], $0x280, $0x38;
	[tilespmem:$0x2D80] =	vst v63  }
0x45: {  	_ =	swait.ge [sflag:s8], $0x280  }
0x46: {  	[sflag:s8] =	ssyncset.done $0x0  }
0x47: {  	[sflag:s8] =	ssyncadd.s32 $0xFFFFFD80  }
0x48: {  	s18 =	simm.s32 $0x0;
	[bflag:$0x0] =	sbarrier.arrive $0xFFFF  }
0x49: {  	[spmem:s1] =	stream.indirect.scatter.add.f32 [tilespmem:s11], [sflag:$0x1], $0x1, s18, s10, $0xb8;
	[tilespmem:$0x2D80] =	vst v63  }
0x4a: {  	s29 =	simm.s32 $0x80  }
0x4b: {  	[spmem:s1] =	stream.indirect.scatter.add.f32 [tilespmem:s11], [sflag:$0x1], $0x1, s29, s10, $0xb8;
	[tilespmem:$0x2D80] =	vst v63  }
0x4c: {  	s30 =	simm.s32 $0x100  }
0x4d: {  	[spmem:s1] =	stream.indirect.scatter.add.f32 [tilespmem:s11], [sflag:$0x1], $0x1, s30, s10, $0xb8;
	[tilespmem:$0x2D80] =	vst v63  }
0x4e: {  	s31 =	simm.s32 $0x180  }
0x4f: {  	[spmem:s1] =	stream.indirect.scatter.add.f32 [tilespmem:s11], [sflag:$0x1], $0x1, s31, s10, $0xb8;
	[tilespmem:$0x2D80] =	vst v63  }
0x50: {  	s19 =	simm.s32 $0x200  }
0x51: {  	[spmem:s1] =	stream.indirect.scatter.add.f32 [tilespmem:s11], [sflag:$0x1], $0x1, s19, s10, $0xb8;
	[tilespmem:$0x2D80] =	vst v63  }
0x52: {  	s20 =	simm.s32 $0x280  }
0x53: {  	[spmem:s1] =	stream.indirect.scatter.add.f32 [tilespmem:s11], [sflag:$0x1], $0x1, s20, s10, $0xb8;
	[tilespmem:$0x2D80] =	vst v63  }
0x54: {  	s21 =	simm.s32 $0x300  }
0x55: {  	[spmem:s1] =	stream.indirect.scatter.add.f32 [tilespmem:s11], [sflag:$0x1], $0x1, s21, s10, $0xb8;
	[tilespmem:$0x2D80] =	vst v63  }
0x56: {  	s22 =	simm.s32 $0x380  }
0x57: {  	[spmem:s1] =	stream.indirect.scatter.add.f32 [tilespmem:s11], [sflag:$0x1], $0x1, s22, s10, $0xb8;
	[tilespmem:$0x2D80] =	vst v63  }
0x58: {  	s23 =	simm.s32 $0x400  }
0x59: {  	[spmem:s1] =	stream.indirect.scatter.add.f32 [tilespmem:s11], [sflag:$0x1], $0x1, s23, s10, $0xb8;
	[tilespmem:$0x2D80] =	vst v63  }
0x5a: {  	s24 =	simm.s32 $0x480  }
0x5b: {  	[spmem:s1] =	stream.indirect.scatter.add.f32 [tilespmem:s11], [sflag:$0x1], $0x1, s24, s10, $0xb8;
	[tilespmem:$0x2D80] =	vst v63  }
0x5c: {  	s25 =	simm.s32 $0x500  }
0x5d: {  	[spmem:s1] =	stream.indirect.scatter.add.f32 [tilespmem:s11], [sflag:$0x1], $0x1, s25, s10, $0xb8;
	[tilespmem:$0x2D80] =	vst v63  }
0x5e: {  	s26 =	simm.s32 $0x580  }
0x5f: {  	[spmem:s1] =	stream.indirect.scatter.add.f32 [tilespmem:s11], [sflag:$0x1], $0x1, s26, s10, $0xb8;
	[tilespmem:$0x2D80] =	vst v63  }
0x60: {  	s28 =	simm.s32 $0x600  }
0x61: {  	[spmem:s1] =	stream.indirect.scatter.add.f32 [tilespmem:s11], [sflag:$0x1], $0x1, s28, s10, $0xb8;
	[tilespmem:$0x2D80] =	vst v63  }
0x62: {  	s29 =	simm.s32 $0x680  }
0x63: {  	[spmem:s1] =	stream.indirect.scatter.add.f32 [tilespmem:s11], [sflag:$0x1], $0x1, s29, s10, $0xb8;
	[tilespmem:$0x2D80] =	vst v63  }
0x64: {  	s30 =	simm.s32 $0x700  }
0x65: {  	[spmem:s1] =	stream.indirect.scatter.add.f32 [tilespmem:s11], [sflag:$0x1], $0x1, s30, s10, $0xb8;
	[tilespmem:$0x2D80] =	vst v63  }
0x66: {  	s31 =	simm.s32 $0x780  }
0x67: {  	[spmem:s1] =	stream.indirect.scatter.add.f32 [tilespmem:s11], [sflag:$0x1], $0x1, s31, s10, $0xb8;
	[tilespmem:$0x2D80] =	vst v63  }
0x68: {  	_ =	swait.ge [sflag:s12], $0x80  }
0x69: {  	[sflag:s12] =	ssyncset.done $0x0  }
0x6a: {  	[sflag:s12] =	ssyncadd.s32 $0xFFFFFF80  }
0x6b: {  	_ =	swait.ge [sflag:s12], $0x80  }
0x6c: {  	[sflag:s12] =	ssyncset.done $0x0  }
0x6d: {  	[sflag:s12] =	ssyncadd.s32 $0xFFFFFF80  }
0x6e: {  	_ =	swait.ge [sflag:s12], $0x80  }
0x6f: {  	[sflag:s12] =	ssyncset.done $0x0  }
0x70: {  	[sflag:s12] =	ssyncadd.s32 $0xFFFFFF80  }
0x71: {  	_ =	swait.ge [sflag:s12], $0x80  }
0x72: {  	[sflag:s12] =	ssyncset.done $0x0  }
0x73: {  	[sflag:s12] =	ssyncadd.s32 $0xFFFFFF80  }
0x74: {  	_ =	swait.ge [sflag:s12], $0x80  }
0x75: {  	[sflag:s12] =	ssyncset.done $0x0  }
0x76: {  	[sflag:s12] =	ssyncadd.s32 $0xFFFFFF80  }
0x77: {  	_ =	swait.ge [sflag:s12], $0x80  }
0x78: {  	[sflag:s12] =	ssyncset.done $0x0  }
0x79: {  	[sflag:s12] =	ssyncadd.s32 $0xFFFFFF80  }
0x7a: {  	_ =	swait.ge [sflag:s12], $0x80  }
0x7b: {  	[sflag:s12] =	ssyncset.done $0x0  }
0x7c: {  	[sflag:s12] =	ssyncadd.s32 $0xFFFFFF80  }
0x7d: {  	_ =	swait.ge [sflag:s12], $0x80  }
0x7e: {  	[sflag:s12] =	ssyncset.done $0x0  }
0x7f: {  	[sflag:s12] =	ssyncadd.s32 $0xFFFFFF80  }
0x80: {  	_ =	swait.ge [sflag:s12], $0x80  }
0x81: {  	[sflag:s12] =	ssyncset.done $0x0  }
0x82: {  	[sflag:s12] =	ssyncadd.s32 $0xFFFFFF80  }
0x83: {  	_ =	swait.ge [sflag:s12], $0x80  }
0x84: {  	[sflag:s12] =	ssyncset.done $0x0  }
0x85: {  	[sflag:s12] =	ssyncadd.s32 $0xFFFFFF80  }
0x86: {  	_ =	swait.ge [sflag:s12], $0x80  }
0x87: {  	[sflag:s12] =	ssyncset.done $0x0  }
0x88: {  	[sflag:s12] =	ssyncadd.s32 $0xFFFFFF80  }
0x89: {  	_ =	swait.ge [sflag:s12], $0x80  }
0x8a: {  	[sflag:s12] =	ssyncset.done $0x0  }
0x8b: {  	[sflag:s12] =	ssyncadd.s32 $0xFFFFFF80  }
0x8c: {  	_ =	swait.ge [sflag:s12], $0x80  }
0x8d: {  	[sflag:s12] =	ssyncset.done $0x0  }
0x8e: {  	[sflag:s12] =	ssyncadd.s32 $0xFFFFFF80  }
0x8f: {  	_ =	swait.ge [sflag:s12], $0x80  }
0x90: {  	[sflag:s12] =	ssyncset.done $0x0  }
0x91: {  	[sflag:s12] =	ssyncadd.s32 $0xFFFFFF80  }
0x92: {  	_ =	swait.ge [sflag:s12], $0x80  }
0x93: {  	[sflag:s12] =	ssyncset.done $0x0  }
0x94: {  	[sflag:s12] =	ssyncadd.s32 $0xFFFFFF80  }
0x95: {  	_ =	swait.ge [sflag:s12], $0x80  }
0x96: {  	s18 =	simm.s32 $0x2000;
	s21 =	simm.s32 $0x4000;
	[sflag:s12] =	ssyncset.done $0x0  }
.LBB2_2:
0x97: {  	s20 =	sshra.s32 s18, $0x2  }
0x98: {  	[sflag:s12] =	ssyncadd.s32 $0xFFFFFF80;
	s18 =	smov.u32 s21;
	s19 =	sadd.s32 $0x2000, s21  }
0x99: {  	[spmem:s1] =	stream.indirect.scatter.add.f32 [tilespmem:s11], [sflag:$0x1], $0x1, s20, s10, $0xb8;
	[tilespmem:$0x2D80] =	vst v63  }
0x9a: {  	p0 =	sne.s32 s21, $0x8000;
	s21 =	sadd.s32 $0x80, s20  }
0x9b: {  	[spmem:s1] =	stream.indirect.scatter.add.f32 [tilespmem:s11], [sflag:$0x1], $0x1, s21, s10, $0xb8;
	[tilespmem:$0x2D80] =	vst v63  }
0x9c: {  	s21 =	sadd.s32 $0x100, s20  }
0x9d: {  	[spmem:s1] =	stream.indirect.scatter.add.f32 [tilespmem:s11], [sflag:$0x1], $0x1, s21, s10, $0xb8;
	[tilespmem:$0x2D80] =	vst v63  }
0x9e: {  	s21 =	sadd.s32 $0x180, s20  }
0x9f: {  	[spmem:s1] =	stream.indirect.scatter.add.f32 [tilespmem:s11], [sflag:$0x1], $0x1, s21, s10, $0xb8;
	[tilespmem:$0x2D80] =	vst v63  }
0xa0: {  	s21 =	sadd.s32 $0x200, s20  }
0xa1: {  	[spmem:s1] =	stream.indirect.scatter.add.f32 [tilespmem:s11], [sflag:$0x1], $0x1, s21, s10, $0xb8;
	[tilespmem:$0x2D80] =	vst v63  }
0xa2: {  	s21 =	sadd.s32 $0x280, s20  }
0xa3: {  	[spmem:s1] =	stream.indirect.scatter.add.f32 [tilespmem:s11], [sflag:$0x1], $0x1, s21, s10, $0xb8;
	[tilespmem:$0x2D80] =	vst v63  }
0xa4: {  	s21 =	sadd.s32 $0x300, s20  }
0xa5: {  	[spmem:s1] =	stream.indirect.scatter.add.f32 [tilespmem:s11], [sflag:$0x1], $0x1, s21, s10, $0xb8;
	[tilespmem:$0x2D80] =	vst v63  }
0xa6: {  	s21 =	sadd.s32 $0x380, s20  }
0xa7: {  	[spmem:s1] =	stream.indirect.scatter.add.f32 [tilespmem:s11], [sflag:$0x1], $0x1, s21, s10, $0xb8;
	[tilespmem:$0x2D80] =	vst v63  }
0xa8: {  	s21 =	sadd.s32 $0x400, s20  }
0xa9: {  	[spmem:s1] =	stream.indirect.scatter.add.f32 [tilespmem:s11], [sflag:$0x1], $0x1, s21, s10, $0xb8;
	[tilespmem:$0x2D80] =	vst v63  }
0xaa: {  	s21 =	sadd.s32 $0x480, s20  }
0xab: {  	[spmem:s1] =	stream.indirect.scatter.add.f32 [tilespmem:s11], [sflag:$0x1], $0x1, s21, s10, $0xb8;
	[tilespmem:$0x2D80] =	vst v63  }
0xac: {  	s21 =	sadd.s32 $0x500, s20  }
0xad: {  	[spmem:s1] =	stream.indirect.scatter.add.f32 [tilespmem:s11], [sflag:$0x1], $0x1, s21, s10, $0xb8;
	[tilespmem:$0x2D80] =	vst v63  }
0xae: {  	s21 =	sadd.s32 $0x580, s20  }
0xaf: {  	[spmem:s1] =	stream.indirect.scatter.add.f32 [tilespmem:s11], [sflag:$0x1], $0x1, s21, s10, $0xb8;
	[tilespmem:$0x2D80] =	vst v63  }
0xb0: {  	s21 =	sadd.s32 $0x600, s20  }
0xb1: {  	[spmem:s1] =	stream.indirect.scatter.add.f32 [tilespmem:s11], [sflag:$0x1], $0x1, s21, s10, $0xb8;
	[tilespmem:$0x2D80] =	vst v63  }
0xb2: {  	s21 =	sadd.s32 $0x680, s20  }
0xb3: {  	[spmem:s1] =	stream.indirect.scatter.add.f32 [tilespmem:s11], [sflag:$0x1], $0x1, s21, s10, $0xb8;
	[tilespmem:$0x2D80] =	vst v63  }
0xb4: {  	s21 =	sadd.s32 $0x700, s20  }
0xb5: {  	[spmem:s1] =	stream.indirect.scatter.add.f32 [tilespmem:s11], [sflag:$0x1], $0x1, s21, s10, $0xb8;
	[tilespmem:$0x2D80] =	vst v63  }
0xb6: {  	s20 =	sadd.s32 $0x780, s20  }
0xb7: {  	[spmem:s1] =	stream.indirect.scatter.add.f32 [tilespmem:s11], [sflag:$0x1], $0x1, s20, s10, $0xb8;
	[tilespmem:$0x2D80] =	vst v63  }
0xb8: {  	_ =	swait.ge [sflag:s12], $0x80  }
0xb9: {  	[sflag:s12] =	ssyncset.done $0x0  }
0xba: {  	[sflag:s12] =	ssyncadd.s32 $0xFFFFFF80  }
0xbb: {  	_ =	swait.ge [sflag:s12], $0x80  }
0xbc: {  	[sflag:s12] =	ssyncset.done $0x0  }
0xbd: {  	[sflag:s12] =	ssyncadd.s32 $0xFFFFFF80  }
0xbe: {  	_ =	swait.ge [sflag:s12], $0x80  }
0xbf: {  	[sflag:s12] =	ssyncset.done $0x0  }
0xc0: {  	[sflag:s12] =	ssyncadd.s32 $0xFFFFFF80  }
0xc1: {  	_ =	swait.ge [sflag:s12], $0x80  }
0xc2: {  	[sflag:s12] =	ssyncset.done $0x0  }
0xc3: {  	[sflag:s12] =	ssyncadd.s32 $0xFFFFFF80  }
0xc4: {  	_ =	swait.ge [sflag:s12], $0x80  }
0xc5: {  	[sflag:s12] =	ssyncset.done $0x0  }
0xc6: {  	[sflag:s12] =	ssyncadd.s32 $0xFFFFFF80  }
0xc7: {  	_ =	swait.ge [sflag:s12], $0x80  }
0xc8: {  	[sflag:s12] =	ssyncset.done $0x0  }
0xc9: {  	[sflag:s12] =	ssyncadd.s32 $0xFFFFFF80  }
0xca: {  	_ =	swait.ge [sflag:s12], $0x80  }
0xcb: {  	[sflag:s12] =	ssyncset.done $0x0  }
0xcc: {  	[sflag:s12] =	ssyncadd.s32 $0xFFFFFF80  }
0xcd: {  	_ =	swait.ge [sflag:s12], $0x80  }
0xce: {  	[sflag:s12] =	ssyncset.done $0x0  }
0xcf: {  	[sflag:s12] =	ssyncadd.s32 $0xFFFFFF80  }
0xd0: {  	_ =	swait.ge [sflag:s12], $0x80  }
0xd1: {  	[sflag:s12] =	ssyncset.done $0x0  }
0xd2: {  	[sflag:s12] =	ssyncadd.s32 $0xFFFFFF80  }
0xd3: {  	_ =	swait.ge [sflag:s12], $0x80  }
0xd4: {  	[sflag:s12] =	ssyncset.done $0x0  }
0xd5: {  	[sflag:s12] =	ssyncadd.s32 $0xFFFFFF80  }
0xd6: {  	_ =	swait.ge [sflag:s12], $0x80  }
0xd7: {  	[sflag:s12] =	ssyncset.done $0x0  }
0xd8: {  	[sflag:s12] =	ssyncadd.s32 $0xFFFFFF80  }
0xd9: {  	_ =	swait.ge [sflag:s12], $0x80  }
0xda: {  	[sflag:s12] =	ssyncset.done $0x0  }
0xdb: {  	[sflag:s12] =	ssyncadd.s32 $0xFFFFFF80  }
0xdc: {  	_ =	swait.ge [sflag:s12], $0x80  }
0xdd: {  	[sflag:s12] =	ssyncset.done $0x0  }
0xde: {  	[sflag:s12] =	ssyncadd.s32 $0xFFFFFF80  }
0xdf: {  	_ =	swait.ge [sflag:s12], $0x80  }
0xe0: {  	[sflag:s12] =	ssyncset.done $0x0  }
0xe1: {  	[sflag:s12] =	ssyncadd.s32 $0xFFFFFF80  }
.Ltmp0:
0xe2: {  	_ =	swait.ge [sflag:s12], $0x80;
	(pc) =	sbr.rel @p0 .LBB2_2-.Ltmp0, $4  }
0xe3: {  	[sflag:s12] =	ssyncset.done $0x0  }
0xe4: {  	[sflag:s12] =	ssyncadd.s32 $0xFFFFFF80  }
0xe5: {  	_ =	swait.ge [sflag:s12], $0x80  }
0xe6: {  	s21 =	smov.u32 s19;
	[sflag:s12] =	ssyncset.done $0x0  }
0xe7: {  	s18 =	sshra.s32 s18, $0x2;
	[sflag:s12] =	ssyncadd.s32 $0xFFFFFF80  }
0xe8: {  	[spmem:s1] =	stream.indirect.scatter.add.f32 [tilespmem:s11], [sflag:$0x1], $0x1, s18, s10, $0xb8;
	[tilespmem:$0x2D80] =	vst v63  }
0xe9: {  	s19 =	sadd.s32 $0x80, s18  }
0xea: {  	[spmem:s1] =	stream.indirect.scatter.add.f32 [tilespmem:s11], [sflag:$0x1], $0x1, s19, s10, $0xb8;
	[tilespmem:$0x2D80] =	vst v63  }
0xeb: {  	s30 =	sadd.s32 $0x100, s18  }
0xec: {  	[spmem:s1] =	stream.indirect.scatter.add.f32 [tilespmem:s11], [sflag:$0x1], $0x1, s30, s10, $0xb8;
	[tilespmem:$0x2D80] =	vst v63  }
0xed: {  	s31 =	sadd.s32 $0x180, s18  }
0xee: {  	[spmem:s1] =	stream.indirect.scatter.add.f32 [tilespmem:s11], [sflag:$0x1], $0x1, s31, s10, $0xb8;
	[tilespmem:$0x2D80] =	vst v63  }
0xef: {  	s20 =	sadd.s32 $0x200, s18  }
0xf0: {  	[spmem:s1] =	stream.indirect.scatter.add.f32 [tilespmem:s11], [sflag:$0x1], $0x1, s20, s10, $0xb8;
	[tilespmem:$0x2D80] =	vst v63  }
0xf1: {  	s21 =	sadd.s32 $0x280, s18  }
0xf2: {  	[spmem:s1] =	stream.indirect.scatter.add.f32 [tilespmem:s11], [sflag:$0x1], $0x1, s21, s10, $0xb8;
	[tilespmem:$0x2D80] =	vst v63  }
0xf3: {  	s22 =	sadd.s32 $0x300, s18  }
0xf4: {  	[spmem:s1] =	stream.indirect.scatter.add.f32 [tilespmem:s11], [sflag:$0x1], $0x1, s22, s10, $0xb8;
	[tilespmem:$0x2D80] =	vst v63  }
0xf5: {  	s23 =	sadd.s32 $0x380, s18  }
0xf6: {  	[spmem:s1] =	stream.indirect.scatter.add.f32 [tilespmem:s11], [sflag:$0x1], $0x1, s23, s10, $0xb8;
	[tilespmem:$0x2D80] =	vst v63  }
0xf7: {  	s24 =	sadd.s32 $0x400, s18  }
0xf8: {  	[spmem:s1] =	stream.indirect.scatter.add.f32 [tilespmem:s11], [sflag:$0x1], $0x1, s24, s10, $0xb8;
	[tilespmem:$0x2D80] =	vst v63  }
0xf9: {  	s25 =	sadd.s32 $0x480, s18  }
0xfa: {  	[spmem:s1] =	stream.indirect.scatter.add.f32 [tilespmem:s11], [sflag:$0x1], $0x1, s25, s10, $0xb8;
	[tilespmem:$0x2D80] =	vst v63  }
0xfb: {  	s26 =	sadd.s32 $0x500, s18  }
0xfc: {  	[spmem:s1] =	stream.indirect.scatter.add.f32 [tilespmem:s11], [sflag:$0x1], $0x1, s26, s10, $0xb8;
	[tilespmem:$0x2D80] =	vst v63  }
0xfd: {  	s28 =	sadd.s32 $0x580, s18  }
0xfe: {  	[spmem:s1] =	stream.indirect.scatter.add.f32 [tilespmem:s11], [sflag:$0x1], $0x1, s28, s10, $0xb8;
	[tilespmem:$0x2D80] =	vst v63  }
0xff: {  	s29 =	sadd.s32 $0x600, s18  }
0x100: {  	[spmem:s1] =	stream.indirect.scatter.add.f32 [tilespmem:s11], [sflag:$0x1], $0x1, s29, s10, $0xb8;
	[tilespmem:$0x2D80] =	vst v63  }
0x101: {  	s30 =	sadd.s32 $0x680, s18  }
0x102: {  	[spmem:s1] =	stream.indirect.scatter.add.f32 [tilespmem:s11], [sflag:$0x1], $0x1, s30, s10, $0xb8;
	[tilespmem:$0x2D80] =	vst v63  }
0x103: {  	s31 =	sadd.s32 $0x700, s18  }
0x104: {  	[spmem:s1] =	stream.indirect.scatter.add.f32 [tilespmem:s11], [sflag:$0x1], $0x1, s31, s10, $0xb8;
	[tilespmem:$0x2D80] =	vst v63  }
0x105: {  	s18 =	sadd.s32 $0x780, s18  }
0x106: {  	[spmem:s1] =	stream.indirect.scatter.add.f32 [tilespmem:s11], [sflag:$0x1], $0x1, s18, s10, $0xb8;
	[tilespmem:$0x2D80] =	vst v63  }
0x107: {  	_ =	swait.ge [sflag:s12], $0x80  }
0x108: {  	[sflag:s12] =	ssyncset.done $0x0  }
0x109: {  	[sflag:s12] =	ssyncadd.s32 $0xFFFFFF80  }
0x10a: {  	_ =	swait.ge [sflag:s12], $0x80  }
0x10b: {  	[sflag:s12] =	ssyncset.done $0x0  }
0x10c: {  	[sflag:s12] =	ssyncadd.s32 $0xFFFFFF80  }
0x10d: {  	_ =	swait.ge [sflag:s12], $0x80  }
0x10e: {  	[sflag:s12] =	ssyncset.done $0x0  }
0x10f: {  	[sflag:s12] =	ssyncadd.s32 $0xFFFFFF80  }
0x110: {  	_ =	swait.ge [sflag:s12], $0x80  }
0x111: {  	[sflag:s12] =	ssyncset.done $0x0  }
0x112: {  	[sflag:s12] =	ssyncadd.s32 $0xFFFFFF80  }
0x113: {  	_ =	swait.ge [sflag:s12], $0x80  }
0x114: {  	[sflag:s12] =	ssyncset.done $0x0  }
0x115: {  	[sflag:s12] =	ssyncadd.s32 $0xFFFFFF80  }
0x116: {  	_ =	swait.ge [sflag:s12], $0x80  }
0x117: {  	[sflag:s12] =	ssyncset.done $0x0  }
0x118: {  	[sflag:s12] =	ssyncadd.s32 $0xFFFFFF80  }
0x119: {  	_ =	swait.ge [sflag:s12], $0x80  }
0x11a: {  	[sflag:s12] =	ssyncset.done $0x0  }
0x11b: {  	[sflag:s12] =	ssyncadd.s32 $0xFFFFFF80  }
0x11c: {  	_ =	swait.ge [sflag:s12], $0x80  }
0x11d: {  	[sflag:s12] =	ssyncset.done $0x0  }
0x11e: {  	[sflag:s12] =	ssyncadd.s32 $0xFFFFFF80  }
0x11f: {  	_ =	swait.ge [sflag:s12], $0x80  }
0x120: {  	[sflag:s12] =	ssyncset.done $0x0  }
0x121: {  	[sflag:s12] =	ssyncadd.s32 $0xFFFFFF80  }
0x122: {  	_ =	swait.ge [sflag:s12], $0x80  }
0x123: {  	[sflag:s12] =	ssyncset.done $0x0  }
0x124: {  	[sflag:s12] =	ssyncadd.s32 $0xFFFFFF80  }
0x125: {  	_ =	swait.ge [sflag:s12], $0x80  }
0x126: {  	[sflag:s12] =	ssyncset.done $0x0  }
0x127: {  	[sflag:s12] =	ssyncadd.s32 $0xFFFFFF80  }
0x128: {  	_ =	swait.ge [sflag:s12], $0x80  }
0x129: {  	[sflag:s12] =	ssyncset.done $0x0  }
0x12a: {  	[sflag:s12] =	ssyncadd.s32 $0xFFFFFF80  }
0x12b: {  	_ =	swait.ge [sflag:s12], $0x80  }
0x12c: {  	[sflag:s12] =	ssyncset.done $0x0  }
0x12d: {  	[sflag:s12] =	ssyncadd.s32 $0xFFFFFF80  }
0x12e: {  	_ =	swait.ge [sflag:s12], $0x80  }
0x12f: {  	[sflag:s12] =	ssyncset.done $0x0  }
0x130: {  	[sflag:s12] =	ssyncadd.s32 $0xFFFFFF80  }
0x131: {  	_ =	swait.ge [sflag:s12], $0x80  }
0x132: {  	[sflag:s12] =	ssyncset.done $0x0  }
0x133: {  	[sflag:s12] =	ssyncadd.s32 $0xFFFFFF80  }
0x134: {  	_ =	swait.ge [sflag:s12], $0x80  }
0x135: {  	s17 =	sadd.s32 $0x1, s17;
	[sflag:s12] =	ssyncset.done $0x0  }
0x136: {  	p0 =	sne.s32 s17, s7;
	[sflag:s12] =	ssyncadd.s32 $0xFFFFFF80  }
.Ltmp1:
0x137: {  	[bflag:$0x0] =	sbarrier.arrive $0xFFFF;
	(pc) =	sbr.rel @p0 .LBB2_1-.Ltmp1, $4  }
0x138: {  	[hbm:s6@s15], [sflag:s13] =	dma.strided [spmem:s14@s16], $0x50, s12, $0x10   }
0x139: {  	_ =	swait.ge [sflag:s8], $0x50  }
0x13a: {  	[sflag:s8] =	ssyncset.done $0x0  }
0x13b: {  	[sflag:s8] =	ssyncadd.s32 $0xFFFFFFB0  }
0x13c: {  	_ =	sfence.sel $0x180000  }
0x13d: {  	[bflag:$0x0] =	sbarrier.arrive $0xFFFF  }
0x13e: {  	p0 =	sne.s32 s2, $0x0;
	_ =	strace $0x90000047  }
0x13f: {  	s0 =	sadd.s32 @!p0 $0x100000, s0;
	[bflag:$0x2] =	sbarrier.arrive $0xFFFF  }
0x140: {  	[sflag:s0] =	ssyncadd.tile.s32 @!p0 $0x1;
	_ =	shalt  }
.Lfunc_end2:
_tile_overlayer_lowered:
.L_overlay_start_2:
0x141: {  	(tag) =	ssettag $0x2  }
0x142: {  	s0 =	rddreg [dreg:$0x0];
	s2 =	stileid.u32  }
0x143: {  	s1 =	rddreg [dreg:$0x1];
	p0 =	sne.s32 s2, $0x0  }
0x144: {  	s3 =	rddreg [dreg:$0x2];
	[bflag:$0x3] =	sbarrier.arrive $0xFFFF;
	s2 =	simm.s32 @!p0 $0x1C02  }
0x145: {  	[timem:s3], [sflag:s2] =	dma.local @!p0 [hbm:s0], s1  }
0x146: {  	s0 =	simm.s32 @!p0 $0x2  }
0x147: {  	_ =	swait.ge @!p0 [sflag:s0], s1  }
0x148: {  	s1 =	ssub.s32 @!p0 $0x0, s1;
	[sflag:s0] =	ssyncset.done @!p0 $0x0  }
0x149: {  	[sflag:s0] =	ssyncadd.s32 @!p0 s1  }
0x14a: {  	[bflag:$0x3] =	sbarrier.arrive $0xFFFF  }
0x14b: {  	_ =	shalt  }

</sc_bundles>
